<compile_context>
chip_gen: v7x
topology: tpu7x:2x2x1
jax: 0.10.2.dev20260603
libtpu: 0.0.44.dev20260713+nightly
codegen_flags: <defaults>
</compile_context>

<pallas_src>
import functools

import jax
import jax.numpy as jnp
from jax import lax
from jax.experimental import pallas as pl
from jax.experimental.pallas import tpu as pltpu
from jax.experimental.pallas import tpu_sc as plsc

N = 10000
D = 128
E = 320000

NC = 2
NS = 16
H = 5120
N_PAD = NC * H
STRIPE = H // NS

K = 128
EPT = 20480
CHUNKS = EPT // K
E_PAD = NS * EPT
SENT = -1
NBUF = 4
IB = 8


@functools.cache
def _sc_kernels():
    mesh = plsc.VectorSubcoreMesh(
        core_axis_name="c", subcore_axis_name="s",
        num_cores=NC, num_subcores=NS)

    @functools.partial(
        pl.kernel,
        out_type=jax.ShapeDtypeStruct((N_PAD, D), jnp.float32),
        mesh=mesh,
        scratch_types=[
            pltpu.VMEM((CHUNKS, K), jnp.int32),
            pltpu.VMEM((CHUNKS, K), jnp.int32),
            pltpu.VMEM((K, D), jnp.float32),
            pltpu.VMEM((K, D), jnp.float32),
            pltpu.SemaphoreType.DMA,
            pltpu.SemaphoreType.DMA,
            pltpu.VMEM_SHARED((H, D), jnp.float32),
        ],
    )
    def deg_kernel(srcd_hbm, dstd_hbm, e0_hbm, e1_hbm, zeros_hbm, out,
                   idx_s, idx_d, e0_v, e1_v, sem0, sem1, hist):
        c = lax.axis_index("c")
        s = lax.axis_index("s")
        pltpu.sync_copy(zeros_hbm, hist.at[pl.ds(s * STRIPE, STRIPE)])
        pltpu.sync_copy(srcd_hbm.at[c, s], idx_s)
        pltpu.sync_copy(dstd_hbm.at[c, s], idx_d)
        pltpu.sync_copy(e0_hbm, e0_v)
        pltpu.sync_copy(e1_hbm, e1_v)
        plsc.subcore_barrier()

        @pl.loop(0, CHUNKS, step=8)
        def _(ci0):
            ds = []
            for j in range(8):
                ds.append(pltpu.async_copy(
                    e0_v,
                    hist.at[plsc.Indices(idx_s.at[ci0 + j],
                                         ignored_value=SENT)],
                    sem0, add=True))
                ds.append(pltpu.async_copy(
                    e1_v,
                    hist.at[plsc.Indices(idx_d.at[ci0 + j],
                                         ignored_value=SENT)],
                    sem1, add=True))
            for d in ds:
                d.wait()

        plsc.subcore_barrier()
        pltpu.sync_copy(hist.at[pl.ds(s * STRIPE, STRIPE)],
                        out.at[pl.ds(c * H + s * STRIPE, STRIPE)])

    @functools.partial(
        pl.kernel,
        out_type=jax.ShapeDtypeStruct((N_PAD, D), jnp.float32),
        mesh=mesh,
        scratch_types=[
            pltpu.VMEM((IB, K), jnp.int32),
            pltpu.VMEM((IB, K), jnp.int32),
            [pltpu.VMEM((K, D), jnp.float32)] * NBUF,
            [pltpu.SemaphoreType.DMA] * NBUF,
            pltpu.VMEM_SHARED((H, D), jnp.float32),
        ],
    )
    def edge_kernel(h_hbm, srcg_hbm, dstd_hbm, zeros_hbm, out,
                    idx_s, idx_d, rows, gsem, agg):
        c = lax.axis_index("c")
        s = lax.axis_index("s")
        pltpu.sync_copy(zeros_hbm, agg.at[pl.ds(s * STRIPE, STRIPE)])
        plsc.subcore_barrier()

        @pl.loop(0, CHUNKS, step=IB)
        def _(cb):
            pltpu.sync_copy(srcg_hbm.at[c, s, pl.ds(cb, IB)], idx_s)
            pltpu.sync_copy(dstd_hbm.at[c, s, pl.ds(cb, IB)], idx_d)
            ds = [pltpu.async_copy(
                      h_hbm.at[plsc.Indices(idx_s.at[b],
                                            ignored_value=SENT)],
                      rows[b], gsem[b])
                  for b in range(NBUF)]
            for j in range(IB):
                b = j % NBUF
                ds[b].wait()
                pltpu.sync_copy(
                    rows[b],
                    agg.at[plsc.Indices(idx_d.at[j], ignored_value=SENT)],
                    add=True)
                if j + NBUF < IB:
                    ds[b] = pltpu.async_copy(
                        h_hbm.at[plsc.Indices(idx_s.at[j + NBUF],
                                              ignored_value=SENT)],
                        rows[b], gsem[b])

        plsc.subcore_barrier()
        pltpu.sync_copy(agg.at[pl.ds(s * STRIPE, STRIPE)],
                        out.at[pl.ds(c * H + s * STRIPE, STRIPE)])

    return deg_kernel, edge_kernel



BN = 256
NB = N_PAD // BN


def _elu(t):
    return jnp.where(t > 0, t, jnp.exp(jnp.minimum(t, 0.0)) - 1.0)


def _norms(deg_ref):
    ds_ = deg_ref[:, 0:1]
    dd_ = deg_ref[:, 1:2]
    ns = jnp.where(ds_ > 0, lax.rsqrt(jnp.maximum(ds_, 1.0)), 0.0)
    nd = jnp.where(dd_ > 0, lax.rsqrt(jnp.maximum(dd_, 1.0)), 0.0)
    return ns, nd


def _pre_body(x_ref, w_ref, o_ref):
    o_ref[...] = jnp.dot(x_ref[...], w_ref[...],
                         preferred_element_type=jnp.float32)


_pre_call = pl.pallas_call(
    _pre_body,
    grid=(NB,),
    in_specs=[
        pl.BlockSpec((BN, D), lambda i: (i, 0)),
        pl.BlockSpec((D, D), lambda i: (0, 0)),
    ],
    out_specs=pl.BlockSpec((BN, D), lambda i: (i, 0)),
    out_shape=jax.ShapeDtypeStruct((N_PAD, D), jnp.float32),
)


def _h0_body(xw_ref, deg_ref, o_ref):
    ns, _ = _norms(deg_ref)
    o_ref[...] = xw_ref[...] * ns


_h0_call = pl.pallas_call(
    _h0_body,
    grid=(NB,),
    in_specs=[
        pl.BlockSpec((BN, D), lambda i: (i, 0)),
        pl.BlockSpec((BN, D), lambda i: (i, 0)),
    ],
    out_specs=pl.BlockSpec((BN, D), lambda i: (i, 0)),
    out_shape=jax.ShapeDtypeStruct((N_PAD, D), jnp.float32),
)


def _layer_body(p_ref, deg_ref, b_ref, w_ref, o_ref):
    ns, nd = _norms(deg_ref)
    t = _elu(p_ref[...] * nd + b_ref[...])
    o_ref[...] = jnp.dot(t * ns, w_ref[...],
                         preferred_element_type=jnp.float32)


_layer_call = pl.pallas_call(
    _layer_body,
    grid=(NB,),
    in_specs=[
        pl.BlockSpec((BN, D), lambda i: (i, 0)),
        pl.BlockSpec((BN, D), lambda i: (i, 0)),
        pl.BlockSpec((1, D), lambda i: (0, 0)),
        pl.BlockSpec((D, D), lambda i: (0, 0)),
    ],
    out_specs=pl.BlockSpec((BN, D), lambda i: (i, 0)),
    out_shape=jax.ShapeDtypeStruct((N_PAD, D), jnp.float32),
)


def _final_body(p_ref, deg_ref, b_ref, wl_ref, bl_ref, o_ref):
    _, nd = _norms(deg_ref)
    t = _elu(p_ref[...] * nd + b_ref[...])
    o_ref[...] = jnp.dot(t, wl_ref[...],
                         preferred_element_type=jnp.float32) + bl_ref[...]


_final_call = pl.pallas_call(
    _final_body,
    grid=(NB,),
    in_specs=[
        pl.BlockSpec((BN, D), lambda i: (i, 0)),
        pl.BlockSpec((BN, D), lambda i: (i, 0)),
        pl.BlockSpec((1, D), lambda i: (0, 0)),
        pl.BlockSpec((D, D), lambda i: (0, 0)),
        pl.BlockSpec((1, D), lambda i: (0, 0)),
    ],
    out_specs=pl.BlockSpec((BN, D), lambda i: (i, 0)),
    out_shape=jax.ShapeDtypeStruct((N_PAD, D), jnp.float32),
)



def kernel(x, edge_index, W0, b0, W1, b1, W2, b2, Wl, bl):
    src = edge_index[0].astype(jnp.int32)
    dst = edge_index[1].astype(jnp.int32)
    npad = E_PAD - E
    src_g = jnp.concatenate([src, jnp.zeros((npad,), jnp.int32)])
    dst_p = jnp.concatenate([dst, jnp.full((npad,), SENT, jnp.int32)])
    src_p = jnp.concatenate([src, jnp.full((npad,), SENT, jnp.int32)])

    def remap(idx, c):
        lo, hi = c * H, (c + 1) * H
        ok = (idx >= lo) & (idx < hi)
        return jnp.where(ok, idx - lo, SENT)
    srcd_t = jnp.stack([remap(src_p, 0), remap(src_p, 1)]).reshape(
        NC, NS, CHUNKS, K)
    dstd_t = jnp.stack([remap(dst_p, 0), remap(dst_p, 1)]).reshape(
        NC, NS, CHUNKS, K)
    def gfilt(c):
        lo, hi = c * H, (c + 1) * H
        ok = (dst_p >= lo) & (dst_p < hi)
        return jnp.where(ok, src_g, SENT)
    srcg_t = jnp.stack([gfilt(0), gfilt(1)]).reshape(NC, NS, CHUNKS, K)

    zerosD = jnp.zeros((STRIPE, D), jnp.float32)

    deg_kernel, edge_kernel = _sc_kernels()
    col = jnp.arange(D, dtype=jnp.int32)
    e0 = jnp.broadcast_to((col == 0).astype(jnp.float32), (K, D))
    e1 = jnp.broadcast_to((col == 1).astype(jnp.float32), (K, D))
    deg = deg_kernel(srcd_t, dstd_t, e0, e1, zerosD)

    x_pad = jnp.pad(x, ((0, N_PAD - N), (0, 0)))
    b0r = b0.reshape(1, D)
    b1r = b1.reshape(1, D)
    b2r = b2.reshape(1, D)
    blr = bl.reshape(1, D)

    xw0 = _pre_call(x_pad, W0)
    h = _h0_call(xw0, deg)
    p = edge_kernel(h, srcg_t, dstd_t, zerosD)
    h = _layer_call(p, deg, b0r, W1)
    p = edge_kernel(h, srcg_t, dstd_t, zerosD)
    h = _layer_call(p, deg, b1r, W2)
    p = edge_kernel(h, srcg_t, dstd_t, zerosD)
    out = _final_call(p, deg, b2r, Wl, blr)
    return out[:N]

# --- scband reference (transcript-rebuilt; emitter-appended) ---
"""Pipeline reference for scband-gate-gcn-29411936043365 (READ-ONLY COPY).

The authoritative reference and input builder live on the scoring server;
editing this copy changes nothing except your own understanding.
"""

import jax, jax.numpy as jnp
import numpy as np

N_NODES = 10000
N_EDGES = 320000
D = 128


def _gcn_layer(x, W, b, src, dst, n):
    # DGL GraphConv with norm='both', weight=True, bias=True
    ones = jnp.ones((src.shape[0],), dtype=x.dtype)
    deg_out = jax.ops.segment_sum(ones, src, num_segments=n)
    deg_in = jax.ops.segment_sum(ones, dst, num_segments=n)
    norm_src = jnp.where(deg_out > 0, jnp.power(jnp.maximum(deg_out, 1.0), -0.5), 0.0)
    norm_dst = jnp.where(deg_in > 0, jnp.power(jnp.maximum(deg_in, 1.0), -0.5), 0.0)
    h = x * norm_src[:, None]
    h = h @ W  # in_dim == out_dim so mult-first vs mult-last is equivalent math
    msgs = h[src]  # gather over edges
    agg = jax.ops.segment_sum(msgs, dst, num_segments=n)  # scatter-add
    return agg * norm_dst[:, None] + b


def setup_inputs(seed: int = 0) -> dict:
    key = jax.random.key(seed)
    ks = jax.random.split(key, 8)
    x = jax.random.normal(ks[0], (N_NODES, D), dtype=jnp.float32)
    edge_index = jax.random.randint(ks[1], (2, N_EDGES), 0, N_NODES, dtype=jnp.int64)
    s = 1.0 / np.sqrt(D)
    W0 = jax.random.uniform(ks[2], (D, D), dtype=jnp.float32, minval=-s, maxval=s)
    b0 = jnp.zeros((D,), dtype=jnp.float32)
    W1 = jax.random.uniform(ks[3], (D, D), dtype=jnp.float32, minval=-s, maxval=s)
    b1 = jnp.zeros((D,), dtype=jnp.float32)
    W2 = jax.random.uniform(ks[4], (D, D), dtype=jnp.float32, minval=-s, maxval=s)
    b2 = jnp.zeros((D,), dtype=jnp.float32)
    Wl = jax.random.uniform(ks[5], (D, D), dtype=jnp.float32, minval=-s, maxval=s)
    bl = jax.random.uniform(ks[6], (D,), dtype=jnp.float32, minval=-s, maxval=s)
    return {"x": x, "edge_index": edge_index, "W0": W0, "b0": b0, "W1": W1, "b1": b1, "W2": W2, "b2": b2, "Wl": Wl, "bl": bl}


def reference(x, edge_index, W0, b0, W1, b1, W2, b2, Wl, bl):
    n = x.shape[0]
    src = edge_index[0]
    dst = edge_index[1]
    h = jax.nn.elu(_gcn_layer(x, W0, b0, src, dst, n))
    h = jax.nn.elu(_gcn_layer(h, W1, b1, src, dst, n))
    h = _gcn_layer(h, W2, b2, src, dst, n)
    out = jax.nn.elu(h) @ Wl + bl
    return out

if __name__ == "__main__":
    import jax
    _d = setup_inputs()
    print(jax.jit(kernel)(*tuple(_d.values())))

</pallas_src>

<mosaic_0001>
#map = affine_map<(d0, d1) -> (0, 0)>
#map1 = affine_map<(d0, d1) -> (0, 0, 0, 0)>
module attributes {stable_mosaic.version = 14 : i64} {
  func.func @edge_kernel(%arg0: i32, %arg1: i32, %arg2: memref<10240x128xf32, #tpu.memory_space<hbm>>, %arg3: memref<2x16x160x128xi32, #tpu.memory_space<hbm>>, %arg4: memref<2x16x160x128xi32, #tpu.memory_space<hbm>>, %arg5: memref<320x128xf32, #tpu.memory_space<hbm>>, %arg6: memref<10240x128xf32, #tpu.memory_space<hbm>>, %arg7: memref<8x128xi32, #tpu.memory_space<vmem>>, %arg8: memref<8x128xi32, #tpu.memory_space<vmem>>, %arg9: memref<128x128xf32, #tpu.memory_space<vmem>>, %arg10: memref<128x128xf32, #tpu.memory_space<vmem>>, %arg11: memref<128x128xf32, #tpu.memory_space<vmem>>, %arg12: memref<128x128xf32, #tpu.memory_space<vmem>>, %arg13: memref<!tpu.dma_semaphore, #tpu.memory_space<semaphore_mem>>, %arg14: memref<!tpu.dma_semaphore, #tpu.memory_space<semaphore_mem>>, %arg15: memref<!tpu.dma_semaphore, #tpu.memory_space<semaphore_mem>>, %arg16: memref<!tpu.dma_semaphore, #tpu.memory_space<semaphore_mem>>, %arg17: memref<5120x128xf32, #tpu.memory_space<vmem_shared>>) attributes {dimension_semantics = [#tpu.dimension_semantics<core_parallel>, #tpu.dimension_semantics<subcore_parallel>], iteration_bounds = array<i64: 2, 16>, scalar_prefetch = 0 : i64, scratch_operands = 11 : i64, tpu.core_type = #tpu.core_type<sc_vector_subcore>, window_params = [{transform_indices = #map}, {transform_indices = #map1}, {transform_indices = #map1}, {transform_indices = #map}, {transform_indices = #map}]} {
    %mul3A = arith.constant 320 : i32
    %mul3A_0 = arith.muli %arg1, %mul3A : i32
    "tpu.region"() ({
      %run_scoped3A = tpu.sem_alloc : memref<!tpu.dma_semaphore, #tpu.memory_space<semaphore_mem>>
      %dma_start3A = arith.constant 0 : i32
      %dma_start3A_12 = tpu.memref_slice %arg17[%mul3A_0, %dma_start3A] : memref<5120x128xf32, #tpu.memory_space<vmem_shared>> -> memref<320x128xf32, #tpu.memory_space<vmem_shared>>
      tpu.enqueue_dma source(%arg5 : memref<320x128xf32, #tpu.memory_space<hbm>>) target(%dma_start3A_12 : memref<320x128xf32, #tpu.memory_space<vmem_shared>>) target_semaphore(%run_scoped3A : memref<!tpu.dma_semaphore, #tpu.memory_space<semaphore_mem>>)
      %dma_wait3A = arith.constant 0 : i32
      %dma_wait3A_13 = tpu.memref_slice %arg17[%mul3A_0, %dma_wait3A] : memref<5120x128xf32, #tpu.memory_space<vmem_shared>> -> memref<320x128xf32, #tpu.memory_space<vmem_shared>>
      tpu.wait_dma2 semaphore(%run_scoped3A : memref<!tpu.dma_semaphore, #tpu.memory_space<semaphore_mem>>) src(%arg5 : memref<320x128xf32, #tpu.memory_space<hbm>>) dst(%dma_wait3A_13 : memref<320x128xf32, #tpu.memory_space<vmem_shared>>)
      tpu.yield
    }) : () -> ()
    %barrier3A = arith.constant 0 : index
    tpu.barrier barrier_id(%barrier3A)
    %scan3A = arith.constant 0 : i32
    %scan3A_1 = arith.constant 20 : i32
    %scan3A_2 = arith.addi %scan3A, %scan3A_1 : i32
    %scan3A_3 = arith.constant 1 : i32
    scf.for %scan3A_12 = %scan3A to %scan3A_2 step %scan3A_3  : i32 {
      %mul3A_13 = arith.constant 8 : i32
      %mul3A_14 = arith.muli %scan3A_12, %mul3A_13 : i32
      %add3A_15 = arith.constant 0 : i32
      %add3A_16 = arith.addi %add3A_15, %mul3A_14 : i32
      "tpu.region"() ({
        %run_scoped3A_142 = tpu.sem_alloc : memref<!tpu.dma_semaphore, #tpu.memory_space<semaphore_mem>>
        %dma_start3A_143 = arith.constant 0 : i32
        %dma_start3A_144 = tpu.memref_slice %arg3[%arg0, %arg1, %add3A_16, %dma_start3A_143] : memref<2x16x160x128xi32, #tpu.memory_space<hbm>> -> memref<1x1x8x128xi32, #tpu.memory_space<hbm>>
        %dma_start3A_145 = tpu.memref_squeeze %dma_start3A_144 : memref<1x1x8x128xi32, #tpu.memory_space<hbm>> -> memref<8x128xi32, #tpu.memory_space<hbm>>
        %dma_start3A_146 = arith.constant 0 : i32
        %dma_start3A_147 = tpu.memref_slice %arg3[%arg0, %arg1, %add3A_16, %dma_start3A_146] : memref<2x16x160x128xi32, #tpu.memory_space<hbm>> -> memref<1x1x8x128xi32, #tpu.memory_space<hbm>>
        %dma_start3A_148 = tpu.memref_squeeze %dma_start3A_147 : memref<1x1x8x128xi32, #tpu.memory_space<hbm>> -> memref<8x128xi32, #tpu.memory_space<hbm>>
        tpu.enqueue_dma source(%dma_start3A_148 : memref<8x128xi32, #tpu.memory_space<hbm>>) target(%arg7 : memref<8x128xi32, #tpu.memory_space<vmem>>) target_semaphore(%run_scoped3A_142 : memref<!tpu.dma_semaphore, #tpu.memory_space<semaphore_mem>>)
        %dma_wait3A_149 = arith.constant 0 : i32
        %dma_wait3A_150 = tpu.memref_slice %arg3[%arg0, %arg1, %add3A_16, %dma_wait3A_149] : memref<2x16x160x128xi32, #tpu.memory_space<hbm>> -> memref<1x1x8x128xi32, #tpu.memory_space<hbm>>
        %dma_wait3A_151 = tpu.memref_squeeze %dma_wait3A_150 : memref<1x1x8x128xi32, #tpu.memory_space<hbm>> -> memref<8x128xi32, #tpu.memory_space<hbm>>
        %dma_wait3A_152 = arith.constant 0 : i32
        %dma_wait3A_153 = tpu.memref_slice %arg3[%arg0, %arg1, %add3A_16, %dma_wait3A_152] : memref<2x16x160x128xi32, #tpu.memory_space<hbm>> -> memref<1x1x8x128xi32, #tpu.memory_space<hbm>>
        %dma_wait3A_154 = tpu.memref_squeeze %dma_wait3A_153 : memref<1x1x8x128xi32, #tpu.memory_space<hbm>> -> memref<8x128xi32, #tpu.memory_space<hbm>>
        tpu.wait_dma2 semaphore(%run_scoped3A_142 : memref<!tpu.dma_semaphore, #tpu.memory_space<semaphore_mem>>) src(%dma_wait3A_154 : memref<8x128xi32, #tpu.memory_space<hbm>>) dst(%arg7 : memref<8x128xi32, #tpu.memory_space<vmem>>)
        tpu.yield
      }) : () -> ()
      "tpu.region"() ({
        %run_scoped3A_142 = tpu.sem_alloc : memref<!tpu.dma_semaphore, #tpu.memory_space<semaphore_mem>>
        %dma_start3A_143 = arith.constant 0 : i32
        %dma_start3A_144 = tpu.memref_slice %arg4[%arg0, %arg1, %add3A_16, %dma_start3A_143] : memref<2x16x160x128xi32, #tpu.memory_space<hbm>> -> memref<1x1x8x128xi32, #tpu.memory_space<hbm>>
        %dma_start3A_145 = tpu.memref_squeeze %dma_start3A_144 : memref<1x1x8x128xi32, #tpu.memory_space<hbm>> -> memref<8x128xi32, #tpu.memory_space<hbm>>
        %dma_start3A_146 = arith.constant 0 : i32
        %dma_start3A_147 = tpu.memref_slice %arg4[%arg0, %arg1, %add3A_16, %dma_start3A_146] : memref<2x16x160x128xi32, #tpu.memory_space<hbm>> -> memref<1x1x8x128xi32, #tpu.memory_space<hbm>>
        %dma_start3A_148 = tpu.memref_squeeze %dma_start3A_147 : memref<1x1x8x128xi32, #tpu.memory_space<hbm>> -> memref<8x128xi32, #tpu.memory_space<hbm>>
        tpu.enqueue_dma source(%dma_start3A_148 : memref<8x128xi32, #tpu.memory_space<hbm>>) target(%arg8 : memref<8x128xi32, #tpu.memory_space<vmem>>) target_semaphore(%run_scoped3A_142 : memref<!tpu.dma_semaphore, #tpu.memory_space<semaphore_mem>>)
        %dma_wait3A_149 = arith.constant 0 : i32
        %dma_wait3A_150 = tpu.memref_slice %arg4[%arg0, %arg1, %add3A_16, %dma_wait3A_149] : memref<2x16x160x128xi32, #tpu.memory_space<hbm>> -> memref<1x1x8x128xi32, #tpu.memory_space<hbm>>
        %dma_wait3A_151 = tpu.memref_squeeze %dma_wait3A_150 : memref<1x1x8x128xi32, #tpu.memory_space<hbm>> -> memref<8x128xi32, #tpu.memory_space<hbm>>
        %dma_wait3A_152 = arith.constant 0 : i32
        %dma_wait3A_153 = tpu.memref_slice %arg4[%arg0, %arg1, %add3A_16, %dma_wait3A_152] : memref<2x16x160x128xi32, #tpu.memory_space<hbm>> -> memref<1x1x8x128xi32, #tpu.memory_space<hbm>>
        %dma_wait3A_154 = tpu.memref_squeeze %dma_wait3A_153 : memref<1x1x8x128xi32, #tpu.memory_space<hbm>> -> memref<8x128xi32, #tpu.memory_space<hbm>>
        tpu.wait_dma2 semaphore(%run_scoped3A_142 : memref<!tpu.dma_semaphore, #tpu.memory_space<semaphore_mem>>) src(%dma_wait3A_154 : memref<8x128xi32, #tpu.memory_space<hbm>>) dst(%arg8 : memref<8x128xi32, #tpu.memory_space<vmem>>)
        tpu.yield
      }) : () -> ()
      %dma_start3A = arith.constant 0 : i32
      %dma_start3A_17 = arith.constant 0 : i32
      %dma_start3A_18 = tpu.memref_slice %arg7[%dma_start3A, %dma_start3A_17] : memref<8x128xi32, #tpu.memory_space<vmem>> -> memref<1x128xi32, #tpu.memory_space<vmem>>
      %dma_start3A_19 = tpu.memref_squeeze %dma_start3A_18 : memref<1x128xi32, #tpu.memory_space<vmem>> -> memref<128xi32, #tpu.memory_space<vmem>>
      %dma_start3A_20 = arith.constant 0 : i32
      %dma_start3A_21 = arith.constant 0 : i32
      %dma_start3A_22 = tpu.memref_slice %arg2[%dma_start3A_20, %dma_start3A_21] : memref<10240x128xf32, #tpu.memory_space<hbm>> -> memref<10240x128xf32, #tpu.memory_space<hbm>>
      %dma_start3A_23 = arith.constant -1 : i32
      tpu.enqueue_indirect_dma source(%dma_start3A_22 : memref<10240x128xf32, #tpu.memory_space<hbm>>) target(%arg9 : memref<128x128xf32, #tpu.memory_space<vmem>>) offsets(%dma_start3A_19 : memref<128xi32, #tpu.memory_space<vmem>>) offset_filter(%dma_start3A_23) semaphore(%arg13 : memref<!tpu.dma_semaphore, #tpu.memory_space<semaphore_mem>>)
      %dma_start3A_24 = arith.constant 1 : i32
      %dma_start3A_25 = arith.constant 0 : i32
      %dma_start3A_26 = tpu.memref_slice %arg7[%dma_start3A_24, %dma_start3A_25] : memref<8x128xi32, #tpu.memory_space<vmem>> -> memref<1x128xi32, #tpu.memory_space<vmem>>
      %dma_start3A_27 = tpu.memref_squeeze %dma_start3A_26 : memref<1x128xi32, #tpu.memory_space<vmem>> -> memref<128xi32, #tpu.memory_space<vmem>>
      %dma_start3A_28 = arith.constant 0 : i32
      %dma_start3A_29 = arith.constant 0 : i32
      %dma_start3A_30 = tpu.memref_slice %arg2[%dma_start3A_28, %dma_start3A_29] : memref<10240x128xf32, #tpu.memory_space<hbm>> -> memref<10240x128xf32, #tpu.memory_space<hbm>>
      %dma_start3A_31 = arith.constant -1 : i32
      tpu.enqueue_indirect_dma source(%dma_start3A_30 : memref<10240x128xf32, #tpu.memory_space<hbm>>) target(%arg10 : memref<128x128xf32, #tpu.memory_space<vmem>>) offsets(%dma_start3A_27 : memref<128xi32, #tpu.memory_space<vmem>>) offset_filter(%dma_start3A_31) semaphore(%arg14 : memref<!tpu.dma_semaphore, #tpu.memory_space<semaphore_mem>>)
      %dma_start3A_32 = arith.constant 2 : i32
      %dma_start3A_33 = arith.constant 0 : i32
      %dma_start3A_34 = tpu.memref_slice %arg7[%dma_start3A_32, %dma_start3A_33] : memref<8x128xi32, #tpu.memory_space<vmem>> -> memref<1x128xi32, #tpu.memory_space<vmem>>
      %dma_start3A_35 = tpu.memref_squeeze %dma_start3A_34 : memref<1x128xi32, #tpu.memory_space<vmem>> -> memref<128xi32, #tpu.memory_space<vmem>>
      %dma_start3A_36 = arith.constant 0 : i32
      %dma_start3A_37 = arith.constant 0 : i32
      %dma_start3A_38 = tpu.memref_slice %arg2[%dma_start3A_36, %dma_start3A_37] : memref<10240x128xf32, #tpu.memory_space<hbm>> -> memref<10240x128xf32, #tpu.memory_space<hbm>>
      %dma_start3A_39 = arith.constant -1 : i32
      tpu.enqueue_indirect_dma source(%dma_start3A_38 : memref<10240x128xf32, #tpu.memory_space<hbm>>) target(%arg11 : memref<128x128xf32, #tpu.memory_space<vmem>>) offsets(%dma_start3A_35 : memref<128xi32, #tpu.memory_space<vmem>>) offset_filter(%dma_start3A_39) semaphore(%arg15 : memref<!tpu.dma_semaphore, #tpu.memory_space<semaphore_mem>>)
      %dma_start3A_40 = arith.constant 3 : i32
      %dma_start3A_41 = arith.constant 0 : i32
      %dma_start3A_42 = tpu.memref_slice %arg7[%dma_start3A_40, %dma_start3A_41] : memref<8x128xi32, #tpu.memory_space<vmem>> -> memref<1x128xi32, #tpu.memory_space<vmem>>
      %dma_start3A_43 = tpu.memref_squeeze %dma_start3A_42 : memref<1x128xi32, #tpu.memory_space<vmem>> -> memref<128xi32, #tpu.memory_space<vmem>>
      %dma_start3A_44 = arith.constant 0 : i32
      %dma_start3A_45 = arith.constant 0 : i32
      %dma_start3A_46 = tpu.memref_slice %arg2[%dma_start3A_44, %dma_start3A_45] : memref<10240x128xf32, #tpu.memory_space<hbm>> -> memref<10240x128xf32, #tpu.memory_space<hbm>>
      %dma_start3A_47 = arith.constant -1 : i32
      tpu.enqueue_indirect_dma source(%dma_start3A_46 : memref<10240x128xf32, #tpu.memory_space<hbm>>) target(%arg12 : memref<128x128xf32, #tpu.memory_space<vmem>>) offsets(%dma_start3A_43 : memref<128xi32, #tpu.memory_space<vmem>>) offset_filter(%dma_start3A_47) semaphore(%arg16 : memref<!tpu.dma_semaphore, #tpu.memory_space<semaphore_mem>>)
      %dma_wait3A = arith.constant 0 : i32
      %dma_wait3A_48 = arith.constant 0 : i32
      %dma_wait3A_49 = tpu.memref_slice %arg7[%dma_wait3A, %dma_wait3A_48] : memref<8x128xi32, #tpu.memory_space<vmem>> -> memref<1x128xi32, #tpu.memory_space<vmem>>
      %dma_wait3A_50 = tpu.memref_squeeze %dma_wait3A_49 : memref<1x128xi32, #tpu.memory_space<vmem>> -> memref<128xi32, #tpu.memory_space<vmem>>
      %dma_wait3A_51 = arith.constant 0 : i32
      %dma_wait3A_52 = arith.constant 0 : i32
      %dma_wait3A_53 = tpu.memref_slice %arg2[%dma_wait3A_51, %dma_wait3A_52] : memref<10240x128xf32, #tpu.memory_space<hbm>> -> memref<10240x128xf32, #tpu.memory_space<hbm>>
      tpu.wait_indirect_dma semaphore(%arg13 : memref<!tpu.dma_semaphore, #tpu.memory_space<semaphore_mem>>) src(%dma_wait3A_53 : memref<10240x128xf32, #tpu.memory_space<hbm>>) dst(%arg9 : memref<128x128xf32, #tpu.memory_space<vmem>>)
      %run_scoped3A = arith.constant 0 : i32
      "tpu.region"() ({
        %run_scoped3A_142 = tpu.sem_alloc : memref<!tpu.dma_semaphore, #tpu.memory_space<semaphore_mem>>
        %dma_start3A_143 = arith.constant 0 : i32
        %dma_start3A_144 = tpu.memref_slice %arg8[%run_scoped3A, %dma_start3A_143] : memref<8x128xi32, #tpu.memory_space<vmem>> -> memref<1x128xi32, #tpu.memory_space<vmem>>
        %dma_start3A_145 = tpu.memref_squeeze %dma_start3A_144 : memref<1x128xi32, #tpu.memory_space<vmem>> -> memref<128xi32, #tpu.memory_space<vmem>>
        %dma_start3A_146 = arith.constant 0 : i32
        %dma_start3A_147 = arith.constant 0 : i32
        %dma_start3A_148 = tpu.memref_slice %arg17[%dma_start3A_146, %dma_start3A_147] : memref<5120x128xf32, #tpu.memory_space<vmem_shared>> -> memref<5120x128xf32, #tpu.memory_space<vmem_shared>>
        %dma_start3A_149 = arith.constant -1 : i32
        tpu.enqueue_indirect_dma source(%arg9 : memref<128x128xf32, #tpu.memory_space<vmem>>) target(%dma_start3A_148 : memref<5120x128xf32, #tpu.memory_space<vmem_shared>>) offsets(%dma_start3A_145 : memref<128xi32, #tpu.memory_space<vmem>>) offset_filter(%dma_start3A_149) semaphore(%run_scoped3A_142 : memref<!tpu.dma_semaphore, #tpu.memory_space<semaphore_mem>>) {add = true}
        %dma_wait3A_150 = arith.constant 0 : i32
        %dma_wait3A_151 = tpu.memref_slice %arg8[%run_scoped3A, %dma_wait3A_150] : memref<8x128xi32, #tpu.memory_space<vmem>> -> memref<1x128xi32, #tpu.memory_space<vmem>>
        %dma_wait3A_152 = tpu.memref_squeeze %dma_wait3A_151 : memref<1x128xi32, #tpu.memory_space<vmem>> -> memref<128xi32, #tpu.memory_space<vmem>>
        %dma_wait3A_153 = arith.constant 0 : i32
        %dma_wait3A_154 = arith.constant 0 : i32
        %dma_wait3A_155 = tpu.memref_slice %arg17[%dma_wait3A_153, %dma_wait3A_154] : memref<5120x128xf32, #tpu.memory_space<vmem_shared>> -> memref<5120x128xf32, #tpu.memory_space<vmem_shared>>
        tpu.wait_indirect_dma semaphore(%run_scoped3A_142 : memref<!tpu.dma_semaphore, #tpu.memory_space<semaphore_mem>>) src(%arg9 : memref<128x128xf32, #tpu.memory_space<vmem>>) dst(%dma_wait3A_155 : memref<5120x128xf32, #tpu.memory_space<vmem_shared>>)
        tpu.yield
      }) : () -> ()
      %dma_start3A_54 = arith.constant 4 : i32
      %dma_start3A_55 = arith.constant 0 : i32
      %dma_start3A_56 = tpu.memref_slice %arg7[%dma_start3A_54, %dma_start3A_55] : memref<8x128xi32, #tpu.memory_space<vmem>> -> memref<1x128xi32, #tpu.memory_space<vmem>>
      %dma_start3A_57 = tpu.memref_squeeze %dma_start3A_56 : memref<1x128xi32, #tpu.memory_space<vmem>> -> memref<128xi32, #tpu.memory_space<vmem>>
      %dma_start3A_58 = arith.constant 0 : i32
      %dma_start3A_59 = arith.constant 0 : i32
      %dma_start3A_60 = tpu.memref_slice %arg2[%dma_start3A_58, %dma_start3A_59] : memref<10240x128xf32, #tpu.memory_space<hbm>> -> memref<10240x128xf32, #tpu.memory_space<hbm>>
      %dma_start3A_61 = arith.constant -1 : i32
      tpu.enqueue_indirect_dma source(%dma_start3A_60 : memref<10240x128xf32, #tpu.memory_space<hbm>>) target(%arg9 : memref<128x128xf32, #tpu.memory_space<vmem>>) offsets(%dma_start3A_57 : memref<128xi32, #tpu.memory_space<vmem>>) offset_filter(%dma_start3A_61) semaphore(%arg13 : memref<!tpu.dma_semaphore, #tpu.memory_space<semaphore_mem>>)
      %dma_wait3A_62 = arith.constant 1 : i32
      %dma_wait3A_63 = arith.constant 0 : i32
      %dma_wait3A_64 = tpu.memref_slice %arg7[%dma_wait3A_62, %dma_wait3A_63] : memref<8x128xi32, #tpu.memory_space<vmem>> -> memref<1x128xi32, #tpu.memory_space<vmem>>
      %dma_wait3A_65 = tpu.memref_squeeze %dma_wait3A_64 : memref<1x128xi32, #tpu.memory_space<vmem>> -> memref<128xi32, #tpu.memory_space<vmem>>
      %dma_wait3A_66 = arith.constant 0 : i32
      %dma_wait3A_67 = arith.constant 0 : i32
      %dma_wait3A_68 = tpu.memref_slice %arg2[%dma_wait3A_66, %dma_wait3A_67] : memref<10240x128xf32, #tpu.memory_space<hbm>> -> memref<10240x128xf32, #tpu.memory_space<hbm>>
      tpu.wait_indirect_dma semaphore(%arg14 : memref<!tpu.dma_semaphore, #tpu.memory_space<semaphore_mem>>) src(%dma_wait3A_68 : memref<10240x128xf32, #tpu.memory_space<hbm>>) dst(%arg10 : memref<128x128xf32, #tpu.memory_space<vmem>>)
      %run_scoped3A_69 = arith.constant 1 : i32
      "tpu.region"() ({
        %run_scoped3A_142 = tpu.sem_alloc : memref<!tpu.dma_semaphore, #tpu.memory_space<semaphore_mem>>
        %dma_start3A_143 = arith.constant 0 : i32
        %dma_start3A_144 = tpu.memref_slice %arg8[%run_scoped3A_69, %dma_start3A_143] : memref<8x128xi32, #tpu.memory_space<vmem>> -> memref<1x128xi32, #tpu.memory_space<vmem>>
        %dma_start3A_145 = tpu.memref_squeeze %dma_start3A_144 : memref<1x128xi32, #tpu.memory_space<vmem>> -> memref<128xi32, #tpu.memory_space<vmem>>
        %dma_start3A_146 = arith.constant 0 : i32
        %dma_start3A_147 = arith.constant 0 : i32
        %dma_start3A_148 = tpu.memref_slice %arg17[%dma_start3A_146, %dma_start3A_147] : memref<5120x128xf32, #tpu.memory_space<vmem_shared>> -> memref<5120x128xf32, #tpu.memory_space<vmem_shared>>
        %dma_start3A_149 = arith.constant -1 : i32
        tpu.enqueue_indirect_dma source(%arg10 : memref<128x128xf32, #tpu.memory_space<vmem>>) target(%dma_start3A_148 : memref<5120x128xf32, #tpu.memory_space<vmem_shared>>) offsets(%dma_start3A_145 : memref<128xi32, #tpu.memory_space<vmem>>) offset_filter(%dma_start3A_149) semaphore(%run_scoped3A_142 : memref<!tpu.dma_semaphore, #tpu.memory_space<semaphore_mem>>) {add = true}
        %dma_wait3A_150 = arith.constant 0 : i32
        %dma_wait3A_151 = tpu.memref_slice %arg8[%run_scoped3A_69, %dma_wait3A_150] : memref<8x128xi32, #tpu.memory_space<vmem>> -> memref<1x128xi32, #tpu.memory_space<vmem>>
        %dma_wait3A_152 = tpu.memref_squeeze %dma_wait3A_151 : memref<1x128xi32, #tpu.memory_space<vmem>> -> memref<128xi32, #tpu.memory_space<vmem>>
        %dma_wait3A_153 = arith.constant 0 : i32
        %dma_wait3A_154 = arith.constant 0 : i32
        %dma_wait3A_155 = tpu.memref_slice %arg17[%dma_wait3A_153, %dma_wait3A_154] : memref<5120x128xf32, #tpu.memory_space<vmem_shared>> -> memref<5120x128xf32, #tpu.memory_space<vmem_shared>>
        tpu.wait_indirect_dma semaphore(%run_scoped3A_142 : memref<!tpu.dma_semaphore, #tpu.memory_space<semaphore_mem>>) src(%arg10 : memref<128x128xf32, #tpu.memory_space<vmem>>) dst(%dma_wait3A_155 : memref<5120x128xf32, #tpu.memory_space<vmem_shared>>)
        tpu.yield
      }) : () -> ()
      %dma_start3A_70 = arith.constant 5 : i32
      %dma_start3A_71 = arith.constant 0 : i32
      %dma_start3A_72 = tpu.memref_slice %arg7[%dma_start3A_70, %dma_start3A_71] : memref<8x128xi32, #tpu.memory_space<vmem>> -> memref<1x128xi32, #tpu.memory_space<vmem>>
      %dma_start3A_73 = tpu.memref_squeeze %dma_start3A_72 : memref<1x128xi32, #tpu.memory_space<vmem>> -> memref<128xi32, #tpu.memory_space<vmem>>
      %dma_start3A_74 = arith.constant 0 : i32
      %dma_start3A_75 = arith.constant 0 : i32
      %dma_start3A_76 = tpu.memref_slice %arg2[%dma_start3A_74, %dma_start3A_75] : memref<10240x128xf32, #tpu.memory_space<hbm>> -> memref<10240x128xf32, #tpu.memory_space<hbm>>
      %dma_start3A_77 = arith.constant -1 : i32
      tpu.enqueue_indirect_dma source(%dma_start3A_76 : memref<10240x128xf32, #tpu.memory_space<hbm>>) target(%arg10 : memref<128x128xf32, #tpu.memory_space<vmem>>) offsets(%dma_start3A_73 : memref<128xi32, #tpu.memory_space<vmem>>) offset_filter(%dma_start3A_77) semaphore(%arg14 : memref<!tpu.dma_semaphore, #tpu.memory_space<semaphore_mem>>)
      %dma_wait3A_78 = arith.constant 2 : i32
      %dma_wait3A_79 = arith.constant 0 : i32
      %dma_wait3A_80 = tpu.memref_slice %arg7[%dma_wait3A_78, %dma_wait3A_79] : memref<8x128xi32, #tpu.memory_space<vmem>> -> memref<1x128xi32, #tpu.memory_space<vmem>>
      %dma_wait3A_81 = tpu.memref_squeeze %dma_wait3A_80 : memref<1x128xi32, #tpu.memory_space<vmem>> -> memref<128xi32, #tpu.memory_space<vmem>>
      %dma_wait3A_82 = arith.constant 0 : i32
      %dma_wait3A_83 = arith.constant 0 : i32
      %dma_wait3A_84 = tpu.memref_slice %arg2[%dma_wait3A_82, %dma_wait3A_83] : memref<10240x128xf32, #tpu.memory_space<hbm>> -> memref<10240x128xf32, #tpu.memory_space<hbm>>
      tpu.wait_indirect_dma semaphore(%arg15 : memref<!tpu.dma_semaphore, #tpu.memory_space<semaphore_mem>>) src(%dma_wait3A_84 : memref<10240x128xf32, #tpu.memory_space<hbm>>) dst(%arg11 : memref<128x128xf32, #tpu.memory_space<vmem>>)
      %run_scoped3A_85 = arith.constant 2 : i32
      "tpu.region"() ({
        %run_scoped3A_142 = tpu.sem_alloc : memref<!tpu.dma_semaphore, #tpu.memory_space<semaphore_mem>>
        %dma_start3A_143 = arith.constant 0 : i32
        %dma_start3A_144 = tpu.memref_slice %arg8[%run_scoped3A_85, %dma_start3A_143] : memref<8x128xi32, #tpu.memory_space<vmem>> -> memref<1x128xi32, #tpu.memory_space<vmem>>
        %dma_start3A_145 = tpu.memref_squeeze %dma_start3A_144 : memref<1x128xi32, #tpu.memory_space<vmem>> -> memref<128xi32, #tpu.memory_space<vmem>>
        %dma_start3A_146 = arith.constant 0 : i32
        %dma_start3A_147 = arith.constant 0 : i32
        %dma_start3A_148 = tpu.memref_slice %arg17[%dma_start3A_146, %dma_start3A_147] : memref<5120x128xf32, #tpu.memory_space<vmem_shared>> -> memref<5120x128xf32, #tpu.memory_space<vmem_shared>>
        %dma_start3A_149 = arith.constant -1 : i32
        tpu.enqueue_indirect_dma source(%arg11 : memref<128x128xf32, #tpu.memory_space<vmem>>) target(%dma_start3A_148 : memref<5120x128xf32, #tpu.memory_space<vmem_shared>>) offsets(%dma_start3A_145 : memref<128xi32, #tpu.memory_space<vmem>>) offset_filter(%dma_start3A_149) semaphore(%run_scoped3A_142 : memref<!tpu.dma_semaphore, #tpu.memory_space<semaphore_mem>>) {add = true}
        %dma_wait3A_150 = arith.constant 0 : i32
        %dma_wait3A_151 = tpu.memref_slice %arg8[%run_scoped3A_85, %dma_wait3A_150] : memref<8x128xi32, #tpu.memory_space<vmem>> -> memref<1x128xi32, #tpu.memory_space<vmem>>
        %dma_wait3A_152 = tpu.memref_squeeze %dma_wait3A_151 : memref<1x128xi32, #tpu.memory_space<vmem>> -> memref<128xi32, #tpu.memory_space<vmem>>
        %dma_wait3A_153 = arith.constant 0 : i32
        %dma_wait3A_154 = arith.constant 0 : i32
        %dma_wait3A_155 = tpu.memref_slice %arg17[%dma_wait3A_153, %dma_wait3A_154] : memref<5120x128xf32, #tpu.memory_space<vmem_shared>> -> memref<5120x128xf32, #tpu.memory_space<vmem_shared>>
        tpu.wait_indirect_dma semaphore(%run_scoped3A_142 : memref<!tpu.dma_semaphore, #tpu.memory_space<semaphore_mem>>) src(%arg11 : memref<128x128xf32, #tpu.memory_space<vmem>>) dst(%dma_wait3A_155 : memref<5120x128xf32, #tpu.memory_space<vmem_shared>>)
        tpu.yield
      }) : () -> ()
      %dma_start3A_86 = arith.constant 6 : i32
      %dma_start3A_87 = arith.constant 0 : i32
      %dma_start3A_88 = tpu.memref_slice %arg7[%dma_start3A_86, %dma_start3A_87] : memref<8x128xi32, #tpu.memory_space<vmem>> -> memref<1x128xi32, #tpu.memory_space<vmem>>
      %dma_start3A_89 = tpu.memref_squeeze %dma_start3A_88 : memref<1x128xi32, #tpu.memory_space<vmem>> -> memref<128xi32, #tpu.memory_space<vmem>>
      %dma_start3A_90 = arith.constant 0 : i32
      %dma_start3A_91 = arith.constant 0 : i32
      %dma_start3A_92 = tpu.memref_slice %arg2[%dma_start3A_90, %dma_start3A_91] : memref<10240x128xf32, #tpu.memory_space<hbm>> -> memref<10240x128xf32, #tpu.memory_space<hbm>>
      %dma_start3A_93 = arith.constant -1 : i32
      tpu.enqueue_indirect_dma source(%dma_start3A_92 : memref<10240x128xf32, #tpu.memory_space<hbm>>) target(%arg11 : memref<128x128xf32, #tpu.memory_space<vmem>>) offsets(%dma_start3A_89 : memref<128xi32, #tpu.memory_space<vmem>>) offset_filter(%dma_start3A_93) semaphore(%arg15 : memref<!tpu.dma_semaphore, #tpu.memory_space<semaphore_mem>>)
      %dma_wait3A_94 = arith.constant 3 : i32
      %dma_wait3A_95 = arith.constant 0 : i32
      %dma_wait3A_96 = tpu.memref_slice %arg7[%dma_wait3A_94, %dma_wait3A_95] : memref<8x128xi32, #tpu.memory_space<vmem>> -> memref<1x128xi32, #tpu.memory_space<vmem>>
      %dma_wait3A_97 = tpu.memref_squeeze %dma_wait3A_96 : memref<1x128xi32, #tpu.memory_space<vmem>> -> memref<128xi32, #tpu.memory_space<vmem>>
      %dma_wait3A_98 = arith.constant 0 : i32
      %dma_wait3A_99 = arith.constant 0 : i32
      %dma_wait3A_100 = tpu.memref_slice %arg2[%dma_wait3A_98, %dma_wait3A_99] : memref<10240x128xf32, #tpu.memory_space<hbm>> -> memref<10240x128xf32, #tpu.memory_space<hbm>>
      tpu.wait_indirect_dma semaphore(%arg16 : memref<!tpu.dma_semaphore, #tpu.memory_space<semaphore_mem>>) src(%dma_wait3A_100 : memref<10240x128xf32, #tpu.memory_space<hbm>>) dst(%arg12 : memref<128x128xf32, #tpu.memory_space<vmem>>)
      %run_scoped3A_101 = arith.constant 3 : i32
      "tpu.region"() ({
        %run_scoped3A_142 = tpu.sem_alloc : memref<!tpu.dma_semaphore, #tpu.memory_space<semaphore_mem>>
        %dma_start3A_143 = arith.constant 0 : i32
        %dma_start3A_144 = tpu.memref_slice %arg8[%run_scoped3A_101, %dma_start3A_143] : memref<8x128xi32, #tpu.memory_space<vmem>> -> memref<1x128xi32, #tpu.memory_space<vmem>>
        %dma_start3A_145 = tpu.memref_squeeze %dma_start3A_144 : memref<1x128xi32, #tpu.memory_space<vmem>> -> memref<128xi32, #tpu.memory_space<vmem>>
        %dma_start3A_146 = arith.constant 0 : i32
        %dma_start3A_147 = arith.constant 0 : i32
        %dma_start3A_148 = tpu.memref_slice %arg17[%dma_start3A_146, %dma_start3A_147] : memref<5120x128xf32, #tpu.memory_space<vmem_shared>> -> memref<5120x128xf32, #tpu.memory_space<vmem_shared>>
        %dma_start3A_149 = arith.constant -1 : i32
        tpu.enqueue_indirect_dma source(%arg12 : memref<128x128xf32, #tpu.memory_space<vmem>>) target(%dma_start3A_148 : memref<5120x128xf32, #tpu.memory_space<vmem_shared>>) offsets(%dma_start3A_145 : memref<128xi32, #tpu.memory_space<vmem>>) offset_filter(%dma_start3A_149) semaphore(%run_scoped3A_142 : memref<!tpu.dma_semaphore, #tpu.memory_space<semaphore_mem>>) {add = true}
        %dma_wait3A_150 = arith.constant 0 : i32
        %dma_wait3A_151 = tpu.memref_slice %arg8[%run_scoped3A_101, %dma_wait3A_150] : memref<8x128xi32, #tpu.memory_space<vmem>> -> memref<1x128xi32, #tpu.memory_space<vmem>>
        %dma_wait3A_152 = tpu.memref_squeeze %dma_wait3A_151 : memref<1x128xi32, #tpu.memory_space<vmem>> -> memref<128xi32, #tpu.memory_space<vmem>>
        %dma_wait3A_153 = arith.constant 0 : i32
        %dma_wait3A_154 = arith.constant 0 : i32
        %dma_wait3A_155 = tpu.memref_slice %arg17[%dma_wait3A_153, %dma_wait3A_154] : memref<5120x128xf32, #tpu.memory_space<vmem_shared>> -> memref<5120x128xf32, #tpu.memory_space<vmem_shared>>
        tpu.wait_indirect_dma semaphore(%run_scoped3A_142 : memref<!tpu.dma_semaphore, #tpu.memory_space<semaphore_mem>>) src(%arg12 : memref<128x128xf32, #tpu.memory_space<vmem>>) dst(%dma_wait3A_155 : memref<5120x128xf32, #tpu.memory_space<vmem_shared>>)
        tpu.yield
      }) : () -> ()
      %dma_start3A_102 = arith.constant 7 : i32
      %dma_start3A_103 = arith.constant 0 : i32
      %dma_start3A_104 = tpu.memref_slice %arg7[%dma_start3A_102, %dma_start3A_103] : memref<8x128xi32, #tpu.memory_space<vmem>> -> memref<1x128xi32, #tpu.memory_space<vmem>>
      %dma_start3A_105 = tpu.memref_squeeze %dma_start3A_104 : memref<1x128xi32, #tpu.memory_space<vmem>> -> memref<128xi32, #tpu.memory_space<vmem>>
      %dma_start3A_106 = arith.constant 0 : i32
      %dma_start3A_107 = arith.constant 0 : i32
      %dma_start3A_108 = tpu.memref_slice %arg2[%dma_start3A_106, %dma_start3A_107] : memref<10240x128xf32, #tpu.memory_space<hbm>> -> memref<10240x128xf32, #tpu.memory_space<hbm>>
      %dma_start3A_109 = arith.constant -1 : i32
      tpu.enqueue_indirect_dma source(%dma_start3A_108 : memref<10240x128xf32, #tpu.memory_space<hbm>>) target(%arg12 : memref<128x128xf32, #tpu.memory_space<vmem>>) offsets(%dma_start3A_105 : memref<128xi32, #tpu.memory_space<vmem>>) offset_filter(%dma_start3A_109) semaphore(%arg16 : memref<!tpu.dma_semaphore, #tpu.memory_space<semaphore_mem>>)
      %dma_wait3A_110 = arith.constant 4 : i32
      %dma_wait3A_111 = arith.constant 0 : i32
      %dma_wait3A_112 = tpu.memref_slice %arg7[%dma_wait3A_110, %dma_wait3A_111] : memref<8x128xi32, #tpu.memory_space<vmem>> -> memref<1x128xi32, #tpu.memory_space<vmem>>
      %dma_wait3A_113 = tpu.memref_squeeze %dma_wait3A_112 : memref<1x128xi32, #tpu.memory_space<vmem>> -> memref<128xi32, #tpu.memory_space<vmem>>
      %dma_wait3A_114 = arith.constant 0 : i32
      %dma_wait3A_115 = arith.constant 0 : i32
      %dma_wait3A_116 = tpu.memref_slice %arg2[%dma_wait3A_114, %dma_wait3A_115] : memref<10240x128xf32, #tpu.memory_space<hbm>> -> memref<10240x128xf32, #tpu.memory_space<hbm>>
      tpu.wait_indirect_dma semaphore(%arg13 : memref<!tpu.dma_semaphore, #tpu.memory_space<semaphore_mem>>) src(%dma_wait3A_116 : memref<10240x128xf32, #tpu.memory_space<hbm>>) dst(%arg9 : memref<128x128xf32, #tpu.memory_space<vmem>>)
      %run_scoped3A_117 = arith.constant 4 : i32
      "tpu.region"() ({
        %run_scoped3A_142 = tpu.sem_alloc : memref<!tpu.dma_semaphore, #tpu.memory_space<semaphore_mem>>
        %dma_start3A_143 = arith.constant 0 : i32
        %dma_start3A_144 = tpu.memref_slice %arg8[%run_scoped3A_117, %dma_start3A_143] : memref<8x128xi32, #tpu.memory_space<vmem>> -> memref<1x128xi32, #tpu.memory_space<vmem>>
        %dma_start3A_145 = tpu.memref_squeeze %dma_start3A_144 : memref<1x128xi32, #tpu.memory_space<vmem>> -> memref<128xi32, #tpu.memory_space<vmem>>
        %dma_start3A_146 = arith.constant 0 : i32
        %dma_start3A_147 = arith.constant 0 : i32
        %dma_start3A_148 = tpu.memref_slice %arg17[%dma_start3A_146, %dma_start3A_147] : memref<5120x128xf32, #tpu.memory_space<vmem_shared>> -> memref<5120x128xf32, #tpu.memory_space<vmem_shared>>
        %dma_start3A_149 = arith.constant -1 : i32
        tpu.enqueue_indirect_dma source(%arg9 : memref<128x128xf32, #tpu.memory_space<vmem>>) target(%dma_start3A_148 : memref<5120x128xf32, #tpu.memory_space<vmem_shared>>) offsets(%dma_start3A_145 : memref<128xi32, #tpu.memory_space<vmem>>) offset_filter(%dma_start3A_149) semaphore(%run_scoped3A_142 : memref<!tpu.dma_semaphore, #tpu.memory_space<semaphore_mem>>) {add = true}
        %dma_wait3A_150 = arith.constant 0 : i32
        %dma_wait3A_151 = tpu.memref_slice %arg8[%run_scoped3A_117, %dma_wait3A_150] : memref<8x128xi32, #tpu.memory_space<vmem>> -> memref<1x128xi32, #tpu.memory_space<vmem>>
        %dma_wait3A_152 = tpu.memref_squeeze %dma_wait3A_151 : memref<1x128xi32, #tpu.memory_space<vmem>> -> memref<128xi32, #tpu.memory_space<vmem>>
        %dma_wait3A_153 = arith.constant 0 : i32
        %dma_wait3A_154 = arith.constant 0 : i32
        %dma_wait3A_155 = tpu.memref_slice %arg17[%dma_wait3A_153, %dma_wait3A_154] : memref<5120x128xf32, #tpu.memory_space<vmem_shared>> -> memref<5120x128xf32, #tpu.memory_space<vmem_shared>>
        tpu.wait_indirect_dma semaphore(%run_scoped3A_142 : memref<!tpu.dma_semaphore, #tpu.memory_space<semaphore_mem>>) src(%arg9 : memref<128x128xf32, #tpu.memory_space<vmem>>) dst(%dma_wait3A_155 : memref<5120x128xf32, #tpu.memory_space<vmem_shared>>)
        tpu.yield
      }) : () -> ()
      %dma_wait3A_118 = arith.constant 5 : i32
      %dma_wait3A_119 = arith.constant 0 : i32
      %dma_wait3A_120 = tpu.memref_slice %arg7[%dma_wait3A_118, %dma_wait3A_119] : memref<8x128xi32, #tpu.memory_space<vmem>> -> memref<1x128xi32, #tpu.memory_space<vmem>>
      %dma_wait3A_121 = tpu.memref_squeeze %dma_wait3A_120 : memref<1x128xi32, #tpu.memory_space<vmem>> -> memref<128xi32, #tpu.memory_space<vmem>>
      %dma_wait3A_122 = arith.constant 0 : i32
      %dma_wait3A_123 = arith.constant 0 : i32
      %dma_wait3A_124 = tpu.memref_slice %arg2[%dma_wait3A_122, %dma_wait3A_123] : memref<10240x128xf32, #tpu.memory_space<hbm>> -> memref<10240x128xf32, #tpu.memory_space<hbm>>
      tpu.wait_indirect_dma semaphore(%arg14 : memref<!tpu.dma_semaphore, #tpu.memory_space<semaphore_mem>>) src(%dma_wait3A_124 : memref<10240x128xf32, #tpu.memory_space<hbm>>) dst(%arg10 : memref<128x128xf32, #tpu.memory_space<vmem>>)
      %run_scoped3A_125 = arith.constant 5 : i32
      "tpu.region"() ({
        %run_scoped3A_142 = tpu.sem_alloc : memref<!tpu.dma_semaphore, #tpu.memory_space<semaphore_mem>>
        %dma_start3A_143 = arith.constant 0 : i32
        %dma_start3A_144 = tpu.memref_slice %arg8[%run_scoped3A_125, %dma_start3A_143] : memref<8x128xi32, #tpu.memory_space<vmem>> -> memref<1x128xi32, #tpu.memory_space<vmem>>
        %dma_start3A_145 = tpu.memref_squeeze %dma_start3A_144 : memref<1x128xi32, #tpu.memory_space<vmem>> -> memref<128xi32, #tpu.memory_space<vmem>>
        %dma_start3A_146 = arith.constant 0 : i32
        %dma_start3A_147 = arith.constant 0 : i32
        %dma_start3A_148 = tpu.memref_slice %arg17[%dma_start3A_146, %dma_start3A_147] : memref<5120x128xf32, #tpu.memory_space<vmem_shared>> -> memref<5120x128xf32, #tpu.memory_space<vmem_shared>>
        %dma_start3A_149 = arith.constant -1 : i32
        tpu.enqueue_indirect_dma source(%arg10 : memref<128x128xf32, #tpu.memory_space<vmem>>) target(%dma_start3A_148 : memref<5120x128xf32, #tpu.memory_space<vmem_shared>>) offsets(%dma_start3A_145 : memref<128xi32, #tpu.memory_space<vmem>>) offset_filter(%dma_start3A_149) semaphore(%run_scoped3A_142 : memref<!tpu.dma_semaphore, #tpu.memory_space<semaphore_mem>>) {add = true}
        %dma_wait3A_150 = arith.constant 0 : i32
        %dma_wait3A_151 = tpu.memref_slice %arg8[%run_scoped3A_125, %dma_wait3A_150] : memref<8x128xi32, #tpu.memory_space<vmem>> -> memref<1x128xi32, #tpu.memory_space<vmem>>
        %dma_wait3A_152 = tpu.memref_squeeze %dma_wait3A_151 : memref<1x128xi32, #tpu.memory_space<vmem>> -> memref<128xi32, #tpu.memory_space<vmem>>
        %dma_wait3A_153 = arith.constant 0 : i32
        %dma_wait3A_154 = arith.constant 0 : i32
        %dma_wait3A_155 = tpu.memref_slice %arg17[%dma_wait3A_153, %dma_wait3A_154] : memref<5120x128xf32, #tpu.memory_space<vmem_shared>> -> memref<5120x128xf32, #tpu.memory_space<vmem_shared>>
        tpu.wait_indirect_dma semaphore(%run_scoped3A_142 : memref<!tpu.dma_semaphore, #tpu.memory_space<semaphore_mem>>) src(%arg10 : memref<128x128xf32, #tpu.memory_space<vmem>>) dst(%dma_wait3A_155 : memref<5120x128xf32, #tpu.memory_space<vmem_shared>>)
        tpu.yield
      }) : () -> ()
      %dma_wait3A_126 = arith.constant 6 : i32
      %dma_wait3A_127 = arith.constant 0 : i32
      %dma_wait3A_128 = tpu.memref_slice %arg7[%dma_wait3A_126, %dma_wait3A_127] : memref<8x128xi32, #tpu.memory_space<vmem>> -> memref<1x128xi32, #tpu.memory_space<vmem>>
      %dma_wait3A_129 = tpu.memref_squeeze %dma_wait3A_128 : memref<1x128xi32, #tpu.memory_space<vmem>> -> memref<128xi32, #tpu.memory_space<vmem>>
      %dma_wait3A_130 = arith.constant 0 : i32
      %dma_wait3A_131 = arith.constant 0 : i32
      %dma_wait3A_132 = tpu.memref_slice %arg2[%dma_wait3A_130, %dma_wait3A_131] : memref<10240x128xf32, #tpu.memory_space<hbm>> -> memref<10240x128xf32, #tpu.memory_space<hbm>>
      tpu.wait_indirect_dma semaphore(%arg15 : memref<!tpu.dma_semaphore, #tpu.memory_space<semaphore_mem>>) src(%dma_wait3A_132 : memref<10240x128xf32, #tpu.memory_space<hbm>>) dst(%arg11 : memref<128x128xf32, #tpu.memory_space<vmem>>)
      %run_scoped3A_133 = arith.constant 6 : i32
      "tpu.region"() ({
        %run_scoped3A_142 = tpu.sem_alloc : memref<!tpu.dma_semaphore, #tpu.memory_space<semaphore_mem>>
        %dma_start3A_143 = arith.constant 0 : i32
        %dma_start3A_144 = tpu.memref_slice %arg8[%run_scoped3A_133, %dma_start3A_143] : memref<8x128xi32, #tpu.memory_space<vmem>> -> memref<1x128xi32, #tpu.memory_space<vmem>>
        %dma_start3A_145 = tpu.memref_squeeze %dma_start3A_144 : memref<1x128xi32, #tpu.memory_space<vmem>> -> memref<128xi32, #tpu.memory_space<vmem>>
        %dma_start3A_146 = arith.constant 0 : i32
        %dma_start3A_147 = arith.constant 0 : i32
        %dma_start3A_148 = tpu.memref_slice %arg17[%dma_start3A_146, %dma_start3A_147] : memref<5120x128xf32, #tpu.memory_space<vmem_shared>> -> memref<5120x128xf32, #tpu.memory_space<vmem_shared>>
        %dma_start3A_149 = arith.constant -1 : i32
        tpu.enqueue_indirect_dma source(%arg11 : memref<128x128xf32, #tpu.memory_space<vmem>>) target(%dma_start3A_148 : memref<5120x128xf32, #tpu.memory_space<vmem_shared>>) offsets(%dma_start3A_145 : memref<128xi32, #tpu.memory_space<vmem>>) offset_filter(%dma_start3A_149) semaphore(%run_scoped3A_142 : memref<!tpu.dma_semaphore, #tpu.memory_space<semaphore_mem>>) {add = true}
        %dma_wait3A_150 = arith.constant 0 : i32
        %dma_wait3A_151 = tpu.memref_slice %arg8[%run_scoped3A_133, %dma_wait3A_150] : memref<8x128xi32, #tpu.memory_space<vmem>> -> memref<1x128xi32, #tpu.memory_space<vmem>>
        %dma_wait3A_152 = tpu.memref_squeeze %dma_wait3A_151 : memref<1x128xi32, #tpu.memory_space<vmem>> -> memref<128xi32, #tpu.memory_space<vmem>>
        %dma_wait3A_153 = arith.constant 0 : i32
        %dma_wait3A_154 = arith.constant 0 : i32
        %dma_wait3A_155 = tpu.memref_slice %arg17[%dma_wait3A_153, %dma_wait3A_154] : memref<5120x128xf32, #tpu.memory_space<vmem_shared>> -> memref<5120x128xf32, #tpu.memory_space<vmem_shared>>
        tpu.wait_indirect_dma semaphore(%run_scoped3A_142 : memref<!tpu.dma_semaphore, #tpu.memory_space<semaphore_mem>>) src(%arg11 : memref<128x128xf32, #tpu.memory_space<vmem>>) dst(%dma_wait3A_155 : memref<5120x128xf32, #tpu.memory_space<vmem_shared>>)
        tpu.yield
      }) : () -> ()
      %dma_wait3A_134 = arith.constant 7 : i32
      %dma_wait3A_135 = arith.constant 0 : i32
      %dma_wait3A_136 = tpu.memref_slice %arg7[%dma_wait3A_134, %dma_wait3A_135] : memref<8x128xi32, #tpu.memory_space<vmem>> -> memref<1x128xi32, #tpu.memory_space<vmem>>
      %dma_wait3A_137 = tpu.memref_squeeze %dma_wait3A_136 : memref<1x128xi32, #tpu.memory_space<vmem>> -> memref<128xi32, #tpu.memory_space<vmem>>
      %dma_wait3A_138 = arith.constant 0 : i32
      %dma_wait3A_139 = arith.constant 0 : i32
      %dma_wait3A_140 = tpu.memref_slice %arg2[%dma_wait3A_138, %dma_wait3A_139] : memref<10240x128xf32, #tpu.memory_space<hbm>> -> memref<10240x128xf32, #tpu.memory_space<hbm>>
      tpu.wait_indirect_dma semaphore(%arg16 : memref<!tpu.dma_semaphore, #tpu.memory_space<semaphore_mem>>) src(%dma_wait3A_140 : memref<10240x128xf32, #tpu.memory_space<hbm>>) dst(%arg12 : memref<128x128xf32, #tpu.memory_space<vmem>>)
      %run_scoped3A_141 = arith.constant 7 : i32
      "tpu.region"() ({
        %run_scoped3A_142 = tpu.sem_alloc : memref<!tpu.dma_semaphore, #tpu.memory_space<semaphore_mem>>
        %dma_start3A_143 = arith.constant 0 : i32
        %dma_start3A_144 = tpu.memref_slice %arg8[%run_scoped3A_141, %dma_start3A_143] : memref<8x128xi32, #tpu.memory_space<vmem>> -> memref<1x128xi32, #tpu.memory_space<vmem>>
        %dma_start3A_145 = tpu.memref_squeeze %dma_start3A_144 : memref<1x128xi32, #tpu.memory_space<vmem>> -> memref<128xi32, #tpu.memory_space<vmem>>
        %dma_start3A_146 = arith.constant 0 : i32
        %dma_start3A_147 = arith.constant 0 : i32
        %dma_start3A_148 = tpu.memref_slice %arg17[%dma_start3A_146, %dma_start3A_147] : memref<5120x128xf32, #tpu.memory_space<vmem_shared>> -> memref<5120x128xf32, #tpu.memory_space<vmem_shared>>
        %dma_start3A_149 = arith.constant -1 : i32
        tpu.enqueue_indirect_dma source(%arg12 : memref<128x128xf32, #tpu.memory_space<vmem>>) target(%dma_start3A_148 : memref<5120x128xf32, #tpu.memory_space<vmem_shared>>) offsets(%dma_start3A_145 : memref<128xi32, #tpu.memory_space<vmem>>) offset_filter(%dma_start3A_149) semaphore(%run_scoped3A_142 : memref<!tpu.dma_semaphore, #tpu.memory_space<semaphore_mem>>) {add = true}
        %dma_wait3A_150 = arith.constant 0 : i32
        %dma_wait3A_151 = tpu.memref_slice %arg8[%run_scoped3A_141, %dma_wait3A_150] : memref<8x128xi32, #tpu.memory_space<vmem>> -> memref<1x128xi32, #tpu.memory_space<vmem>>
        %dma_wait3A_152 = tpu.memref_squeeze %dma_wait3A_151 : memref<1x128xi32, #tpu.memory_space<vmem>> -> memref<128xi32, #tpu.memory_space<vmem>>
        %dma_wait3A_153 = arith.constant 0 : i32
        %dma_wait3A_154 = arith.constant 0 : i32
        %dma_wait3A_155 = tpu.memref_slice %arg17[%dma_wait3A_153, %dma_wait3A_154] : memref<5120x128xf32, #tpu.memory_space<vmem_shared>> -> memref<5120x128xf32, #tpu.memory_space<vmem_shared>>
        tpu.wait_indirect_dma semaphore(%run_scoped3A_142 : memref<!tpu.dma_semaphore, #tpu.memory_space<semaphore_mem>>) src(%arg12 : memref<128x128xf32, #tpu.memory_space<vmem>>) dst(%dma_wait3A_155 : memref<5120x128xf32, #tpu.memory_space<vmem_shared>>)
        tpu.yield
      }) : () -> ()
    }
    %scan3A_4 = arith.constant 20 : i32
    %barrier3A_5 = arith.constant 0 : index
    tpu.barrier barrier_id(%barrier3A_5)
    %mul3A_6 = arith.constant 320 : i32
    %mul3A_7 = arith.muli %arg1, %mul3A_6 : i32
    %mul3A_8 = arith.constant 5120 : i32
    %mul3A_9 = arith.muli %arg0, %mul3A_8 : i32
    %mul3A_10 = arith.constant 320 : i32
    %mul3A_11 = arith.muli %arg1, %mul3A_10 : i32
    %add3A = arith.addi %mul3A_9, %mul3A_11 : i32
    "tpu.region"() ({
      %run_scoped3A = tpu.sem_alloc : memref<!tpu.dma_semaphore, #tpu.memory_space<semaphore_mem>>
      %dma_start3A = arith.constant 0 : i32
      %dma_start3A_12 = tpu.memref_slice %arg6[%add3A, %dma_start3A] : memref<10240x128xf32, #tpu.memory_space<hbm>> -> memref<320x128xf32, #tpu.memory_space<hbm>>
      %dma_start3A_13 = arith.constant 0 : i32
      %dma_start3A_14 = tpu.memref_slice %arg17[%mul3A_7, %dma_start3A_13] : memref<5120x128xf32, #tpu.memory_space<vmem_shared>> -> memref<320x128xf32, #tpu.memory_space<vmem_shared>>
      tpu.enqueue_dma source(%dma_start3A_14 : memref<320x128xf32, #tpu.memory_space<vmem_shared>>) target(%dma_start3A_12 : memref<320x128xf32, #tpu.memory_space<hbm>>) target_semaphore(%run_scoped3A : memref<!tpu.dma_semaphore, #tpu.memory_space<semaphore_mem>>)
      %dma_wait3A = arith.constant 0 : i32
      %dma_wait3A_15 = tpu.memref_slice %arg6[%add3A, %dma_wait3A] : memref<10240x128xf32, #tpu.memory_space<hbm>> -> memref<320x128xf32, #tpu.memory_space<hbm>>
      %dma_wait3A_16 = arith.constant 0 : i32
      %dma_wait3A_17 = tpu.memref_slice %arg17[%mul3A_7, %dma_wait3A_16] : memref<5120x128xf32, #tpu.memory_space<vmem_shared>> -> memref<320x128xf32, #tpu.memory_space<vmem_shared>>
      tpu.wait_dma2 semaphore(%run_scoped3A : memref<!tpu.dma_semaphore, #tpu.memory_space<semaphore_mem>>) src(%dma_wait3A_17 : memref<320x128xf32, #tpu.memory_space<vmem_shared>>) dst(%dma_wait3A_15 : memref<320x128xf32, #tpu.memory_space<hbm>>)
      tpu.yield
    }) : () -> ()
    return
  }
}

#map = affine_map<(d0, d1) -> (0, 0, 0, 0)>
#map1 = affine_map<(d0, d1) -> (0, 0)>
module attributes {stable_mosaic.version = 14 : i64} {
  func.func @deg_kernel(%arg0: i32, %arg1: i32, %arg2: memref<2x16x160x128xi32, #tpu.memory_space<hbm>>, %arg3: memref<2x16x160x128xi32, #tpu.memory_space<hbm>>, %arg4: memref<128x128xf32, #tpu.memory_space<hbm>>, %arg5: memref<128x128xf32, #tpu.memory_space<hbm>>, %arg6: memref<320x128xf32, #tpu.memory_space<hbm>>, %arg7: memref<10240x128xf32, #tpu.memory_space<hbm>>, %arg8: memref<160x128xi32, #tpu.memory_space<vmem>>, %arg9: memref<160x128xi32, #tpu.memory_space<vmem>>, %arg10: memref<128x128xf32, #tpu.memory_space<vmem>>, %arg11: memref<128x128xf32, #tpu.memory_space<vmem>>, %arg12: memref<!tpu.dma_semaphore, #tpu.memory_space<semaphore_mem>>, %arg13: memref<!tpu.dma_semaphore, #tpu.memory_space<semaphore_mem>>, %arg14: memref<5120x128xf32, #tpu.memory_space<vmem_shared>>) attributes {dimension_semantics = [#tpu.dimension_semantics<core_parallel>, #tpu.dimension_semantics<subcore_parallel>], iteration_bounds = array<i64: 2, 16>, scalar_prefetch = 0 : i64, scratch_operands = 7 : i64, tpu.core_type = #tpu.core_type<sc_vector_subcore>, window_params = [{transform_indices = #map}, {transform_indices = #map}, {transform_indices = #map1}, {transform_indices = #map1}, {transform_indices = #map1}, {transform_indices = #map1}]} {
    %mul3A = arith.constant 320 : i32
    %mul3A_0 = arith.muli %arg1, %mul3A : i32
    "tpu.region"() ({
      %run_scoped3A = tpu.sem_alloc : memref<!tpu.dma_semaphore, #tpu.memory_space<semaphore_mem>>
      %dma_start3A = arith.constant 0 : i32
      %dma_start3A_12 = tpu.memref_slice %arg14[%mul3A_0, %dma_start3A] : memref<5120x128xf32, #tpu.memory_space<vmem_shared>> -> memref<320x128xf32, #tpu.memory_space<vmem_shared>>
      tpu.enqueue_dma source(%arg6 : memref<320x128xf32, #tpu.memory_space<hbm>>) target(%dma_start3A_12 : memref<320x128xf32, #tpu.memory_space<vmem_shared>>) target_semaphore(%run_scoped3A : memref<!tpu.dma_semaphore, #tpu.memory_space<semaphore_mem>>)
      %dma_wait3A = arith.constant 0 : i32
      %dma_wait3A_13 = tpu.memref_slice %arg14[%mul3A_0, %dma_wait3A] : memref<5120x128xf32, #tpu.memory_space<vmem_shared>> -> memref<320x128xf32, #tpu.memory_space<vmem_shared>>
      tpu.wait_dma2 semaphore(%run_scoped3A : memref<!tpu.dma_semaphore, #tpu.memory_space<semaphore_mem>>) src(%arg6 : memref<320x128xf32, #tpu.memory_space<hbm>>) dst(%dma_wait3A_13 : memref<320x128xf32, #tpu.memory_space<vmem_shared>>)
      tpu.yield
    }) : () -> ()
    "tpu.region"() ({
      %run_scoped3A = tpu.sem_alloc : memref<!tpu.dma_semaphore, #tpu.memory_space<semaphore_mem>>
      %dma_start3A = arith.constant 0 : i32
      %dma_start3A_12 = arith.constant 0 : i32
      %dma_start3A_13 = tpu.memref_slice %arg2[%arg0, %arg1, %dma_start3A, %dma_start3A_12] : memref<2x16x160x128xi32, #tpu.memory_space<hbm>> -> memref<1x1x160x128xi32, #tpu.memory_space<hbm>>
      %dma_start3A_14 = tpu.memref_squeeze %dma_start3A_13 : memref<1x1x160x128xi32, #tpu.memory_space<hbm>> -> memref<160x128xi32, #tpu.memory_space<hbm>>
      %dma_start3A_15 = arith.constant 0 : i32
      %dma_start3A_16 = arith.constant 0 : i32
      %dma_start3A_17 = tpu.memref_slice %arg2[%arg0, %arg1, %dma_start3A_15, %dma_start3A_16] : memref<2x16x160x128xi32, #tpu.memory_space<hbm>> -> memref<1x1x160x128xi32, #tpu.memory_space<hbm>>
      %dma_start3A_18 = tpu.memref_squeeze %dma_start3A_17 : memref<1x1x160x128xi32, #tpu.memory_space<hbm>> -> memref<160x128xi32, #tpu.memory_space<hbm>>
      tpu.enqueue_dma source(%dma_start3A_18 : memref<160x128xi32, #tpu.memory_space<hbm>>) target(%arg8 : memref<160x128xi32, #tpu.memory_space<vmem>>) target_semaphore(%run_scoped3A : memref<!tpu.dma_semaphore, #tpu.memory_space<semaphore_mem>>)
      %dma_wait3A = arith.constant 0 : i32
      %dma_wait3A_19 = arith.constant 0 : i32
      %dma_wait3A_20 = tpu.memref_slice %arg2[%arg0, %arg1, %dma_wait3A, %dma_wait3A_19] : memref<2x16x160x128xi32, #tpu.memory_space<hbm>> -> memref<1x1x160x128xi32, #tpu.memory_space<hbm>>
      %dma_wait3A_21 = tpu.memref_squeeze %dma_wait3A_20 : memref<1x1x160x128xi32, #tpu.memory_space<hbm>> -> memref<160x128xi32, #tpu.memory_space<hbm>>
      %dma_wait3A_22 = arith.constant 0 : i32
      %dma_wait3A_23 = arith.constant 0 : i32
      %dma_wait3A_24 = tpu.memref_slice %arg2[%arg0, %arg1, %dma_wait3A_22, %dma_wait3A_23] : memref<2x16x160x128xi32, #tpu.memory_space<hbm>> -> memref<1x1x160x128xi32, #tpu.memory_space<hbm>>
      %dma_wait3A_25 = tpu.memref_squeeze %dma_wait3A_24 : memref<1x1x160x128xi32, #tpu.memory_space<hbm>> -> memref<160x128xi32, #tpu.memory_space<hbm>>
      tpu.wait_dma2 semaphore(%run_scoped3A : memref<!tpu.dma_semaphore, #tpu.memory_space<semaphore_mem>>) src(%dma_wait3A_25 : memref<160x128xi32, #tpu.memory_space<hbm>>) dst(%arg8 : memref<160x128xi32, #tpu.memory_space<vmem>>)
      tpu.yield
    }) : () -> ()
    "tpu.region"() ({
      %run_scoped3A = tpu.sem_alloc : memref<!tpu.dma_semaphore, #tpu.memory_space<semaphore_mem>>
      %dma_start3A = arith.constant 0 : i32
      %dma_start3A_12 = arith.constant 0 : i32
      %dma_start3A_13 = tpu.memref_slice %arg3[%arg0, %arg1, %dma_start3A, %dma_start3A_12] : memref<2x16x160x128xi32, #tpu.memory_space<hbm>> -> memref<1x1x160x128xi32, #tpu.memory_space<hbm>>
      %dma_start3A_14 = tpu.memref_squeeze %dma_start3A_13 : memref<1x1x160x128xi32, #tpu.memory_space<hbm>> -> memref<160x128xi32, #tpu.memory_space<hbm>>
      %dma_start3A_15 = arith.constant 0 : i32
      %dma_start3A_16 = arith.constant 0 : i32
      %dma_start3A_17 = tpu.memref_slice %arg3[%arg0, %arg1, %dma_start3A_15, %dma_start3A_16] : memref<2x16x160x128xi32, #tpu.memory_space<hbm>> -> memref<1x1x160x128xi32, #tpu.memory_space<hbm>>
      %dma_start3A_18 = tpu.memref_squeeze %dma_start3A_17 : memref<1x1x160x128xi32, #tpu.memory_space<hbm>> -> memref<160x128xi32, #tpu.memory_space<hbm>>
      tpu.enqueue_dma source(%dma_start3A_18 : memref<160x128xi32, #tpu.memory_space<hbm>>) target(%arg9 : memref<160x128xi32, #tpu.memory_space<vmem>>) target_semaphore(%run_scoped3A : memref<!tpu.dma_semaphore, #tpu.memory_space<semaphore_mem>>)
      %dma_wait3A = arith.constant 0 : i32
      %dma_wait3A_19 = arith.constant 0 : i32
      %dma_wait3A_20 = tpu.memref_slice %arg3[%arg0, %arg1, %dma_wait3A, %dma_wait3A_19] : memref<2x16x160x128xi32, #tpu.memory_space<hbm>> -> memref<1x1x160x128xi32, #tpu.memory_space<hbm>>
      %dma_wait3A_21 = tpu.memref_squeeze %dma_wait3A_20 : memref<1x1x160x128xi32, #tpu.memory_space<hbm>> -> memref<160x128xi32, #tpu.memory_space<hbm>>
      %dma_wait3A_22 = arith.constant 0 : i32
      %dma_wait3A_23 = arith.constant 0 : i32
      %dma_wait3A_24 = tpu.memref_slice %arg3[%arg0, %arg1, %dma_wait3A_22, %dma_wait3A_23] : memref<2x16x160x128xi32, #tpu.memory_space<hbm>> -> memref<1x1x160x128xi32, #tpu.memory_space<hbm>>
      %dma_wait3A_25 = tpu.memref_squeeze %dma_wait3A_24 : memref<1x1x160x128xi32, #tpu.memory_space<hbm>> -> memref<160x128xi32, #tpu.memory_space<hbm>>
      tpu.wait_dma2 semaphore(%run_scoped3A : memref<!tpu.dma_semaphore, #tpu.memory_space<semaphore_mem>>) src(%dma_wait3A_25 : memref<160x128xi32, #tpu.memory_space<hbm>>) dst(%arg9 : memref<160x128xi32, #tpu.memory_space<vmem>>)
      tpu.yield
    }) : () -> ()
    "tpu.region"() ({
      %run_scoped3A = tpu.sem_alloc : memref<!tpu.dma_semaphore, #tpu.memory_space<semaphore_mem>>
      tpu.enqueue_dma source(%arg4 : memref<128x128xf32, #tpu.memory_space<hbm>>) target(%arg10 : memref<128x128xf32, #tpu.memory_space<vmem>>) target_semaphore(%run_scoped3A : memref<!tpu.dma_semaphore, #tpu.memory_space<semaphore_mem>>)
      tpu.wait_dma2 semaphore(%run_scoped3A : memref<!tpu.dma_semaphore, #tpu.memory_space<semaphore_mem>>) src(%arg4 : memref<128x128xf32, #tpu.memory_space<hbm>>) dst(%arg10 : memref<128x128xf32, #tpu.memory_space<vmem>>)
      tpu.yield
    }) : () -> ()
    "tpu.region"() ({
      %run_scoped3A = tpu.sem_alloc : memref<!tpu.dma_semaphore, #tpu.memory_space<semaphore_mem>>
      tpu.enqueue_dma source(%arg5 : memref<128x128xf32, #tpu.memory_space<hbm>>) target(%arg11 : memref<128x128xf32, #tpu.memory_space<vmem>>) target_semaphore(%run_scoped3A : memref<!tpu.dma_semaphore, #tpu.memory_space<semaphore_mem>>)
      tpu.wait_dma2 semaphore(%run_scoped3A : memref<!tpu.dma_semaphore, #tpu.memory_space<semaphore_mem>>) src(%arg5 : memref<128x128xf32, #tpu.memory_space<hbm>>) dst(%arg11 : memref<128x128xf32, #tpu.memory_space<vmem>>)
      tpu.yield
    }) : () -> ()
    %barrier3A = arith.constant 0 : index
    tpu.barrier barrier_id(%barrier3A)
    %scan3A = arith.constant 0 : i32
    %scan3A_1 = arith.constant 20 : i32
    %scan3A_2 = arith.addi %scan3A, %scan3A_1 : i32
    %scan3A_3 = arith.constant 1 : i32
    scf.for %scan3A_12 = %scan3A to %scan3A_2 step %scan3A_3  : i32 {
      %mul3A_13 = arith.constant 8 : i32
      %mul3A_14 = arith.muli %scan3A_12, %mul3A_13 : i32
      %add3A_15 = arith.constant 0 : i32
      %add3A_16 = arith.addi %add3A_15, %mul3A_14 : i32
      %add3A_17 = arith.constant 0 : i32
      %add3A_18 = arith.addi %add3A_16, %add3A_17 : i32
      %dma_start3A = arith.constant 0 : i32
      %dma_start3A_19 = tpu.memref_slice %arg8[%add3A_18, %dma_start3A] : memref<160x128xi32, #tpu.memory_space<vmem>> -> memref<1x128xi32, #tpu.memory_space<vmem>>
      %dma_start3A_20 = tpu.memref_squeeze %dma_start3A_19 : memref<1x128xi32, #tpu.memory_space<vmem>> -> memref<128xi32, #tpu.memory_space<vmem>>
      %dma_start3A_21 = arith.constant 0 : i32
      %dma_start3A_22 = arith.constant 0 : i32
      %dma_start3A_23 = tpu.memref_slice %arg14[%dma_start3A_21, %dma_start3A_22] : memref<5120x128xf32, #tpu.memory_space<vmem_shared>> -> memref<5120x128xf32, #tpu.memory_space<vmem_shared>>
      %dma_start3A_24 = arith.constant -1 : i32
      tpu.enqueue_indirect_dma source(%arg10 : memref<128x128xf32, #tpu.memory_space<vmem>>) target(%dma_start3A_23 : memref<5120x128xf32, #tpu.memory_space<vmem_shared>>) offsets(%dma_start3A_20 : memref<128xi32, #tpu.memory_space<vmem>>) offset_filter(%dma_start3A_24) semaphore(%arg12 : memref<!tpu.dma_semaphore, #tpu.memory_space<semaphore_mem>>) {add = true}
      %add3A_25 = arith.constant 0 : i32
      %add3A_26 = arith.addi %add3A_16, %add3A_25 : i32
      %dma_start3A_27 = arith.constant 0 : i32
      %dma_start3A_28 = tpu.memref_slice %arg9[%add3A_26, %dma_start3A_27] : memref<160x128xi32, #tpu.memory_space<vmem>> -> memref<1x128xi32, #tpu.memory_space<vmem>>
      %dma_start3A_29 = tpu.memref_squeeze %dma_start3A_28 : memref<1x128xi32, #tpu.memory_space<vmem>> -> memref<128xi32, #tpu.memory_space<vmem>>
      %dma_start3A_30 = arith.constant 0 : i32
      %dma_start3A_31 = arith.constant 0 : i32
      %dma_start3A_32 = tpu.memref_slice %arg14[%dma_start3A_30, %dma_start3A_31] : memref<5120x128xf32, #tpu.memory_space<vmem_shared>> -> memref<5120x128xf32, #tpu.memory_space<vmem_shared>>
      %dma_start3A_33 = arith.constant -1 : i32
      tpu.enqueue_indirect_dma source(%arg11 : memref<128x128xf32, #tpu.memory_space<vmem>>) target(%dma_start3A_32 : memref<5120x128xf32, #tpu.memory_space<vmem_shared>>) offsets(%dma_start3A_29 : memref<128xi32, #tpu.memory_space<vmem>>) offset_filter(%dma_start3A_33) semaphore(%arg13 : memref<!tpu.dma_semaphore, #tpu.memory_space<semaphore_mem>>) {add = true}
      %add3A_34 = arith.constant 1 : i32
      %add3A_35 = arith.addi %add3A_16, %add3A_34 : i32
      %dma_start3A_36 = arith.constant 0 : i32
      %dma_start3A_37 = tpu.memref_slice %arg8[%add3A_35, %dma_start3A_36] : memref<160x128xi32, #tpu.memory_space<vmem>> -> memref<1x128xi32, #tpu.memory_space<vmem>>
      %dma_start3A_38 = tpu.memref_squeeze %dma_start3A_37 : memref<1x128xi32, #tpu.memory_space<vmem>> -> memref<128xi32, #tpu.memory_space<vmem>>
      %dma_start3A_39 = arith.constant 0 : i32
      %dma_start3A_40 = arith.constant 0 : i32
      %dma_start3A_41 = tpu.memref_slice %arg14[%dma_start3A_39, %dma_start3A_40] : memref<5120x128xf32, #tpu.memory_space<vmem_shared>> -> memref<5120x128xf32, #tpu.memory_space<vmem_shared>>
      %dma_start3A_42 = arith.constant -1 : i32
      tpu.enqueue_indirect_dma source(%arg10 : memref<128x128xf32, #tpu.memory_space<vmem>>) target(%dma_start3A_41 : memref<5120x128xf32, #tpu.memory_space<vmem_shared>>) offsets(%dma_start3A_38 : memref<128xi32, #tpu.memory_space<vmem>>) offset_filter(%dma_start3A_42) semaphore(%arg12 : memref<!tpu.dma_semaphore, #tpu.memory_space<semaphore_mem>>) {add = true}
      %add3A_43 = arith.constant 1 : i32
      %add3A_44 = arith.addi %add3A_16, %add3A_43 : i32
      %dma_start3A_45 = arith.constant 0 : i32
      %dma_start3A_46 = tpu.memref_slice %arg9[%add3A_44, %dma_start3A_45] : memref<160x128xi32, #tpu.memory_space<vmem>> -> memref<1x128xi32, #tpu.memory_space<vmem>>
      %dma_start3A_47 = tpu.memref_squeeze %dma_start3A_46 : memref<1x128xi32, #tpu.memory_space<vmem>> -> memref<128xi32, #tpu.memory_space<vmem>>
      %dma_start3A_48 = arith.constant 0 : i32
      %dma_start3A_49 = arith.constant 0 : i32
      %dma_start3A_50 = tpu.memref_slice %arg14[%dma_start3A_48, %dma_start3A_49] : memref<5120x128xf32, #tpu.memory_space<vmem_shared>> -> memref<5120x128xf32, #tpu.memory_space<vmem_shared>>
      %dma_start3A_51 = arith.constant -1 : i32
      tpu.enqueue_indirect_dma source(%arg11 : memref<128x128xf32, #tpu.memory_space<vmem>>) target(%dma_start3A_50 : memref<5120x128xf32, #tpu.memory_space<vmem_shared>>) offsets(%dma_start3A_47 : memref<128xi32, #tpu.memory_space<vmem>>) offset_filter(%dma_start3A_51) semaphore(%arg13 : memref<!tpu.dma_semaphore, #tpu.memory_space<semaphore_mem>>) {add = true}
      %add3A_52 = arith.constant 2 : i32
      %add3A_53 = arith.addi %add3A_16, %add3A_52 : i32
      %dma_start3A_54 = arith.constant 0 : i32
      %dma_start3A_55 = tpu.memref_slice %arg8[%add3A_53, %dma_start3A_54] : memref<160x128xi32, #tpu.memory_space<vmem>> -> memref<1x128xi32, #tpu.memory_space<vmem>>
      %dma_start3A_56 = tpu.memref_squeeze %dma_start3A_55 : memref<1x128xi32, #tpu.memory_space<vmem>> -> memref<128xi32, #tpu.memory_space<vmem>>
      %dma_start3A_57 = arith.constant 0 : i32
      %dma_start3A_58 = arith.constant 0 : i32
      %dma_start3A_59 = tpu.memref_slice %arg14[%dma_start3A_57, %dma_start3A_58] : memref<5120x128xf32, #tpu.memory_space<vmem_shared>> -> memref<5120x128xf32, #tpu.memory_space<vmem_shared>>
      %dma_start3A_60 = arith.constant -1 : i32
      tpu.enqueue_indirect_dma source(%arg10 : memref<128x128xf32, #tpu.memory_space<vmem>>) target(%dma_start3A_59 : memref<5120x128xf32, #tpu.memory_space<vmem_shared>>) offsets(%dma_start3A_56 : memref<128xi32, #tpu.memory_space<vmem>>) offset_filter(%dma_start3A_60) semaphore(%arg12 : memref<!tpu.dma_semaphore, #tpu.memory_space<semaphore_mem>>) {add = true}
      %add3A_61 = arith.constant 2 : i32
      %add3A_62 = arith.addi %add3A_16, %add3A_61 : i32
      %dma_start3A_63 = arith.constant 0 : i32
      %dma_start3A_64 = tpu.memref_slice %arg9[%add3A_62, %dma_start3A_63] : memref<160x128xi32, #tpu.memory_space<vmem>> -> memref<1x128xi32, #tpu.memory_space<vmem>>
      %dma_start3A_65 = tpu.memref_squeeze %dma_start3A_64 : memref<1x128xi32, #tpu.memory_space<vmem>> -> memref<128xi32, #tpu.memory_space<vmem>>
      %dma_start3A_66 = arith.constant 0 : i32
      %dma_start3A_67 = arith.constant 0 : i32
      %dma_start3A_68 = tpu.memref_slice %arg14[%dma_start3A_66, %dma_start3A_67] : memref<5120x128xf32, #tpu.memory_space<vmem_shared>> -> memref<5120x128xf32, #tpu.memory_space<vmem_shared>>
      %dma_start3A_69 = arith.constant -1 : i32
      tpu.enqueue_indirect_dma source(%arg11 : memref<128x128xf32, #tpu.memory_space<vmem>>) target(%dma_start3A_68 : memref<5120x128xf32, #tpu.memory_space<vmem_shared>>) offsets(%dma_start3A_65 : memref<128xi32, #tpu.memory_space<vmem>>) offset_filter(%dma_start3A_69) semaphore(%arg13 : memref<!tpu.dma_semaphore, #tpu.memory_space<semaphore_mem>>) {add = true}
      %add3A_70 = arith.constant 3 : i32
      %add3A_71 = arith.addi %add3A_16, %add3A_70 : i32
      %dma_start3A_72 = arith.constant 0 : i32
      %dma_start3A_73 = tpu.memref_slice %arg8[%add3A_71, %dma_start3A_72] : memref<160x128xi32, #tpu.memory_space<vmem>> -> memref<1x128xi32, #tpu.memory_space<vmem>>
      %dma_start3A_74 = tpu.memref_squeeze %dma_start3A_73 : memref<1x128xi32, #tpu.memory_space<vmem>> -> memref<128xi32, #tpu.memory_space<vmem>>
      %dma_start3A_75 = arith.constant 0 : i32
      %dma_start3A_76 = arith.constant 0 : i32
      %dma_start3A_77 = tpu.memref_slice %arg14[%dma_start3A_75, %dma_start3A_76] : memref<5120x128xf32, #tpu.memory_space<vmem_shared>> -> memref<5120x128xf32, #tpu.memory_space<vmem_shared>>
      %dma_start3A_78 = arith.constant -1 : i32
      tpu.enqueue_indirect_dma source(%arg10 : memref<128x128xf32, #tpu.memory_space<vmem>>) target(%dma_start3A_77 : memref<5120x128xf32, #tpu.memory_space<vmem_shared>>) offsets(%dma_start3A_74 : memref<128xi32, #tpu.memory_space<vmem>>) offset_filter(%dma_start3A_78) semaphore(%arg12 : memref<!tpu.dma_semaphore, #tpu.memory_space<semaphore_mem>>) {add = true}
      %add3A_79 = arith.constant 3 : i32
      %add3A_80 = arith.addi %add3A_16, %add3A_79 : i32
      %dma_start3A_81 = arith.constant 0 : i32
      %dma_start3A_82 = tpu.memref_slice %arg9[%add3A_80, %dma_start3A_81] : memref<160x128xi32, #tpu.memory_space<vmem>> -> memref<1x128xi32, #tpu.memory_space<vmem>>
      %dma_start3A_83 = tpu.memref_squeeze %dma_start3A_82 : memref<1x128xi32, #tpu.memory_space<vmem>> -> memref<128xi32, #tpu.memory_space<vmem>>
      %dma_start3A_84 = arith.constant 0 : i32
      %dma_start3A_85 = arith.constant 0 : i32
      %dma_start3A_86 = tpu.memref_slice %arg14[%dma_start3A_84, %dma_start3A_85] : memref<5120x128xf32, #tpu.memory_space<vmem_shared>> -> memref<5120x128xf32, #tpu.memory_space<vmem_shared>>
      %dma_start3A_87 = arith.constant -1 : i32
      tpu.enqueue_indirect_dma source(%arg11 : memref<128x128xf32, #tpu.memory_space<vmem>>) target(%dma_start3A_86 : memref<5120x128xf32, #tpu.memory_space<vmem_shared>>) offsets(%dma_start3A_83 : memref<128xi32, #tpu.memory_space<vmem>>) offset_filter(%dma_start3A_87) semaphore(%arg13 : memref<!tpu.dma_semaphore, #tpu.memory_space<semaphore_mem>>) {add = true}
      %add3A_88 = arith.constant 4 : i32
      %add3A_89 = arith.addi %add3A_16, %add3A_88 : i32
      %dma_start3A_90 = arith.constant 0 : i32
      %dma_start3A_91 = tpu.memref_slice %arg8[%add3A_89, %dma_start3A_90] : memref<160x128xi32, #tpu.memory_space<vmem>> -> memref<1x128xi32, #tpu.memory_space<vmem>>
      %dma_start3A_92 = tpu.memref_squeeze %dma_start3A_91 : memref<1x128xi32, #tpu.memory_space<vmem>> -> memref<128xi32, #tpu.memory_space<vmem>>
      %dma_start3A_93 = arith.constant 0 : i32
      %dma_start3A_94 = arith.constant 0 : i32
      %dma_start3A_95 = tpu.memref_slice %arg14[%dma_start3A_93, %dma_start3A_94] : memref<5120x128xf32, #tpu.memory_space<vmem_shared>> -> memref<5120x128xf32, #tpu.memory_space<vmem_shared>>
      %dma_start3A_96 = arith.constant -1 : i32
      tpu.enqueue_indirect_dma source(%arg10 : memref<128x128xf32, #tpu.memory_space<vmem>>) target(%dma_start3A_95 : memref<5120x128xf32, #tpu.memory_space<vmem_shared>>) offsets(%dma_start3A_92 : memref<128xi32, #tpu.memory_space<vmem>>) offset_filter(%dma_start3A_96) semaphore(%arg12 : memref<!tpu.dma_semaphore, #tpu.memory_space<semaphore_mem>>) {add = true}
      %add3A_97 = arith.constant 4 : i32
      %add3A_98 = arith.addi %add3A_16, %add3A_97 : i32
      %dma_start3A_99 = arith.constant 0 : i32
      %dma_start3A_100 = tpu.memref_slice %arg9[%add3A_98, %dma_start3A_99] : memref<160x128xi32, #tpu.memory_space<vmem>> -> memref<1x128xi32, #tpu.memory_space<vmem>>
      %dma_start3A_101 = tpu.memref_squeeze %dma_start3A_100 : memref<1x128xi32, #tpu.memory_space<vmem>> -> memref<128xi32, #tpu.memory_space<vmem>>
      %dma_start3A_102 = arith.constant 0 : i32
      %dma_start3A_103 = arith.constant 0 : i32
      %dma_start3A_104 = tpu.memref_slice %arg14[%dma_start3A_102, %dma_start3A_103] : memref<5120x128xf32, #tpu.memory_space<vmem_shared>> -> memref<5120x128xf32, #tpu.memory_space<vmem_shared>>
      %dma_start3A_105 = arith.constant -1 : i32
      tpu.enqueue_indirect_dma source(%arg11 : memref<128x128xf32, #tpu.memory_space<vmem>>) target(%dma_start3A_104 : memref<5120x128xf32, #tpu.memory_space<vmem_shared>>) offsets(%dma_start3A_101 : memref<128xi32, #tpu.memory_space<vmem>>) offset_filter(%dma_start3A_105) semaphore(%arg13 : memref<!tpu.dma_semaphore, #tpu.memory_space<semaphore_mem>>) {add = true}
      %add3A_106 = arith.constant 5 : i32
      %add3A_107 = arith.addi %add3A_16, %add3A_106 : i32
      %dma_start3A_108 = arith.constant 0 : i32
      %dma_start3A_109 = tpu.memref_slice %arg8[%add3A_107, %dma_start3A_108] : memref<160x128xi32, #tpu.memory_space<vmem>> -> memref<1x128xi32, #tpu.memory_space<vmem>>
      %dma_start3A_110 = tpu.memref_squeeze %dma_start3A_109 : memref<1x128xi32, #tpu.memory_space<vmem>> -> memref<128xi32, #tpu.memory_space<vmem>>
      %dma_start3A_111 = arith.constant 0 : i32
      %dma_start3A_112 = arith.constant 0 : i32
      %dma_start3A_113 = tpu.memref_slice %arg14[%dma_start3A_111, %dma_start3A_112] : memref<5120x128xf32, #tpu.memory_space<vmem_shared>> -> memref<5120x128xf32, #tpu.memory_space<vmem_shared>>
      %dma_start3A_114 = arith.constant -1 : i32
      tpu.enqueue_indirect_dma source(%arg10 : memref<128x128xf32, #tpu.memory_space<vmem>>) target(%dma_start3A_113 : memref<5120x128xf32, #tpu.memory_space<vmem_shared>>) offsets(%dma_start3A_110 : memref<128xi32, #tpu.memory_space<vmem>>) offset_filter(%dma_start3A_114) semaphore(%arg12 : memref<!tpu.dma_semaphore, #tpu.memory_space<semaphore_mem>>) {add = true}
      %add3A_115 = arith.constant 5 : i32
      %add3A_116 = arith.addi %add3A_16, %add3A_115 : i32
      %dma_start3A_117 = arith.constant 0 : i32
      %dma_start3A_118 = tpu.memref_slice %arg9[%add3A_116, %dma_start3A_117] : memref<160x128xi32, #tpu.memory_space<vmem>> -> memref<1x128xi32, #tpu.memory_space<vmem>>
      %dma_start3A_119 = tpu.memref_squeeze %dma_start3A_118 : memref<1x128xi32, #tpu.memory_space<vmem>> -> memref<128xi32, #tpu.memory_space<vmem>>
      %dma_start3A_120 = arith.constant 0 : i32
      %dma_start3A_121 = arith.constant 0 : i32
      %dma_start3A_122 = tpu.memref_slice %arg14[%dma_start3A_120, %dma_start3A_121] : memref<5120x128xf32, #tpu.memory_space<vmem_shared>> -> memref<5120x128xf32, #tpu.memory_space<vmem_shared>>
      %dma_start3A_123 = arith.constant -1 : i32
      tpu.enqueue_indirect_dma source(%arg11 : memref<128x128xf32, #tpu.memory_space<vmem>>) target(%dma_start3A_122 : memref<5120x128xf32, #tpu.memory_space<vmem_shared>>) offsets(%dma_start3A_119 : memref<128xi32, #tpu.memory_space<vmem>>) offset_filter(%dma_start3A_123) semaphore(%arg13 : memref<!tpu.dma_semaphore, #tpu.memory_space<semaphore_mem>>) {add = true}
      %add3A_124 = arith.constant 6 : i32
      %add3A_125 = arith.addi %add3A_16, %add3A_124 : i32
      %dma_start3A_126 = arith.constant 0 : i32
      %dma_start3A_127 = tpu.memref_slice %arg8[%add3A_125, %dma_start3A_126] : memref<160x128xi32, #tpu.memory_space<vmem>> -> memref<1x128xi32, #tpu.memory_space<vmem>>
      %dma_start3A_128 = tpu.memref_squeeze %dma_start3A_127 : memref<1x128xi32, #tpu.memory_space<vmem>> -> memref<128xi32, #tpu.memory_space<vmem>>
      %dma_start3A_129 = arith.constant 0 : i32
      %dma_start3A_130 = arith.constant 0 : i32
      %dma_start3A_131 = tpu.memref_slice %arg14[%dma_start3A_129, %dma_start3A_130] : memref<5120x128xf32, #tpu.memory_space<vmem_shared>> -> memref<5120x128xf32, #tpu.memory_space<vmem_shared>>
      %dma_start3A_132 = arith.constant -1 : i32
      tpu.enqueue_indirect_dma source(%arg10 : memref<128x128xf32, #tpu.memory_space<vmem>>) target(%dma_start3A_131 : memref<5120x128xf32, #tpu.memory_space<vmem_shared>>) offsets(%dma_start3A_128 : memref<128xi32, #tpu.memory_space<vmem>>) offset_filter(%dma_start3A_132) semaphore(%arg12 : memref<!tpu.dma_semaphore, #tpu.memory_space<semaphore_mem>>) {add = true}
      %add3A_133 = arith.constant 6 : i32
      %add3A_134 = arith.addi %add3A_16, %add3A_133 : i32
      %dma_start3A_135 = arith.constant 0 : i32
      %dma_start3A_136 = tpu.memref_slice %arg9[%add3A_134, %dma_start3A_135] : memref<160x128xi32, #tpu.memory_space<vmem>> -> memref<1x128xi32, #tpu.memory_space<vmem>>
      %dma_start3A_137 = tpu.memref_squeeze %dma_start3A_136 : memref<1x128xi32, #tpu.memory_space<vmem>> -> memref<128xi32, #tpu.memory_space<vmem>>
      %dma_start3A_138 = arith.constant 0 : i32
      %dma_start3A_139 = arith.constant 0 : i32
      %dma_start3A_140 = tpu.memref_slice %arg14[%dma_start3A_138, %dma_start3A_139] : memref<5120x128xf32, #tpu.memory_space<vmem_shared>> -> memref<5120x128xf32, #tpu.memory_space<vmem_shared>>
      %dma_start3A_141 = arith.constant -1 : i32
      tpu.enqueue_indirect_dma source(%arg11 : memref<128x128xf32, #tpu.memory_space<vmem>>) target(%dma_start3A_140 : memref<5120x128xf32, #tpu.memory_space<vmem_shared>>) offsets(%dma_start3A_137 : memref<128xi32, #tpu.memory_space<vmem>>) offset_filter(%dma_start3A_141) semaphore(%arg13 : memref<!tpu.dma_semaphore, #tpu.memory_space<semaphore_mem>>) {add = true}
      %add3A_142 = arith.constant 7 : i32
      %add3A_143 = arith.addi %add3A_16, %add3A_142 : i32
      %dma_start3A_144 = arith.constant 0 : i32
      %dma_start3A_145 = tpu.memref_slice %arg8[%add3A_143, %dma_start3A_144] : memref<160x128xi32, #tpu.memory_space<vmem>> -> memref<1x128xi32, #tpu.memory_space<vmem>>
      %dma_start3A_146 = tpu.memref_squeeze %dma_start3A_145 : memref<1x128xi32, #tpu.memory_space<vmem>> -> memref<128xi32, #tpu.memory_space<vmem>>
      %dma_start3A_147 = arith.constant 0 : i32
      %dma_start3A_148 = arith.constant 0 : i32
      %dma_start3A_149 = tpu.memref_slice %arg14[%dma_start3A_147, %dma_start3A_148] : memref<5120x128xf32, #tpu.memory_space<vmem_shared>> -> memref<5120x128xf32, #tpu.memory_space<vmem_shared>>
      %dma_start3A_150 = arith.constant -1 : i32
      tpu.enqueue_indirect_dma source(%arg10 : memref<128x128xf32, #tpu.memory_space<vmem>>) target(%dma_start3A_149 : memref<5120x128xf32, #tpu.memory_space<vmem_shared>>) offsets(%dma_start3A_146 : memref<128xi32, #tpu.memory_space<vmem>>) offset_filter(%dma_start3A_150) semaphore(%arg12 : memref<!tpu.dma_semaphore, #tpu.memory_space<semaphore_mem>>) {add = true}
      %add3A_151 = arith.constant 7 : i32
      %add3A_152 = arith.addi %add3A_16, %add3A_151 : i32
      %dma_start3A_153 = arith.constant 0 : i32
      %dma_start3A_154 = tpu.memref_slice %arg9[%add3A_152, %dma_start3A_153] : memref<160x128xi32, #tpu.memory_space<vmem>> -> memref<1x128xi32, #tpu.memory_space<vmem>>
      %dma_start3A_155 = tpu.memref_squeeze %dma_start3A_154 : memref<1x128xi32, #tpu.memory_space<vmem>> -> memref<128xi32, #tpu.memory_space<vmem>>
      %dma_start3A_156 = arith.constant 0 : i32
      %dma_start3A_157 = arith.constant 0 : i32
      %dma_start3A_158 = tpu.memref_slice %arg14[%dma_start3A_156, %dma_start3A_157] : memref<5120x128xf32, #tpu.memory_space<vmem_shared>> -> memref<5120x128xf32, #tpu.memory_space<vmem_shared>>
      %dma_start3A_159 = arith.constant -1 : i32
      tpu.enqueue_indirect_dma source(%arg11 : memref<128x128xf32, #tpu.memory_space<vmem>>) target(%dma_start3A_158 : memref<5120x128xf32, #tpu.memory_space<vmem_shared>>) offsets(%dma_start3A_155 : memref<128xi32, #tpu.memory_space<vmem>>) offset_filter(%dma_start3A_159) semaphore(%arg13 : memref<!tpu.dma_semaphore, #tpu.memory_space<semaphore_mem>>) {add = true}
      %dma_wait3A = arith.constant 0 : i32
      %dma_wait3A_160 = tpu.memref_slice %arg8[%add3A_18, %dma_wait3A] : memref<160x128xi32, #tpu.memory_space<vmem>> -> memref<1x128xi32, #tpu.memory_space<vmem>>
      %dma_wait3A_161 = tpu.memref_squeeze %dma_wait3A_160 : memref<1x128xi32, #tpu.memory_space<vmem>> -> memref<128xi32, #tpu.memory_space<vmem>>
      %dma_wait3A_162 = arith.constant 0 : i32
      %dma_wait3A_163 = arith.constant 0 : i32
      %dma_wait3A_164 = tpu.memref_slice %arg14[%dma_wait3A_162, %dma_wait3A_163] : memref<5120x128xf32, #tpu.memory_space<vmem_shared>> -> memref<5120x128xf32, #tpu.memory_space<vmem_shared>>
      tpu.wait_indirect_dma semaphore(%arg12 : memref<!tpu.dma_semaphore, #tpu.memory_space<semaphore_mem>>) src(%arg10 : memref<128x128xf32, #tpu.memory_space<vmem>>) dst(%dma_wait3A_164 : memref<5120x128xf32, #tpu.memory_space<vmem_shared>>)
      %dma_wait3A_165 = arith.constant 0 : i32
      %dma_wait3A_166 = tpu.memref_slice %arg9[%add3A_26, %dma_wait3A_165] : memref<160x128xi32, #tpu.memory_space<vmem>> -> memref<1x128xi32, #tpu.memory_space<vmem>>
      %dma_wait3A_167 = tpu.memref_squeeze %dma_wait3A_166 : memref<1x128xi32, #tpu.memory_space<vmem>> -> memref<128xi32, #tpu.memory_space<vmem>>
      %dma_wait3A_168 = arith.constant 0 : i32
      %dma_wait3A_169 = arith.constant 0 : i32
      %dma_wait3A_170 = tpu.memref_slice %arg14[%dma_wait3A_168, %dma_wait3A_169] : memref<5120x128xf32, #tpu.memory_space<vmem_shared>> -> memref<5120x128xf32, #tpu.memory_space<vmem_shared>>
      tpu.wait_indirect_dma semaphore(%arg13 : memref<!tpu.dma_semaphore, #tpu.memory_space<semaphore_mem>>) src(%arg11 : memref<128x128xf32, #tpu.memory_space<vmem>>) dst(%dma_wait3A_170 : memref<5120x128xf32, #tpu.memory_space<vmem_shared>>)
      %dma_wait3A_171 = arith.constant 0 : i32
      %dma_wait3A_172 = tpu.memref_slice %arg8[%add3A_35, %dma_wait3A_171] : memref<160x128xi32, #tpu.memory_space<vmem>> -> memref<1x128xi32, #tpu.memory_space<vmem>>
      %dma_wait3A_173 = tpu.memref_squeeze %dma_wait3A_172 : memref<1x128xi32, #tpu.memory_space<vmem>> -> memref<128xi32, #tpu.memory_space<vmem>>
      %dma_wait3A_174 = arith.constant 0 : i32
      %dma_wait3A_175 = arith.constant 0 : i32
      %dma_wait3A_176 = tpu.memref_slice %arg14[%dma_wait3A_174, %dma_wait3A_175] : memref<5120x128xf32, #tpu.memory_space<vmem_shared>> -> memref<5120x128xf32, #tpu.memory_space<vmem_shared>>
      tpu.wait_indirect_dma semaphore(%arg12 : memref<!tpu.dma_semaphore, #tpu.memory_space<semaphore_mem>>) src(%arg10 : memref<128x128xf32, #tpu.memory_space<vmem>>) dst(%dma_wait3A_176 : memref<5120x128xf32, #tpu.memory_space<vmem_shared>>)
      %dma_wait3A_177 = arith.constant 0 : i32
      %dma_wait3A_178 = tpu.memref_slice %arg9[%add3A_44, %dma_wait3A_177] : memref<160x128xi32, #tpu.memory_space<vmem>> -> memref<1x128xi32, #tpu.memory_space<vmem>>
      %dma_wait3A_179 = tpu.memref_squeeze %dma_wait3A_178 : memref<1x128xi32, #tpu.memory_space<vmem>> -> memref<128xi32, #tpu.memory_space<vmem>>
      %dma_wait3A_180 = arith.constant 0 : i32
      %dma_wait3A_181 = arith.constant 0 : i32
      %dma_wait3A_182 = tpu.memref_slice %arg14[%dma_wait3A_180, %dma_wait3A_181] : memref<5120x128xf32, #tpu.memory_space<vmem_shared>> -> memref<5120x128xf32, #tpu.memory_space<vmem_shared>>
      tpu.wait_indirect_dma semaphore(%arg13 : memref<!tpu.dma_semaphore, #tpu.memory_space<semaphore_mem>>) src(%arg11 : memref<128x128xf32, #tpu.memory_space<vmem>>) dst(%dma_wait3A_182 : memref<5120x128xf32, #tpu.memory_space<vmem_shared>>)
      %dma_wait3A_183 = arith.constant 0 : i32
      %dma_wait3A_184 = tpu.memref_slice %arg8[%add3A_53, %dma_wait3A_183] : memref<160x128xi32, #tpu.memory_space<vmem>> -> memref<1x128xi32, #tpu.memory_space<vmem>>
      %dma_wait3A_185 = tpu.memref_squeeze %dma_wait3A_184 : memref<1x128xi32, #tpu.memory_space<vmem>> -> memref<128xi32, #tpu.memory_space<vmem>>
      %dma_wait3A_186 = arith.constant 0 : i32
      %dma_wait3A_187 = arith.constant 0 : i32
      %dma_wait3A_188 = tpu.memref_slice %arg14[%dma_wait3A_186, %dma_wait3A_187] : memref<5120x128xf32, #tpu.memory_space<vmem_shared>> -> memref<5120x128xf32, #tpu.memory_space<vmem_shared>>
      tpu.wait_indirect_dma semaphore(%arg12 : memref<!tpu.dma_semaphore, #tpu.memory_space<semaphore_mem>>) src(%arg10 : memref<128x128xf32, #tpu.memory_space<vmem>>) dst(%dma_wait3A_188 : memref<5120x128xf32, #tpu.memory_space<vmem_shared>>)
      %dma_wait3A_189 = arith.constant 0 : i32
      %dma_wait3A_190 = tpu.memref_slice %arg9[%add3A_62, %dma_wait3A_189] : memref<160x128xi32, #tpu.memory_space<vmem>> -> memref<1x128xi32, #tpu.memory_space<vmem>>
      %dma_wait3A_191 = tpu.memref_squeeze %dma_wait3A_190 : memref<1x128xi32, #tpu.memory_space<vmem>> -> memref<128xi32, #tpu.memory_space<vmem>>
      %dma_wait3A_192 = arith.constant 0 : i32
      %dma_wait3A_193 = arith.constant 0 : i32
      %dma_wait3A_194 = tpu.memref_slice %arg14[%dma_wait3A_192, %dma_wait3A_193] : memref<5120x128xf32, #tpu.memory_space<vmem_shared>> -> memref<5120x128xf32, #tpu.memory_space<vmem_shared>>
      tpu.wait_indirect_dma semaphore(%arg13 : memref<!tpu.dma_semaphore, #tpu.memory_space<semaphore_mem>>) src(%arg11 : memref<128x128xf32, #tpu.memory_space<vmem>>) dst(%dma_wait3A_194 : memref<5120x128xf32, #tpu.memory_space<vmem_shared>>)
      %dma_wait3A_195 = arith.constant 0 : i32
      %dma_wait3A_196 = tpu.memref_slice %arg8[%add3A_71, %dma_wait3A_195] : memref<160x128xi32, #tpu.memory_space<vmem>> -> memref<1x128xi32, #tpu.memory_space<vmem>>
      %dma_wait3A_197 = tpu.memref_squeeze %dma_wait3A_196 : memref<1x128xi32, #tpu.memory_space<vmem>> -> memref<128xi32, #tpu.memory_space<vmem>>
      %dma_wait3A_198 = arith.constant 0 : i32
      %dma_wait3A_199 = arith.constant 0 : i32
      %dma_wait3A_200 = tpu.memref_slice %arg14[%dma_wait3A_198, %dma_wait3A_199] : memref<5120x128xf32, #tpu.memory_space<vmem_shared>> -> memref<5120x128xf32, #tpu.memory_space<vmem_shared>>
      tpu.wait_indirect_dma semaphore(%arg12 : memref<!tpu.dma_semaphore, #tpu.memory_space<semaphore_mem>>) src(%arg10 : memref<128x128xf32, #tpu.memory_space<vmem>>) dst(%dma_wait3A_200 : memref<5120x128xf32, #tpu.memory_space<vmem_shared>>)
      %dma_wait3A_201 = arith.constant 0 : i32
      %dma_wait3A_202 = tpu.memref_slice %arg9[%add3A_80, %dma_wait3A_201] : memref<160x128xi32, #tpu.memory_space<vmem>> -> memref<1x128xi32, #tpu.memory_space<vmem>>
      %dma_wait3A_203 = tpu.memref_squeeze %dma_wait3A_202 : memref<1x128xi32, #tpu.memory_space<vmem>> -> memref<128xi32, #tpu.memory_space<vmem>>
      %dma_wait3A_204 = arith.constant 0 : i32
      %dma_wait3A_205 = arith.constant 0 : i32
      %dma_wait3A_206 = tpu.memref_slice %arg14[%dma_wait3A_204, %dma_wait3A_205] : memref<5120x128xf32, #tpu.memory_space<vmem_shared>> -> memref<5120x128xf32, #tpu.memory_space<vmem_shared>>
      tpu.wait_indirect_dma semaphore(%arg13 : memref<!tpu.dma_semaphore, #tpu.memory_space<semaphore_mem>>) src(%arg11 : memref<128x128xf32, #tpu.memory_space<vmem>>) dst(%dma_wait3A_206 : memref<5120x128xf32, #tpu.memory_space<vmem_shared>>)
      %dma_wait3A_207 = arith.constant 0 : i32
      %dma_wait3A_208 = tpu.memref_slice %arg8[%add3A_89, %dma_wait3A_207] : memref<160x128xi32, #tpu.memory_space<vmem>> -> memref<1x128xi32, #tpu.memory_space<vmem>>
      %dma_wait3A_209 = tpu.memref_squeeze %dma_wait3A_208 : memref<1x128xi32, #tpu.memory_space<vmem>> -> memref<128xi32, #tpu.memory_space<vmem>>
      %dma_wait3A_210 = arith.constant 0 : i32
      %dma_wait3A_211 = arith.constant 0 : i32
      %dma_wait3A_212 = tpu.memref_slice %arg14[%dma_wait3A_210, %dma_wait3A_211] : memref<5120x128xf32, #tpu.memory_space<vmem_shared>> -> memref<5120x128xf32, #tpu.memory_space<vmem_shared>>
      tpu.wait_indirect_dma semaphore(%arg12 : memref<!tpu.dma_semaphore, #tpu.memory_space<semaphore_mem>>) src(%arg10 : memref<128x128xf32, #tpu.memory_space<vmem>>) dst(%dma_wait3A_212 : memref<5120x128xf32, #tpu.memory_space<vmem_shared>>)
      %dma_wait3A_213 = arith.constant 0 : i32
      %dma_wait3A_214 = tpu.memref_slice %arg9[%add3A_98, %dma_wait3A_213] : memref<160x128xi32, #tpu.memory_space<vmem>> -> memref<1x128xi32, #tpu.memory_space<vmem>>
      %dma_wait3A_215 = tpu.memref_squeeze %dma_wait3A_214 : memref<1x128xi32, #tpu.memory_space<vmem>> -> memref<128xi32, #tpu.memory_space<vmem>>
      %dma_wait3A_216 = arith.constant 0 : i32
      %dma_wait3A_217 = arith.constant 0 : i32
      %dma_wait3A_218 = tpu.memref_slice %arg14[%dma_wait3A_216, %dma_wait3A_217] : memref<5120x128xf32, #tpu.memory_space<vmem_shared>> -> memref<5120x128xf32, #tpu.memory_space<vmem_shared>>
      tpu.wait_indirect_dma semaphore(%arg13 : memref<!tpu.dma_semaphore, #tpu.memory_space<semaphore_mem>>) src(%arg11 : memref<128x128xf32, #tpu.memory_space<vmem>>) dst(%dma_wait3A_218 : memref<5120x128xf32, #tpu.memory_space<vmem_shared>>)
      %dma_wait3A_219 = arith.constant 0 : i32
      %dma_wait3A_220 = tpu.memref_slice %arg8[%add3A_107, %dma_wait3A_219] : memref<160x128xi32, #tpu.memory_space<vmem>> -> memref<1x128xi32, #tpu.memory_space<vmem>>
      %dma_wait3A_221 = tpu.memref_squeeze %dma_wait3A_220 : memref<1x128xi32, #tpu.memory_space<vmem>> -> memref<128xi32, #tpu.memory_space<vmem>>
      %dma_wait3A_222 = arith.constant 0 : i32
      %dma_wait3A_223 = arith.constant 0 : i32
      %dma_wait3A_224 = tpu.memref_slice %arg14[%dma_wait3A_222, %dma_wait3A_223] : memref<5120x128xf32, #tpu.memory_space<vmem_shared>> -> memref<5120x128xf32, #tpu.memory_space<vmem_shared>>
      tpu.wait_indirect_dma semaphore(%arg12 : memref<!tpu.dma_semaphore, #tpu.memory_space<semaphore_mem>>) src(%arg10 : memref<128x128xf32, #tpu.memory_space<vmem>>) dst(%dma_wait3A_224 : memref<5120x128xf32, #tpu.memory_space<vmem_shared>>)
      %dma_wait3A_225 = arith.constant 0 : i32
      %dma_wait3A_226 = tpu.memref_slice %arg9[%add3A_116, %dma_wait3A_225] : memref<160x128xi32, #tpu.memory_space<vmem>> -> memref<1x128xi32, #tpu.memory_space<vmem>>
      %dma_wait3A_227 = tpu.memref_squeeze %dma_wait3A_226 : memref<1x128xi32, #tpu.memory_space<vmem>> -> memref<128xi32, #tpu.memory_space<vmem>>
      %dma_wait3A_228 = arith.constant 0 : i32
      %dma_wait3A_229 = arith.constant 0 : i32
      %dma_wait3A_230 = tpu.memref_slice %arg14[%dma_wait3A_228, %dma_wait3A_229] : memref<5120x128xf32, #tpu.memory_space<vmem_shared>> -> memref<5120x128xf32, #tpu.memory_space<vmem_shared>>
      tpu.wait_indirect_dma semaphore(%arg13 : memref<!tpu.dma_semaphore, #tpu.memory_space<semaphore_mem>>) src(%arg11 : memref<128x128xf32, #tpu.memory_space<vmem>>) dst(%dma_wait3A_230 : memref<5120x128xf32, #tpu.memory_space<vmem_shared>>)
      %dma_wait3A_231 = arith.constant 0 : i32
      %dma_wait3A_232 = tpu.memref_slice %arg8[%add3A_125, %dma_wait3A_231] : memref<160x128xi32, #tpu.memory_space<vmem>> -> memref<1x128xi32, #tpu.memory_space<vmem>>
      %dma_wait3A_233 = tpu.memref_squeeze %dma_wait3A_232 : memref<1x128xi32, #tpu.memory_space<vmem>> -> memref<128xi32, #tpu.memory_space<vmem>>
      %dma_wait3A_234 = arith.constant 0 : i32
      %dma_wait3A_235 = arith.constant 0 : i32
      %dma_wait3A_236 = tpu.memref_slice %arg14[%dma_wait3A_234, %dma_wait3A_235] : memref<5120x128xf32, #tpu.memory_space<vmem_shared>> -> memref<5120x128xf32, #tpu.memory_space<vmem_shared>>
      tpu.wait_indirect_dma semaphore(%arg12 : memref<!tpu.dma_semaphore, #tpu.memory_space<semaphore_mem>>) src(%arg10 : memref<128x128xf32, #tpu.memory_space<vmem>>) dst(%dma_wait3A_236 : memref<5120x128xf32, #tpu.memory_space<vmem_shared>>)
      %dma_wait3A_237 = arith.constant 0 : i32
      %dma_wait3A_238 = tpu.memref_slice %arg9[%add3A_134, %dma_wait3A_237] : memref<160x128xi32, #tpu.memory_space<vmem>> -> memref<1x128xi32, #tpu.memory_space<vmem>>
      %dma_wait3A_239 = tpu.memref_squeeze %dma_wait3A_238 : memref<1x128xi32, #tpu.memory_space<vmem>> -> memref<128xi32, #tpu.memory_space<vmem>>
      %dma_wait3A_240 = arith.constant 0 : i32
      %dma_wait3A_241 = arith.constant 0 : i32
      %dma_wait3A_242 = tpu.memref_slice %arg14[%dma_wait3A_240, %dma_wait3A_241] : memref<5120x128xf32, #tpu.memory_space<vmem_shared>> -> memref<5120x128xf32, #tpu.memory_space<vmem_shared>>
      tpu.wait_indirect_dma semaphore(%arg13 : memref<!tpu.dma_semaphore, #tpu.memory_space<semaphore_mem>>) src(%arg11 : memref<128x128xf32, #tpu.memory_space<vmem>>) dst(%dma_wait3A_242 : memref<5120x128xf32, #tpu.memory_space<vmem_shared>>)
      %dma_wait3A_243 = arith.constant 0 : i32
      %dma_wait3A_244 = tpu.memref_slice %arg8[%add3A_143, %dma_wait3A_243] : memref<160x128xi32, #tpu.memory_space<vmem>> -> memref<1x128xi32, #tpu.memory_space<vmem>>
      %dma_wait3A_245 = tpu.memref_squeeze %dma_wait3A_244 : memref<1x128xi32, #tpu.memory_space<vmem>> -> memref<128xi32, #tpu.memory_space<vmem>>
      %dma_wait3A_246 = arith.constant 0 : i32
      %dma_wait3A_247 = arith.constant 0 : i32
      %dma_wait3A_248 = tpu.memref_slice %arg14[%dma_wait3A_246, %dma_wait3A_247] : memref<5120x128xf32, #tpu.memory_space<vmem_shared>> -> memref<5120x128xf32, #tpu.memory_space<vmem_shared>>
      tpu.wait_indirect_dma semaphore(%arg12 : memref<!tpu.dma_semaphore, #tpu.memory_space<semaphore_mem>>) src(%arg10 : memref<128x128xf32, #tpu.memory_space<vmem>>) dst(%dma_wait3A_248 : memref<5120x128xf32, #tpu.memory_space<vmem_shared>>)
      %dma_wait3A_249 = arith.constant 0 : i32
      %dma_wait3A_250 = tpu.memref_slice %arg9[%add3A_152, %dma_wait3A_249] : memref<160x128xi32, #tpu.memory_space<vmem>> -> memref<1x128xi32, #tpu.memory_space<vmem>>
      %dma_wait3A_251 = tpu.memref_squeeze %dma_wait3A_250 : memref<1x128xi32, #tpu.memory_space<vmem>> -> memref<128xi32, #tpu.memory_space<vmem>>
      %dma_wait3A_252 = arith.constant 0 : i32
      %dma_wait3A_253 = arith.constant 0 : i32
      %dma_wait3A_254 = tpu.memref_slice %arg14[%dma_wait3A_252, %dma_wait3A_253] : memref<5120x128xf32, #tpu.memory_space<vmem_shared>> -> memref<5120x128xf32, #tpu.memory_space<vmem_shared>>
      tpu.wait_indirect_dma semaphore(%arg13 : memref<!tpu.dma_semaphore, #tpu.memory_space<semaphore_mem>>) src(%arg11 : memref<128x128xf32, #tpu.memory_space<vmem>>) dst(%dma_wait3A_254 : memref<5120x128xf32, #tpu.memory_space<vmem_shared>>)
    }
    %scan3A_4 = arith.constant 20 : i32
    %barrier3A_5 = arith.constant 0 : index
    tpu.barrier barrier_id(%barrier3A_5)
    %mul3A_6 = arith.constant 320 : i32
    %mul3A_7 = arith.muli %arg1, %mul3A_6 : i32
    %mul3A_8 = arith.constant 5120 : i32
    %mul3A_9 = arith.muli %arg0, %mul3A_8 : i32
    %mul3A_10 = arith.constant 320 : i32
    %mul3A_11 = arith.muli %arg1, %mul3A_10 : i32
    %add3A = arith.addi %mul3A_9, %mul3A_11 : i32
    "tpu.region"() ({
      %run_scoped3A = tpu.sem_alloc : memref<!tpu.dma_semaphore, #tpu.memory_space<semaphore_mem>>
      %dma_start3A = arith.constant 0 : i32
      %dma_start3A_12 = tpu.memref_slice %arg7[%add3A, %dma_start3A] : memref<10240x128xf32, #tpu.memory_space<hbm>> -> memref<320x128xf32, #tpu.memory_space<hbm>>
      %dma_start3A_13 = arith.constant 0 : i32
      %dma_start3A_14 = tpu.memref_slice %arg14[%mul3A_7, %dma_start3A_13] : memref<5120x128xf32, #tpu.memory_space<vmem_shared>> -> memref<320x128xf32, #tpu.memory_space<vmem_shared>>
      tpu.enqueue_dma source(%dma_start3A_14 : memref<320x128xf32, #tpu.memory_space<vmem_shared>>) target(%dma_start3A_12 : memref<320x128xf32, #tpu.memory_space<hbm>>) target_semaphore(%run_scoped3A : memref<!tpu.dma_semaphore, #tpu.memory_space<semaphore_mem>>)
      %dma_wait3A = arith.constant 0 : i32
      %dma_wait3A_15 = tpu.memref_slice %arg7[%add3A, %dma_wait3A] : memref<10240x128xf32, #tpu.memory_space<hbm>> -> memref<320x128xf32, #tpu.memory_space<hbm>>
      %dma_wait3A_16 = arith.constant 0 : i32
      %dma_wait3A_17 = tpu.memref_slice %arg14[%mul3A_7, %dma_wait3A_16] : memref<5120x128xf32, #tpu.memory_space<vmem_shared>> -> memref<320x128xf32, #tpu.memory_space<vmem_shared>>
      tpu.wait_dma2 semaphore(%run_scoped3A : memref<!tpu.dma_semaphore, #tpu.memory_space<semaphore_mem>>) src(%dma_wait3A_17 : memref<320x128xf32, #tpu.memory_space<vmem_shared>>) dst(%dma_wait3A_15 : memref<320x128xf32, #tpu.memory_space<hbm>>)
      tpu.yield
    }) : () -> ()
    return
  }
}

#map = affine_map<(d0, d1) -> (0, 0)>
#map1 = affine_map<(d0, d1) -> (0, 0, 0, 0)>
module attributes {stable_mosaic.version = 14 : i64} {
  func.func @edge_kernel(%arg0: i32, %arg1: i32, %arg2: memref<10240x128xf32, #tpu.memory_space<hbm>>, %arg3: memref<2x16x160x128xi32, #tpu.memory_space<hbm>>, %arg4: memref<2x16x160x128xi32, #tpu.memory_space<hbm>>, %arg5: memref<320x128xf32, #tpu.memory_space<hbm>>, %arg6: memref<10240x128xf32, #tpu.memory_space<hbm>>, %arg7: memref<8x128xi32, #tpu.memory_space<vmem>>, %arg8: memref<8x128xi32, #tpu.memory_space<vmem>>, %arg9: memref<128x128xf32, #tpu.memory_space<vmem>>, %arg10: memref<128x128xf32, #tpu.memory_space<vmem>>, %arg11: memref<128x128xf32, #tpu.memory_space<vmem>>, %arg12: memref<128x128xf32, #tpu.memory_space<vmem>>, %arg13: memref<!tpu.dma_semaphore, #tpu.memory_space<semaphore_mem>>, %arg14: memref<!tpu.dma_semaphore, #tpu.memory_space<semaphore_mem>>, %arg15: memref<!tpu.dma_semaphore, #tpu.memory_space<semaphore_mem>>, %arg16: memref<!tpu.dma_semaphore, #tpu.memory_space<semaphore_mem>>, %arg17: memref<5120x128xf32, #tpu.memory_space<vmem_shared>>) attributes {dimension_semantics = [#tpu.dimension_semantics<core_parallel>, #tpu.dimension_semantics<subcore_parallel>], iteration_bounds = array<i64: 2, 16>, scalar_prefetch = 0 : i64, scratch_operands = 11 : i64, tpu.core_type = #tpu.core_type<sc_vector_subcore>, window_params = [{transform_indices = #map}, {transform_indices = #map1}, {transform_indices = #map1}, {transform_indices = #map}, {transform_indices = #map}]} {
    %mul3A = arith.constant 320 : i32
    %mul3A_0 = arith.muli %arg1, %mul3A : i32
    "tpu.region"() ({
      %run_scoped3A = tpu.sem_alloc : memref<!tpu.dma_semaphore, #tpu.memory_space<semaphore_mem>>
      %dma_start3A = arith.constant 0 : i32
      %dma_start3A_12 = tpu.memref_slice %arg17[%mul3A_0, %dma_start3A] : memref<5120x128xf32, #tpu.memory_space<vmem_shared>> -> memref<320x128xf32, #tpu.memory_space<vmem_shared>>
      tpu.enqueue_dma source(%arg5 : memref<320x128xf32, #tpu.memory_space<hbm>>) target(%dma_start3A_12 : memref<320x128xf32, #tpu.memory_space<vmem_shared>>) target_semaphore(%run_scoped3A : memref<!tpu.dma_semaphore, #tpu.memory_space<semaphore_mem>>)
      %dma_wait3A = arith.constant 0 : i32
      %dma_wait3A_13 = tpu.memref_slice %arg17[%mul3A_0, %dma_wait3A] : memref<5120x128xf32, #tpu.memory_space<vmem_shared>> -> memref<320x128xf32, #tpu.memory_space<vmem_shared>>
      tpu.wait_dma2 semaphore(%run_scoped3A : memref<!tpu.dma_semaphore, #tpu.memory_space<semaphore_mem>>) src(%arg5 : memref<320x128xf32, #tpu.memory_space<hbm>>) dst(%dma_wait3A_13 : memref<320x128xf32, #tpu.memory_space<vmem_shared>>)
      tpu.yield
    }) : () -> ()
    %barrier3A = arith.constant 0 : index
    tpu.barrier barrier_id(%barrier3A)
    %scan3A = arith.constant 0 : i32
    %scan3A_1 = arith.constant 20 : i32
    %scan3A_2 = arith.addi %scan3A, %scan3A_1 : i32
    %scan3A_3 = arith.constant 1 : i32
    scf.for %scan3A_12 = %scan3A to %scan3A_2 step %scan3A_3  : i32 {
      %mul3A_13 = arith.constant 8 : i32
      %mul3A_14 = arith.muli %scan3A_12, %mul3A_13 : i32
      %add3A_15 = arith.constant 0 : i32
      %add3A_16 = arith.addi %add3A_15, %mul3A_14 : i32
      "tpu.region"() ({
        %run_scoped3A_142 = tpu.sem_alloc : memref<!tpu.dma_semaphore, #tpu.memory_space<semaphore_mem>>
        %dma_start3A_143 = arith.constant 0 : i32
        %dma_start3A_144 = tpu.memref_slice %arg3[%arg0, %arg1, %add3A_16, %dma_start3A_143] : memref<2x16x160x128xi32, #tpu.memory_space<hbm>> -> memref<1x1x8x128xi32, #tpu.memory_space<hbm>>
        %dma_start3A_145 = tpu.memref_squeeze %dma_start3A_144 : memref<1x1x8x128xi32, #tpu.memory_space<hbm>> -> memref<8x128xi32, #tpu.memory_space<hbm>>
        %dma_start3A_146 = arith.constant 0 : i32
        %dma_start3A_147 = tpu.memref_slice %arg3[%arg0, %arg1, %add3A_16, %dma_start3A_146] : memref<2x16x160x128xi32, #tpu.memory_space<hbm>> -> memref<1x1x8x128xi32, #tpu.memory_space<hbm>>
        %dma_start3A_148 = tpu.memref_squeeze %dma_start3A_147 : memref<1x1x8x128xi32, #tpu.memory_space<hbm>> -> memref<8x128xi32, #tpu.memory_space<hbm>>
        tpu.enqueue_dma source(%dma_start3A_148 : memref<8x128xi32, #tpu.memory_space<hbm>>) target(%arg7 : memref<8x128xi32, #tpu.memory_space<vmem>>) target_semaphore(%run_scoped3A_142 : memref<!tpu.dma_semaphore, #tpu.memory_space<semaphore_mem>>)
        %dma_wait3A_149 = arith.constant 0 : i32
        %dma_wait3A_150 = tpu.memref_slice %arg3[%arg0, %arg1, %add3A_16, %dma_wait3A_149] : memref<2x16x160x128xi32, #tpu.memory_space<hbm>> -> memref<1x1x8x128xi32, #tpu.memory_space<hbm>>
        %dma_wait3A_151 = tpu.memref_squeeze %dma_wait3A_150 : memref<1x1x8x128xi32, #tpu.memory_space<hbm>> -> memref<8x128xi32, #tpu.memory_space<hbm>>
        %dma_wait3A_152 = arith.constant 0 : i32
        %dma_wait3A_153 = tpu.memref_slice %arg3[%arg0, %arg1, %add3A_16, %dma_wait3A_152] : memref<2x16x160x128xi32, #tpu.memory_space<hbm>> -> memref<1x1x8x128xi32, #tpu.memory_space<hbm>>
        %dma_wait3A_154 = tpu.memref_squeeze %dma_wait3A_153 : memref<1x1x8x128xi32, #tpu.memory_space<hbm>> -> memref<8x128xi32, #tpu.memory_space<hbm>>
        tpu.wait_dma2 semaphore(%run_scoped3A_142 : memref<!tpu.dma_semaphore, #tpu.memory_space<semaphore_mem>>) src(%dma_wait3A_154 : memref<8x128xi32, #tpu.memory_space<hbm>>) dst(%arg7 : memref<8x128xi32, #tpu.memory_space<vmem>>)
        tpu.yield
      }) : () -> ()
      "tpu.region"() ({
        %run_scoped3A_142 = tpu.sem_alloc : memref<!tpu.dma_semaphore, #tpu.memory_space<semaphore_mem>>
        %dma_start3A_143 = arith.constant 0 : i32
        %dma_start3A_144 = tpu.memref_slice %arg4[%arg0, %arg1, %add3A_16, %dma_start3A_143] : memref<2x16x160x128xi32, #tpu.memory_space<hbm>> -> memref<1x1x8x128xi32, #tpu.memory_space<hbm>>
        %dma_start3A_145 = tpu.memref_squeeze %dma_start3A_144 : memref<1x1x8x128xi32, #tpu.memory_space<hbm>> -> memref<8x128xi32, #tpu.memory_space<hbm>>
        %dma_start3A_146 = arith.constant 0 : i32
        %dma_start3A_147 = tpu.memref_slice %arg4[%arg0, %arg1, %add3A_16, %dma_start3A_146] : memref<2x16x160x128xi32, #tpu.memory_space<hbm>> -> memref<1x1x8x128xi32, #tpu.memory_space<hbm>>
        %dma_start3A_148 = tpu.memref_squeeze %dma_start3A_147 : memref<1x1x8x128xi32, #tpu.memory_space<hbm>> -> memref<8x128xi32, #tpu.memory_space<hbm>>
        tpu.enqueue_dma source(%dma_start3A_148 : memref<8x128xi32, #tpu.memory_space<hbm>>) target(%arg8 : memref<8x128xi32, #tpu.memory_space<vmem>>) target_semaphore(%run_scoped3A_142 : memref<!tpu.dma_semaphore, #tpu.memory_space<semaphore_mem>>)
        %dma_wait3A_149 = arith.constant 0 : i32
        %dma_wait3A_150 = tpu.memref_slice %arg4[%arg0, %arg1, %add3A_16, %dma_wait3A_149] : memref<2x16x160x128xi32, #tpu.memory_space<hbm>> -> memref<1x1x8x128xi32, #tpu.memory_space<hbm>>
        %dma_wait3A_151 = tpu.memref_squeeze %dma_wait3A_150 : memref<1x1x8x128xi32, #tpu.memory_space<hbm>> -> memref<8x128xi32, #tpu.memory_space<hbm>>
        %dma_wait3A_152 = arith.constant 0 : i32
        %dma_wait3A_153 = tpu.memref_slice %arg4[%arg0, %arg1, %add3A_16, %dma_wait3A_152] : memref<2x16x160x128xi32, #tpu.memory_space<hbm>> -> memref<1x1x8x128xi32, #tpu.memory_space<hbm>>
        %dma_wait3A_154 = tpu.memref_squeeze %dma_wait3A_153 : memref<1x1x8x128xi32, #tpu.memory_space<hbm>> -> memref<8x128xi32, #tpu.memory_space<hbm>>
        tpu.wait_dma2 semaphore(%run_scoped3A_142 : memref<!tpu.dma_semaphore, #tpu.memory_space<semaphore_mem>>) src(%dma_wait3A_154 : memref<8x128xi32, #tpu.memory_space<hbm>>) dst(%arg8 : memref<8x128xi32, #tpu.memory_space<vmem>>)
        tpu.yield
      }) : () -> ()
      %dma_start3A = arith.constant 0 : i32
      %dma_start3A_17 = arith.constant 0 : i32
      %dma_start3A_18 = tpu.memref_slice %arg7[%dma_start3A, %dma_start3A_17] : memref<8x128xi32, #tpu.memory_space<vmem>> -> memref<1x128xi32, #tpu.memory_space<vmem>>
      %dma_start3A_19 = tpu.memref_squeeze %dma_start3A_18 : memref<1x128xi32, #tpu.memory_space<vmem>> -> memref<128xi32, #tpu.memory_space<vmem>>
      %dma_start3A_20 = arith.constant 0 : i32
      %dma_start3A_21 = arith.constant 0 : i32
      %dma_start3A_22 = tpu.memref_slice %arg2[%dma_start3A_20, %dma_start3A_21] : memref<10240x128xf32, #tpu.memory_space<hbm>> -> memref<10240x128xf32, #tpu.memory_space<hbm>>
      %dma_start3A_23 = arith.constant -1 : i32
      tpu.enqueue_indirect_dma source(%dma_start3A_22 : memref<10240x128xf32, #tpu.memory_space<hbm>>) target(%arg9 : memref<128x128xf32, #tpu.memory_space<vmem>>) offsets(%dma_start3A_19 : memref<128xi32, #tpu.memory_space<vmem>>) offset_filter(%dma_start3A_23) semaphore(%arg13 : memref<!tpu.dma_semaphore, #tpu.memory_space<semaphore_mem>>)
      %dma_start3A_24 = arith.constant 1 : i32
      %dma_start3A_25 = arith.constant 0 : i32
      %dma_start3A_26 = tpu.memref_slice %arg7[%dma_start3A_24, %dma_start3A_25] : memref<8x128xi32, #tpu.memory_space<vmem>> -> memref<1x128xi32, #tpu.memory_space<vmem>>
      %dma_start3A_27 = tpu.memref_squeeze %dma_start3A_26 : memref<1x128xi32, #tpu.memory_space<vmem>> -> memref<128xi32, #tpu.memory_space<vmem>>
      %dma_start3A_28 = arith.constant 0 : i32
      %dma_start3A_29 = arith.constant 0 : i32
      %dma_start3A_30 = tpu.memref_slice %arg2[%dma_start3A_28, %dma_start3A_29] : memref<10240x128xf32, #tpu.memory_space<hbm>> -> memref<10240x128xf32, #tpu.memory_space<hbm>>
      %dma_start3A_31 = arith.constant -1 : i32
      tpu.enqueue_indirect_dma source(%dma_start3A_30 : memref<10240x128xf32, #tpu.memory_space<hbm>>) target(%arg10 : memref<128x128xf32, #tpu.memory_space<vmem>>) offsets(%dma_start3A_27 : memref<128xi32, #tpu.memory_space<vmem>>) offset_filter(%dma_start3A_31) semaphore(%arg14 : memref<!tpu.dma_semaphore, #tpu.memory_space<semaphore_mem>>)
      %dma_start3A_32 = arith.constant 2 : i32
      %dma_start3A_33 = arith.constant 0 : i32
      %dma_start3A_34 = tpu.memref_slice %arg7[%dma_start3A_32, %dma_start3A_33] : memref<8x128xi32, #tpu.memory_space<vmem>> -> memref<1x128xi32, #tpu.memory_space<vmem>>
      %dma_start3A_35 = tpu.memref_squeeze %dma_start3A_34 : memref<1x128xi32, #tpu.memory_space<vmem>> -> memref<128xi32, #tpu.memory_space<vmem>>
      %dma_start3A_36 = arith.constant 0 : i32
      %dma_start3A_37 = arith.constant 0 : i32
      %dma_start3A_38 = tpu.memref_slice %arg2[%dma_start3A_36, %dma_start3A_37] : memref<10240x128xf32, #tpu.memory_space<hbm>> -> memref<10240x128xf32, #tpu.memory_space<hbm>>
      %dma_start3A_39 = arith.constant -1 : i32
      tpu.enqueue_indirect_dma source(%dma_start3A_38 : memref<10240x128xf32, #tpu.memory_space<hbm>>) target(%arg11 : memref<128x128xf32, #tpu.memory_space<vmem>>) offsets(%dma_start3A_35 : memref<128xi32, #tpu.memory_space<vmem>>) offset_filter(%dma_start3A_39) semaphore(%arg15 : memref<!tpu.dma_semaphore, #tpu.memory_space<semaphore_mem>>)
      %dma_start3A_40 = arith.constant 3 : i32
      %dma_start3A_41 = arith.constant 0 : i32
      %dma_start3A_42 = tpu.memref_slice %arg7[%dma_start3A_40, %dma_start3A_41] : memref<8x128xi32, #tpu.memory_space<vmem>> -> memref<1x128xi32, #tpu.memory_space<vmem>>
      %dma_start3A_43 = tpu.memref_squeeze %dma_start3A_42 : memref<1x128xi32, #tpu.memory_space<vmem>> -> memref<128xi32, #tpu.memory_space<vmem>>
      %dma_start3A_44 = arith.constant 0 : i32
      %dma_start3A_45 = arith.constant 0 : i32
      %dma_start3A_46 = tpu.memref_slice %arg2[%dma_start3A_44, %dma_start3A_45] : memref<10240x128xf32, #tpu.memory_space<hbm>> -> memref<10240x128xf32, #tpu.memory_space<hbm>>
      %dma_start3A_47 = arith.constant -1 : i32
      tpu.enqueue_indirect_dma source(%dma_start3A_46 : memref<10240x128xf32, #tpu.memory_space<hbm>>) target(%arg12 : memref<128x128xf32, #tpu.memory_space<vmem>>) offsets(%dma_start3A_43 : memref<128xi32, #tpu.memory_space<vmem>>) offset_filter(%dma_start3A_47) semaphore(%arg16 : memref<!tpu.dma_semaphore, #tpu.memory_space<semaphore_mem>>)
      %dma_wait3A = arith.constant 0 : i32
      %dma_wait3A_48 = arith.constant 0 : i32
      %dma_wait3A_49 = tpu.memref_slice %arg7[%dma_wait3A, %dma_wait3A_48] : memref<8x128xi32, #tpu.memory_space<vmem>> -> memref<1x128xi32, #tpu.memory_space<vmem>>
      %dma_wait3A_50 = tpu.memref_squeeze %dma_wait3A_49 : memref<1x128xi32, #tpu.memory_space<vmem>> -> memref<128xi32, #tpu.memory_space<vmem>>
      %dma_wait3A_51 = arith.constant 0 : i32
      %dma_wait3A_52 = arith.constant 0 : i32
      %dma_wait3A_53 = tpu.memref_slice %arg2[%dma_wait3A_51, %dma_wait3A_52] : memref<10240x128xf32, #tpu.memory_space<hbm>> -> memref<10240x128xf32, #tpu.memory_space<hbm>>
      tpu.wait_indirect_dma semaphore(%arg13 : memref<!tpu.dma_semaphore, #tpu.memory_space<semaphore_mem>>) src(%dma_wait3A_53 : memref<10240x128xf32, #tpu.memory_space<hbm>>) dst(%arg9 : memref<128x128xf32, #tpu.memory_space<vmem>>)
      %run_scoped3A = arith.constant 0 : i32
      "tpu.region"() ({
        %run_scoped3A_142 = tpu.sem_alloc : memref<!tpu.dma_semaphore, #tpu.memory_space<semaphore_mem>>
        %dma_start3A_143 = arith.constant 0 : i32
        %dma_start3A_144 = tpu.memref_slice %arg8[%run_scoped3A, %dma_start3A_143] : memref<8x128xi32, #tpu.memory_space<vmem>> -> memref<1x128xi32, #tpu.memory_space<vmem>>
        %dma_start3A_145 = tpu.memref_squeeze %dma_start3A_144 : memref<1x128xi32, #tpu.memory_space<vmem>> -> memref<128xi32, #tpu.memory_space<vmem>>
        %dma_start3A_146 = arith.constant 0 : i32
        %dma_start3A_147 = arith.constant 0 : i32
        %dma_start3A_148 = tpu.memref_slice %arg17[%dma_start3A_146, %dma_start3A_147] : memref<5120x128xf32, #tpu.memory_space<vmem_shared>> -> memref<5120x128xf32, #tpu.memory_space<vmem_shared>>
        %dma_start3A_149 = arith.constant -1 : i32
        tpu.enqueue_indirect_dma source(%arg9 : memref<128x128xf32, #tpu.memory_space<vmem>>) target(%dma_start3A_148 : memref<5120x128xf32, #tpu.memory_space<vmem_shared>>) offsets(%dma_start3A_145 : memref<128xi32, #tpu.memory_space<vmem>>) offset_filter(%dma_start3A_149) semaphore(%run_scoped3A_142 : memref<!tpu.dma_semaphore, #tpu.memory_space<semaphore_mem>>) {add = true}
        %dma_wait3A_150 = arith.constant 0 : i32
        %dma_wait3A_151 = tpu.memref_slice %arg8[%run_scoped3A, %dma_wait3A_150] : memref<8x128xi32, #tpu.memory_space<vmem>> -> memref<1x128xi32, #tpu.memory_space<vmem>>
        %dma_wait3A_152 = tpu.memref_squeeze %dma_wait3A_151 : memref<1x128xi32, #tpu.memory_space<vmem>> -> memref<128xi32, #tpu.memory_space<vmem>>
        %dma_wait3A_153 = arith.constant 0 : i32
        %dma_wait3A_154 = arith.constant 0 : i32
        %dma_wait3A_155 = tpu.memref_slice %arg17[%dma_wait3A_153, %dma_wait3A_154] : memref<5120x128xf32, #tpu.memory_space<vmem_shared>> -> memref<5120x128xf32, #tpu.memory_space<vmem_shared>>
        tpu.wait_indirect_dma semaphore(%run_scoped3A_142 : memref<!tpu.dma_semaphore, #tpu.memory_space<semaphore_mem>>) src(%arg9 : memref<128x128xf32, #tpu.memory_space<vmem>>) dst(%dma_wait3A_155 : memref<5120x128xf32, #tpu.memory_space<vmem_shared>>)
        tpu.yield
      }) : () -> ()
      %dma_start3A_54 = arith.constant 4 : i32
      %dma_start3A_55 = arith.constant 0 : i32
      %dma_start3A_56 = tpu.memref_slice %arg7[%dma_start3A_54, %dma_start3A_55] : memref<8x128xi32, #tpu.memory_space<vmem>> -> memref<1x128xi32, #tpu.memory_space<vmem>>
      %dma_start3A_57 = tpu.memref_squeeze %dma_start3A_56 : memref<1x128xi32, #tpu.memory_space<vmem>> -> memref<128xi32, #tpu.memory_space<vmem>>
      %dma_start3A_58 = arith.constant 0 : i32
      %dma_start3A_59 = arith.constant 0 : i32
      %dma_start3A_60 = tpu.memref_slice %arg2[%dma_start3A_58, %dma_start3A_59] : memref<10240x128xf32, #tpu.memory_space<hbm>> -> memref<10240x128xf32, #tpu.memory_space<hbm>>
      %dma_start3A_61 = arith.constant -1 : i32
      tpu.enqueue_indirect_dma source(%dma_start3A_60 : memref<10240x128xf32, #tpu.memory_space<hbm>>) target(%arg9 : memref<128x128xf32, #tpu.memory_space<vmem>>) offsets(%dma_start3A_57 : memref<128xi32, #tpu.memory_space<vmem>>) offset_filter(%dma_start3A_61) semaphore(%arg13 : memref<!tpu.dma_semaphore, #tpu.memory_space<semaphore_mem>>)
      %dma_wait3A_62 = arith.constant 1 : i32
      %dma_wait3A_63 = arith.constant 0 : i32
      %dma_wait3A_64 = tpu.memref_slice %arg7[%dma_wait3A_62, %dma_wait3A_63] : memref<8x128xi32, #tpu.memory_space<vmem>> -> memref<1x128xi32, #tpu.memory_space<vmem>>
      %dma_wait3A_65 = tpu.memref_squeeze %dma_wait3A_64 : memref<1x128xi32, #tpu.memory_space<vmem>> -> memref<128xi32, #tpu.memory_space<vmem>>
      %dma_wait3A_66 = arith.constant 0 : i32
      %dma_wait3A_67 = arith.constant 0 : i32
      %dma_wait3A_68 = tpu.memref_slice %arg2[%dma_wait3A_66, %dma_wait3A_67] : memref<10240x128xf32, #tpu.memory_space<hbm>> -> memref<10240x128xf32, #tpu.memory_space<hbm>>
      tpu.wait_indirect_dma semaphore(%arg14 : memref<!tpu.dma_semaphore, #tpu.memory_space<semaphore_mem>>) src(%dma_wait3A_68 : memref<10240x128xf32, #tpu.memory_space<hbm>>) dst(%arg10 : memref<128x128xf32, #tpu.memory_space<vmem>>)
      %run_scoped3A_69 = arith.constant 1 : i32
      "tpu.region"() ({
        %run_scoped3A_142 = tpu.sem_alloc : memref<!tpu.dma_semaphore, #tpu.memory_space<semaphore_mem>>
        %dma_start3A_143 = arith.constant 0 : i32
        %dma_start3A_144 = tpu.memref_slice %arg8[%run_scoped3A_69, %dma_start3A_143] : memref<8x128xi32, #tpu.memory_space<vmem>> -> memref<1x128xi32, #tpu.memory_space<vmem>>
        %dma_start3A_145 = tpu.memref_squeeze %dma_start3A_144 : memref<1x128xi32, #tpu.memory_space<vmem>> -> memref<128xi32, #tpu.memory_space<vmem>>
        %dma_start3A_146 = arith.constant 0 : i32
        %dma_start3A_147 = arith.constant 0 : i32
        %dma_start3A_148 = tpu.memref_slice %arg17[%dma_start3A_146, %dma_start3A_147] : memref<5120x128xf32, #tpu.memory_space<vmem_shared>> -> memref<5120x128xf32, #tpu.memory_space<vmem_shared>>
        %dma_start3A_149 = arith.constant -1 : i32
        tpu.enqueue_indirect_dma source(%arg10 : memref<128x128xf32, #tpu.memory_space<vmem>>) target(%dma_start3A_148 : memref<5120x128xf32, #tpu.memory_space<vmem_shared>>) offsets(%dma_start3A_145 : memref<128xi32, #tpu.memory_space<vmem>>) offset_filter(%dma_start3A_149) semaphore(%run_scoped3A_142 : memref<!tpu.dma_semaphore, #tpu.memory_space<semaphore_mem>>) {add = true}
        %dma_wait3A_150 = arith.constant 0 : i32
        %dma_wait3A_151 = tpu.memref_slice %arg8[%run_scoped3A_69, %dma_wait3A_150] : memref<8x128xi32, #tpu.memory_space<vmem>> -> memref<1x128xi32, #tpu.memory_space<vmem>>
        %dma_wait3A_152 = tpu.memref_squeeze %dma_wait3A_151 : memref<1x128xi32, #tpu.memory_space<vmem>> -> memref<128xi32, #tpu.memory_space<vmem>>
        %dma_wait3A_153 = arith.constant 0 : i32
        %dma_wait3A_154 = arith.constant 0 : i32
        %dma_wait3A_155 = tpu.memref_slice %arg17[%dma_wait3A_153, %dma_wait3A_154] : memref<5120x128xf32, #tpu.memory_space<vmem_shared>> -> memref<5120x128xf32, #tpu.memory_space<vmem_shared>>
        tpu.wait_indirect_dma semaphore(%run_scoped3A_142 : memref<!tpu.dma_semaphore, #tpu.memory_space<semaphore_mem>>) src(%arg10 : memref<128x128xf32, #tpu.memory_space<vmem>>) dst(%dma_wait3A_155 : memref<5120x128xf32, #tpu.memory_space<vmem_shared>>)
        tpu.yield
      }) : () -> ()
      %dma_start3A_70 = arith.constant 5 : i32
      %dma_start3A_71 = arith.constant 0 : i32
      %dma_start3A_72 = tpu.memref_slice %arg7[%dma_start3A_70, %dma_start3A_71] : memref<8x128xi32, #tpu.memory_space<vmem>> -> memref<1x128xi32, #tpu.memory_space<vmem>>
      %dma_start3A_73 = tpu.memref_squeeze %dma_start3A_72 : memref<1x128xi32, #tpu.memory_space<vmem>> -> memref<128xi32, #tpu.memory_space<vmem>>
      %dma_start3A_74 = arith.constant 0 : i32
      %dma_start3A_75 = arith.constant 0 : i32
      %dma_start3A_76 = tpu.memref_slice %arg2[%dma_start3A_74, %dma_start3A_75] : memref<10240x128xf32, #tpu.memory_space<hbm>> -> memref<10240x128xf32, #tpu.memory_space<hbm>>
      %dma_start3A_77 = arith.constant -1 : i32
      tpu.enqueue_indirect_dma source(%dma_start3A_76 : memref<10240x128xf32, #tpu.memory_space<hbm>>) target(%arg10 : memref<128x128xf32, #tpu.memory_space<vmem>>) offsets(%dma_start3A_73 : memref<128xi32, #tpu.memory_space<vmem>>) offset_filter(%dma_start3A_77) semaphore(%arg14 : memref<!tpu.dma_semaphore, #tpu.memory_space<semaphore_mem>>)
      %dma_wait3A_78 = arith.constant 2 : i32
      %dma_wait3A_79 = arith.constant 0 : i32
      %dma_wait3A_80 = tpu.memref_slice %arg7[%dma_wait3A_78, %dma_wait3A_79] : memref<8x128xi32, #tpu.memory_space<vmem>> -> memref<1x128xi32, #tpu.memory_space<vmem>>
      %dma_wait3A_81 = tpu.memref_squeeze %dma_wait3A_80 : memref<1x128xi32, #tpu.memory_space<vmem>> -> memref<128xi32, #tpu.memory_space<vmem>>
      %dma_wait3A_82 = arith.constant 0 : i32
      %dma_wait3A_83 = arith.constant 0 : i32
      %dma_wait3A_84 = tpu.memref_slice %arg2[%dma_wait3A_82, %dma_wait3A_83] : memref<10240x128xf32, #tpu.memory_space<hbm>> -> memref<10240x128xf32, #tpu.memory_space<hbm>>
      tpu.wait_indirect_dma semaphore(%arg15 : memref<!tpu.dma_semaphore, #tpu.memory_space<semaphore_mem>>) src(%dma_wait3A_84 : memref<10240x128xf32, #tpu.memory_space<hbm>>) dst(%arg11 : memref<128x128xf32, #tpu.memory_space<vmem>>)
      %run_scoped3A_85 = arith.constant 2 : i32
      "tpu.region"() ({
        %run_scoped3A_142 = tpu.sem_alloc : memref<!tpu.dma_semaphore, #tpu.memory_space<semaphore_mem>>
        %dma_start3A_143 = arith.constant 0 : i32
        %dma_start3A_144 = tpu.memref_slice %arg8[%run_scoped3A_85, %dma_start3A_143] : memref<8x128xi32, #tpu.memory_space<vmem>> -> memref<1x128xi32, #tpu.memory_space<vmem>>
        %dma_start3A_145 = tpu.memref_squeeze %dma_start3A_144 : memref<1x128xi32, #tpu.memory_space<vmem>> -> memref<128xi32, #tpu.memory_space<vmem>>
        %dma_start3A_146 = arith.constant 0 : i32
        %dma_start3A_147 = arith.constant 0 : i32
        %dma_start3A_148 = tpu.memref_slice %arg17[%dma_start3A_146, %dma_start3A_147] : memref<5120x128xf32, #tpu.memory_space<vmem_shared>> -> memref<5120x128xf32, #tpu.memory_space<vmem_shared>>
        %dma_start3A_149 = arith.constant -1 : i32
        tpu.enqueue_indirect_dma source(%arg11 : memref<128x128xf32, #tpu.memory_space<vmem>>) target(%dma_start3A_148 : memref<5120x128xf32, #tpu.memory_space<vmem_shared>>) offsets(%dma_start3A_145 : memref<128xi32, #tpu.memory_space<vmem>>) offset_filter(%dma_start3A_149) semaphore(%run_scoped3A_142 : memref<!tpu.dma_semaphore, #tpu.memory_space<semaphore_mem>>) {add = true}
        %dma_wait3A_150 = arith.constant 0 : i32
        %dma_wait3A_151 = tpu.memref_slice %arg8[%run_scoped3A_85, %dma_wait3A_150] : memref<8x128xi32, #tpu.memory_space<vmem>> -> memref<1x128xi32, #tpu.memory_space<vmem>>
        %dma_wait3A_152 = tpu.memref_squeeze %dma_wait3A_151 : memref<1x128xi32, #tpu.memory_space<vmem>> -> memref<128xi32, #tpu.memory_space<vmem>>
        %dma_wait3A_153 = arith.constant 0 : i32
        %dma_wait3A_154 = arith.constant 0 : i32
        %dma_wait3A_155 = tpu.memref_slice %arg17[%dma_wait3A_153, %dma_wait3A_154] : memref<5120x128xf32, #tpu.memory_space<vmem_shared>> -> memref<5120x128xf32, #tpu.memory_space<vmem_shared>>
        tpu.wait_indirect_dma semaphore(%run_scoped3A_142 : memref<!tpu.dma_semaphore, #tpu.memory_space<semaphore_mem>>) src(%arg11 : memref<128x128xf32, #tpu.memory_space<vmem>>) dst(%dma_wait3A_155 : memref<5120x128xf32, #tpu.memory_space<vmem_shared>>)
        tpu.yield
      }) : () -> ()
      %dma_start3A_86 = arith.constant 6 : i32
      %dma_start3A_87 = arith.constant 0 : i32
      %dma_start3A_88 = tpu.memref_slice %arg7[%dma_start3A_86, %dma_start3A_87] : memref<8x128xi32, #tpu.memory_space<vmem>> -> memref<1x128xi32, #tpu.memory_space<vmem>>
      %dma_start3A_89 = tpu.memref_squeeze %dma_start3A_88 : memref<1x128xi32, #tpu.memory_space<vmem>> -> memref<128xi32, #tpu.memory_space<vmem>>
      %dma_start3A_90 = arith.constant 0 : i32
      %dma_start3A_91 = arith.constant 0 : i32
      %dma_start3A_92 = tpu.memref_slice %arg2[%dma_start3A_90, %dma_start3A_91] : memref<10240x128xf32, #tpu.memory_space<hbm>> -> memref<10240x128xf32, #tpu.memory_space<hbm>>
      %dma_start3A_93 = arith.constant -1 : i32
      tpu.enqueue_indirect_dma source(%dma_start3A_92 : memref<10240x128xf32, #tpu.memory_space<hbm>>) target(%arg11 : memref<128x128xf32, #tpu.memory_space<vmem>>) offsets(%dma_start3A_89 : memref<128xi32, #tpu.memory_space<vmem>>) offset_filter(%dma_start3A_93) semaphore(%arg15 : memref<!tpu.dma_semaphore, #tpu.memory_space<semaphore_mem>>)
      %dma_wait3A_94 = arith.constant 3 : i32
      %dma_wait3A_95 = arith.constant 0 : i32
      %dma_wait3A_96 = tpu.memref_slice %arg7[%dma_wait3A_94, %dma_wait3A_95] : memref<8x128xi32, #tpu.memory_space<vmem>> -> memref<1x128xi32, #tpu.memory_space<vmem>>
      %dma_wait3A_97 = tpu.memref_squeeze %dma_wait3A_96 : memref<1x128xi32, #tpu.memory_space<vmem>> -> memref<128xi32, #tpu.memory_space<vmem>>
      %dma_wait3A_98 = arith.constant 0 : i32
      %dma_wait3A_99 = arith.constant 0 : i32
      %dma_wait3A_100 = tpu.memref_slice %arg2[%dma_wait3A_98, %dma_wait3A_99] : memref<10240x128xf32, #tpu.memory_space<hbm>> -> memref<10240x128xf32, #tpu.memory_space<hbm>>
      tpu.wait_indirect_dma semaphore(%arg16 : memref<!tpu.dma_semaphore, #tpu.memory_space<semaphore_mem>>) src(%dma_wait3A_100 : memref<10240x128xf32, #tpu.memory_space<hbm>>) dst(%arg12 : memref<128x128xf32, #tpu.memory_space<vmem>>)
      %run_scoped3A_101 = arith.constant 3 : i32
      "tpu.region"() ({
        %run_scoped3A_142 = tpu.sem_alloc : memref<!tpu.dma_semaphore, #tpu.memory_space<semaphore_mem>>
        %dma_start3A_143 = arith.constant 0 : i32
        %dma_start3A_144 = tpu.memref_slice %arg8[%run_scoped3A_101, %dma_start3A_143] : memref<8x128xi32, #tpu.memory_space<vmem>> -> memref<1x128xi32, #tpu.memory_space<vmem>>
        %dma_start3A_145 = tpu.memref_squeeze %dma_start3A_144 : memref<1x128xi32, #tpu.memory_space<vmem>> -> memref<128xi32, #tpu.memory_space<vmem>>
        %dma_start3A_146 = arith.constant 0 : i32
        %dma_start3A_147 = arith.constant 0 : i32
        %dma_start3A_148 = tpu.memref_slice %arg17[%dma_start3A_146, %dma_start3A_147] : memref<5120x128xf32, #tpu.memory_space<vmem_shared>> -> memref<5120x128xf32, #tpu.memory_space<vmem_shared>>
        %dma_start3A_149 = arith.constant -1 : i32
        tpu.enqueue_indirect_dma source(%arg12 : memref<128x128xf32, #tpu.memory_space<vmem>>) target(%dma_start3A_148 : memref<5120x128xf32, #tpu.memory_space<vmem_shared>>) offsets(%dma_start3A_145 : memref<128xi32, #tpu.memory_space<vmem>>) offset_filter(%dma_start3A_149) semaphore(%run_scoped3A_142 : memref<!tpu.dma_semaphore, #tpu.memory_space<semaphore_mem>>) {add = true}
        %dma_wait3A_150 = arith.constant 0 : i32
        %dma_wait3A_151 = tpu.memref_slice %arg8[%run_scoped3A_101, %dma_wait3A_150] : memref<8x128xi32, #tpu.memory_space<vmem>> -> memref<1x128xi32, #tpu.memory_space<vmem>>
        %dma_wait3A_152 = tpu.memref_squeeze %dma_wait3A_151 : memref<1x128xi32, #tpu.memory_space<vmem>> -> memref<128xi32, #tpu.memory_space<vmem>>
        %dma_wait3A_153 = arith.constant 0 : i32
        %dma_wait3A_154 = arith.constant 0 : i32
        %dma_wait3A_155 = tpu.memref_slice %arg17[%dma_wait3A_153, %dma_wait3A_154] : memref<5120x128xf32, #tpu.memory_space<vmem_shared>> -> memref<5120x128xf32, #tpu.memory_space<vmem_shared>>
        tpu.wait_indirect_dma semaphore(%run_scoped3A_142 : memref<!tpu.dma_semaphore, #tpu.memory_space<semaphore_mem>>) src(%arg12 : memref<128x128xf32, #tpu.memory_space<vmem>>) dst(%dma_wait3A_155 : memref<5120x128xf32, #tpu.memory_space<vmem_shared>>)
        tpu.yield
      }) : () -> ()
      %dma_start3A_102 = arith.constant 7 : i32
      %dma_start3A_103 = arith.constant 0 : i32
      %dma_start3A_104 = tpu.memref_slice %arg7[%dma_start3A_102, %dma_start3A_103] : memref<8x128xi32, #tpu.memory_space<vmem>> -> memref<1x128xi32, #tpu.memory_space<vmem>>
      %dma_start3A_105 = tpu.memref_squeeze %dma_start3A_104 : memref<1x128xi32, #tpu.memory_space<vmem>> -> memref<128xi32, #tpu.memory_space<vmem>>
      %dma_start3A_106 = arith.constant 0 : i32
      %dma_start3A_107 = arith.constant 0 : i32
      %dma_start3A_108 = tpu.memref_slice %arg2[%dma_start3A_106, %dma_start3A_107] : memref<10240x128xf32, #tpu.memory_space<hbm>> -> memref<10240x128xf32, #tpu.memory_space<hbm>>
      %dma_start3A_109 = arith.constant -1 : i32
      tpu.enqueue_indirect_dma source(%dma_start3A_108 : memref<10240x128xf32, #tpu.memory_space<hbm>>) target(%arg12 : memref<128x128xf32, #tpu.memory_space<vmem>>) offsets(%dma_start3A_105 : memref<128xi32, #tpu.memory_space<vmem>>) offset_filter(%dma_start3A_109) semaphore(%arg16 : memref<!tpu.dma_semaphore, #tpu.memory_space<semaphore_mem>>)
      %dma_wait3A_110 = arith.constant 4 : i32
      %dma_wait3A_111 = arith.constant 0 : i32
      %dma_wait3A_112 = tpu.memref_slice %arg7[%dma_wait3A_110, %dma_wait3A_111] : memref<8x128xi32, #tpu.memory_space<vmem>> -> memref<1x128xi32, #tpu.memory_space<vmem>>
      %dma_wait3A_113 = tpu.memref_squeeze %dma_wait3A_112 : memref<1x128xi32, #tpu.memory_space<vmem>> -> memref<128xi32, #tpu.memory_space<vmem>>
      %dma_wait3A_114 = arith.constant 0 : i32
      %dma_wait3A_115 = arith.constant 0 : i32
      %dma_wait3A_116 = tpu.memref_slice %arg2[%dma_wait3A_114, %dma_wait3A_115] : memref<10240x128xf32, #tpu.memory_space<hbm>> -> memref<10240x128xf32, #tpu.memory_space<hbm>>
      tpu.wait_indirect_dma semaphore(%arg13 : memref<!tpu.dma_semaphore, #tpu.memory_space<semaphore_mem>>) src(%dma_wait3A_116 : memref<10240x128xf32, #tpu.memory_space<hbm>>) dst(%arg9 : memref<128x128xf32, #tpu.memory_space<vmem>>)
      %run_scoped3A_117 = arith.constant 4 : i32
      "tpu.region"() ({
        %run_scoped3A_142 = tpu.sem_alloc : memref<!tpu.dma_semaphore, #tpu.memory_space<semaphore_mem>>
        %dma_start3A_143 = arith.constant 0 : i32
        %dma_start3A_144 = tpu.memref_slice %arg8[%run_scoped3A_117, %dma_start3A_143] : memref<8x128xi32, #tpu.memory_space<vmem>> -> memref<1x128xi32, #tpu.memory_space<vmem>>
        %dma_start3A_145 = tpu.memref_squeeze %dma_start3A_144 : memref<1x128xi32, #tpu.memory_space<vmem>> -> memref<128xi32, #tpu.memory_space<vmem>>
        %dma_start3A_146 = arith.constant 0 : i32
        %dma_start3A_147 = arith.constant 0 : i32
        %dma_start3A_148 = tpu.memref_slice %arg17[%dma_start3A_146, %dma_start3A_147] : memref<5120x128xf32, #tpu.memory_space<vmem_shared>> -> memref<5120x128xf32, #tpu.memory_space<vmem_shared>>
        %dma_start3A_149 = arith.constant -1 : i32
        tpu.enqueue_indirect_dma source(%arg9 : memref<128x128xf32, #tpu.memory_space<vmem>>) target(%dma_start3A_148 : memref<5120x128xf32, #tpu.memory_space<vmem_shared>>) offsets(%dma_start3A_145 : memref<128xi32, #tpu.memory_space<vmem>>) offset_filter(%dma_start3A_149) semaphore(%run_scoped3A_142 : memref<!tpu.dma_semaphore, #tpu.memory_space<semaphore_mem>>) {add = true}
        %dma_wait3A_150 = arith.constant 0 : i32
        %dma_wait3A_151 = tpu.memref_slice %arg8[%run_scoped3A_117, %dma_wait3A_150] : memref<8x128xi32, #tpu.memory_space<vmem>> -> memref<1x128xi32, #tpu.memory_space<vmem>>
        %dma_wait3A_152 = tpu.memref_squeeze %dma_wait3A_151 : memref<1x128xi32, #tpu.memory_space<vmem>> -> memref<128xi32, #tpu.memory_space<vmem>>
        %dma_wait3A_153 = arith.constant 0 : i32
        %dma_wait3A_154 = arith.constant 0 : i32
        %dma_wait3A_155 = tpu.memref_slice %arg17[%dma_wait3A_153, %dma_wait3A_154] : memref<5120x128xf32, #tpu.memory_space<vmem_shared>> -> memref<5120x128xf32, #tpu.memory_space<vmem_shared>>
        tpu.wait_indirect_dma semaphore(%run_scoped3A_142 : memref<!tpu.dma_semaphore, #tpu.memory_space<semaphore_mem>>) src(%arg9 : memref<128x128xf32, #tpu.memory_space<vmem>>) dst(%dma_wait3A_155 : memref<5120x128xf32, #tpu.memory_space<vmem_shared>>)
        tpu.yield
      }) : () -> ()
      %dma_wait3A_118 = arith.constant 5 : i32
      %dma_wait3A_119 = arith.constant 0 : i32
      %dma_wait3A_120 = tpu.memref_slice %arg7[%dma_wait3A_118, %dma_wait3A_119] : memref<8x128xi32, #tpu.memory_space<vmem>> -> memref<1x128xi32, #tpu.memory_space<vmem>>
      %dma_wait3A_121 = tpu.memref_squeeze %dma_wait3A_120 : memref<1x128xi32, #tpu.memory_space<vmem>> -> memref<128xi32, #tpu.memory_space<vmem>>
      %dma_wait3A_122 = arith.constant 0 : i32
      %dma_wait3A_123 = arith.constant 0 : i32
      %dma_wait3A_124 = tpu.memref_slice %arg2[%dma_wait3A_122, %dma_wait3A_123] : memref<10240x128xf32, #tpu.memory_space<hbm>> -> memref<10240x128xf32, #tpu.memory_space<hbm>>
      tpu.wait_indirect_dma semaphore(%arg14 : memref<!tpu.dma_semaphore, #tpu.memory_space<semaphore_mem>>) src(%dma_wait3A_124 : memref<10240x128xf32, #tpu.memory_space<hbm>>) dst(%arg10 : memref<128x128xf32, #tpu.memory_space<vmem>>)
      %run_scoped3A_125 = arith.constant 5 : i32
      "tpu.region"() ({
        %run_scoped3A_142 = tpu.sem_alloc : memref<!tpu.dma_semaphore, #tpu.memory_space<semaphore_mem>>
        %dma_start3A_143 = arith.constant 0 : i32
        %dma_start3A_144 = tpu.memref_slice %arg8[%run_scoped3A_125, %dma_start3A_143] : memref<8x128xi32, #tpu.memory_space<vmem>> -> memref<1x128xi32, #tpu.memory_space<vmem>>
        %dma_start3A_145 = tpu.memref_squeeze %dma_start3A_144 : memref<1x128xi32, #tpu.memory_space<vmem>> -> memref<128xi32, #tpu.memory_space<vmem>>
        %dma_start3A_146 = arith.constant 0 : i32
        %dma_start3A_147 = arith.constant 0 : i32
        %dma_start3A_148 = tpu.memref_slice %arg17[%dma_start3A_146, %dma_start3A_147] : memref<5120x128xf32, #tpu.memory_space<vmem_shared>> -> memref<5120x128xf32, #tpu.memory_space<vmem_shared>>
        %dma_start3A_149 = arith.constant -1 : i32
        tpu.enqueue_indirect_dma source(%arg10 : memref<128x128xf32, #tpu.memory_space<vmem>>) target(%dma_start3A_148 : memref<5120x128xf32, #tpu.memory_space<vmem_shared>>) offsets(%dma_start3A_145 : memref<128xi32, #tpu.memory_space<vmem>>) offset_filter(%dma_start3A_149) semaphore(%run_scoped3A_142 : memref<!tpu.dma_semaphore, #tpu.memory_space<semaphore_mem>>) {add = true}
        %dma_wait3A_150 = arith.constant 0 : i32
        %dma_wait3A_151 = tpu.memref_slice %arg8[%run_scoped3A_125, %dma_wait3A_150] : memref<8x128xi32, #tpu.memory_space<vmem>> -> memref<1x128xi32, #tpu.memory_space<vmem>>
        %dma_wait3A_152 = tpu.memref_squeeze %dma_wait3A_151 : memref<1x128xi32, #tpu.memory_space<vmem>> -> memref<128xi32, #tpu.memory_space<vmem>>
        %dma_wait3A_153 = arith.constant 0 : i32
        %dma_wait3A_154 = arith.constant 0 : i32
        %dma_wait3A_155 = tpu.memref_slice %arg17[%dma_wait3A_153, %dma_wait3A_154] : memref<5120x128xf32, #tpu.memory_space<vmem_shared>> -> memref<5120x128xf32, #tpu.memory_space<vmem_shared>>
        tpu.wait_indirect_dma semaphore(%run_scoped3A_142 : memref<!tpu.dma_semaphore, #tpu.memory_space<semaphore_mem>>) src(%arg10 : memref<128x128xf32, #tpu.memory_space<vmem>>) dst(%dma_wait3A_155 : memref<5120x128xf32, #tpu.memory_space<vmem_shared>>)
        tpu.yield
      }) : () -> ()
      %dma_wait3A_126 = arith.constant 6 : i32
      %dma_wait3A_127 = arith.constant 0 : i32
      %dma_wait3A_128 = tpu.memref_slice %arg7[%dma_wait3A_126, %dma_wait3A_127] : memref<8x128xi32, #tpu.memory_space<vmem>> -> memref<1x128xi32, #tpu.memory_space<vmem>>
      %dma_wait3A_129 = tpu.memref_squeeze %dma_wait3A_128 : memref<1x128xi32, #tpu.memory_space<vmem>> -> memref<128xi32, #tpu.memory_space<vmem>>
      %dma_wait3A_130 = arith.constant 0 : i32
      %dma_wait3A_131 = arith.constant 0 : i32
      %dma_wait3A_132 = tpu.memref_slice %arg2[%dma_wait3A_130, %dma_wait3A_131] : memref<10240x128xf32, #tpu.memory_space<hbm>> -> memref<10240x128xf32, #tpu.memory_space<hbm>>
      tpu.wait_indirect_dma semaphore(%arg15 : memref<!tpu.dma_semaphore, #tpu.memory_space<semaphore_mem>>) src(%dma_wait3A_132 : memref<10240x128xf32, #tpu.memory_space<hbm>>) dst(%arg11 : memref<128x128xf32, #tpu.memory_space<vmem>>)
      %run_scoped3A_133 = arith.constant 6 : i32
      "tpu.region"() ({
        %run_scoped3A_142 = tpu.sem_alloc : memref<!tpu.dma_semaphore, #tpu.memory_space<semaphore_mem>>
        %dma_start3A_143 = arith.constant 0 : i32
        %dma_start3A_144 = tpu.memref_slice %arg8[%run_scoped3A_133, %dma_start3A_143] : memref<8x128xi32, #tpu.memory_space<vmem>> -> memref<1x128xi32, #tpu.memory_space<vmem>>
        %dma_start3A_145 = tpu.memref_squeeze %dma_start3A_144 : memref<1x128xi32, #tpu.memory_space<vmem>> -> memref<128xi32, #tpu.memory_space<vmem>>
        %dma_start3A_146 = arith.constant 0 : i32
        %dma_start3A_147 = arith.constant 0 : i32
        %dma_start3A_148 = tpu.memref_slice %arg17[%dma_start3A_146, %dma_start3A_147] : memref<5120x128xf32, #tpu.memory_space<vmem_shared>> -> memref<5120x128xf32, #tpu.memory_space<vmem_shared>>
        %dma_start3A_149 = arith.constant -1 : i32
        tpu.enqueue_indirect_dma source(%arg11 : memref<128x128xf32, #tpu.memory_space<vmem>>) target(%dma_start3A_148 : memref<5120x128xf32, #tpu.memory_space<vmem_shared>>) offsets(%dma_start3A_145 : memref<128xi32, #tpu.memory_space<vmem>>) offset_filter(%dma_start3A_149) semaphore(%run_scoped3A_142 : memref<!tpu.dma_semaphore, #tpu.memory_space<semaphore_mem>>) {add = true}
        %dma_wait3A_150 = arith.constant 0 : i32
        %dma_wait3A_151 = tpu.memref_slice %arg8[%run_scoped3A_133, %dma_wait3A_150] : memref<8x128xi32, #tpu.memory_space<vmem>> -> memref<1x128xi32, #tpu.memory_space<vmem>>
        %dma_wait3A_152 = tpu.memref_squeeze %dma_wait3A_151 : memref<1x128xi32, #tpu.memory_space<vmem>> -> memref<128xi32, #tpu.memory_space<vmem>>
        %dma_wait3A_153 = arith.constant 0 : i32
        %dma_wait3A_154 = arith.constant 0 : i32
        %dma_wait3A_155 = tpu.memref_slice %arg17[%dma_wait3A_153, %dma_wait3A_154] : memref<5120x128xf32, #tpu.memory_space<vmem_shared>> -> memref<5120x128xf32, #tpu.memory_space<vmem_shared>>
        tpu.wait_indirect_dma semaphore(%run_scoped3A_142 : memref<!tpu.dma_semaphore, #tpu.memory_space<semaphore_mem>>) src(%arg11 : memref<128x128xf32, #tpu.memory_space<vmem>>) dst(%dma_wait3A_155 : memref<5120x128xf32, #tpu.memory_space<vmem_shared>>)
        tpu.yield
      }) : () -> ()
      %dma_wait3A_134 = arith.constant 7 : i32
      %dma_wait3A_135 = arith.constant 0 : i32
      %dma_wait3A_136 = tpu.memref_slice %arg7[%dma_wait3A_134, %dma_wait3A_135] : memref<8x128xi32, #tpu.memory_space<vmem>> -> memref<1x128xi32, #tpu.memory_space<vmem>>
      %dma_wait3A_137 = tpu.memref_squeeze %dma_wait3A_136 : memref<1x128xi32, #tpu.memory_space<vmem>> -> memref<128xi32, #tpu.memory_space<vmem>>
      %dma_wait3A_138 = arith.constant 0 : i32
      %dma_wait3A_139 = arith.constant 0 : i32
      %dma_wait3A_140 = tpu.memref_slice %arg2[%dma_wait3A_138, %dma_wait3A_139] : memref<10240x128xf32, #tpu.memory_space<hbm>> -> memref<10240x128xf32, #tpu.memory_space<hbm>>
      tpu.wait_indirect_dma semaphore(%arg16 : memref<!tpu.dma_semaphore, #tpu.memory_space<semaphore_mem>>) src(%dma_wait3A_140 : memref<10240x128xf32, #tpu.memory_space<hbm>>) dst(%arg12 : memref<128x128xf32, #tpu.memory_space<vmem>>)
      %run_scoped3A_141 = arith.constant 7 : i32
      "tpu.region"() ({
        %run_scoped3A_142 = tpu.sem_alloc : memref<!tpu.dma_semaphore, #tpu.memory_space<semaphore_mem>>
        %dma_start3A_143 = arith.constant 0 : i32
        %dma_start3A_144 = tpu.memref_slice %arg8[%run_scoped3A_141, %dma_start3A_143] : memref<8x128xi32, #tpu.memory_space<vmem>> -> memref<1x128xi32, #tpu.memory_space<vmem>>
        %dma_start3A_145 = tpu.memref_squeeze %dma_start3A_144 : memref<1x128xi32, #tpu.memory_space<vmem>> -> memref<128xi32, #tpu.memory_space<vmem>>
        %dma_start3A_146 = arith.constant 0 : i32
        %dma_start3A_147 = arith.constant 0 : i32
        %dma_start3A_148 = tpu.memref_slice %arg17[%dma_start3A_146, %dma_start3A_147] : memref<5120x128xf32, #tpu.memory_space<vmem_shared>> -> memref<5120x128xf32, #tpu.memory_space<vmem_shared>>
        %dma_start3A_149 = arith.constant -1 : i32
        tpu.enqueue_indirect_dma source(%arg12 : memref<128x128xf32, #tpu.memory_space<vmem>>) target(%dma_start3A_148 : memref<5120x128xf32, #tpu.memory_space<vmem_shared>>) offsets(%dma_start3A_145 : memref<128xi32, #tpu.memory_space<vmem>>) offset_filter(%dma_start3A_149) semaphore(%run_scoped3A_142 : memref<!tpu.dma_semaphore, #tpu.memory_space<semaphore_mem>>) {add = true}
        %dma_wait3A_150 = arith.constant 0 : i32
        %dma_wait3A_151 = tpu.memref_slice %arg8[%run_scoped3A_141, %dma_wait3A_150] : memref<8x128xi32, #tpu.memory_space<vmem>> -> memref<1x128xi32, #tpu.memory_space<vmem>>
        %dma_wait3A_152 = tpu.memref_squeeze %dma_wait3A_151 : memref<1x128xi32, #tpu.memory_space<vmem>> -> memref<128xi32, #tpu.memory_space<vmem>>
        %dma_wait3A_153 = arith.constant 0 : i32
        %dma_wait3A_154 = arith.constant 0 : i32
        %dma_wait3A_155 = tpu.memref_slice %arg17[%dma_wait3A_153, %dma_wait3A_154] : memref<5120x128xf32, #tpu.memory_space<vmem_shared>> -> memref<5120x128xf32, #tpu.memory_space<vmem_shared>>
        tpu.wait_indirect_dma semaphore(%run_scoped3A_142 : memref<!tpu.dma_semaphore, #tpu.memory_space<semaphore_mem>>) src(%arg12 : memref<128x128xf32, #tpu.memory_space<vmem>>) dst(%dma_wait3A_155 : memref<5120x128xf32, #tpu.memory_space<vmem_shared>>)
        tpu.yield
      }) : () -> ()
    }
    %scan3A_4 = arith.constant 20 : i32
    %barrier3A_5 = arith.constant 0 : index
    tpu.barrier barrier_id(%barrier3A_5)
    %mul3A_6 = arith.constant 320 : i32
    %mul3A_7 = arith.muli %arg1, %mul3A_6 : i32
    %mul3A_8 = arith.constant 5120 : i32
    %mul3A_9 = arith.muli %arg0, %mul3A_8 : i32
    %mul3A_10 = arith.constant 320 : i32
    %mul3A_11 = arith.muli %arg1, %mul3A_10 : i32
    %add3A = arith.addi %mul3A_9, %mul3A_11 : i32
    "tpu.region"() ({
      %run_scoped3A = tpu.sem_alloc : memref<!tpu.dma_semaphore, #tpu.memory_space<semaphore_mem>>
      %dma_start3A = arith.constant 0 : i32
      %dma_start3A_12 = tpu.memref_slice %arg6[%add3A, %dma_start3A] : memref<10240x128xf32, #tpu.memory_space<hbm>> -> memref<320x128xf32, #tpu.memory_space<hbm>>
      %dma_start3A_13 = arith.constant 0 : i32
      %dma_start3A_14 = tpu.memref_slice %arg17[%mul3A_7, %dma_start3A_13] : memref<5120x128xf32, #tpu.memory_space<vmem_shared>> -> memref<320x128xf32, #tpu.memory_space<vmem_shared>>
      tpu.enqueue_dma source(%dma_start3A_14 : memref<320x128xf32, #tpu.memory_space<vmem_shared>>) target(%dma_start3A_12 : memref<320x128xf32, #tpu.memory_space<hbm>>) target_semaphore(%run_scoped3A : memref<!tpu.dma_semaphore, #tpu.memory_space<semaphore_mem>>)
      %dma_wait3A = arith.constant 0 : i32
      %dma_wait3A_15 = tpu.memref_slice %arg6[%add3A, %dma_wait3A] : memref<10240x128xf32, #tpu.memory_space<hbm>> -> memref<320x128xf32, #tpu.memory_space<hbm>>
      %dma_wait3A_16 = arith.constant 0 : i32
      %dma_wait3A_17 = tpu.memref_slice %arg17[%mul3A_7, %dma_wait3A_16] : memref<5120x128xf32, #tpu.memory_space<vmem_shared>> -> memref<320x128xf32, #tpu.memory_space<vmem_shared>>
      tpu.wait_dma2 semaphore(%run_scoped3A : memref<!tpu.dma_semaphore, #tpu.memory_space<semaphore_mem>>) src(%dma_wait3A_17 : memref<320x128xf32, #tpu.memory_space<vmem_shared>>) dst(%dma_wait3A_15 : memref<320x128xf32, #tpu.memory_space<hbm>>)
      tpu.yield
    }) : () -> ()
    return
  }
}

#map = affine_map<(d0, d1) -> (0, 0)>
#map1 = affine_map<(d0, d1) -> (0, 0, 0, 0)>
module attributes {stable_mosaic.version = 14 : i64} {
  func.func @edge_kernel(%arg0: i32, %arg1: i32, %arg2: memref<10240x128xf32, #tpu.memory_space<hbm>>, %arg3: memref<2x16x160x128xi32, #tpu.memory_space<hbm>>, %arg4: memref<2x16x160x128xi32, #tpu.memory_space<hbm>>, %arg5: memref<320x128xf32, #tpu.memory_space<hbm>>, %arg6: memref<10240x128xf32, #tpu.memory_space<hbm>>, %arg7: memref<8x128xi32, #tpu.memory_space<vmem>>, %arg8: memref<8x128xi32, #tpu.memory_space<vmem>>, %arg9: memref<128x128xf32, #tpu.memory_space<vmem>>, %arg10: memref<128x128xf32, #tpu.memory_space<vmem>>, %arg11: memref<128x128xf32, #tpu.memory_space<vmem>>, %arg12: memref<128x128xf32, #tpu.memory_space<vmem>>, %arg13: memref<!tpu.dma_semaphore, #tpu.memory_space<semaphore_mem>>, %arg14: memref<!tpu.dma_semaphore, #tpu.memory_space<semaphore_mem>>, %arg15: memref<!tpu.dma_semaphore, #tpu.memory_space<semaphore_mem>>, %arg16: memref<!tpu.dma_semaphore, #tpu.memory_space<semaphore_mem>>, %arg17: memref<5120x128xf32, #tpu.memory_space<vmem_shared>>) attributes {dimension_semantics = [#tpu.dimension_semantics<core_parallel>, #tpu.dimension_semantics<subcore_parallel>], iteration_bounds = array<i64: 2, 16>, scalar_prefetch = 0 : i64, scratch_operands = 11 : i64, tpu.core_type = #tpu.core_type<sc_vector_subcore>, window_params = [{transform_indices = #map}, {transform_indices = #map1}, {transform_indices = #map1}, {transform_indices = #map}, {transform_indices = #map}]} {
    %mul3A = arith.constant 320 : i32
    %mul3A_0 = arith.muli %arg1, %mul3A : i32
    "tpu.region"() ({
      %run_scoped3A = tpu.sem_alloc : memref<!tpu.dma_semaphore, #tpu.memory_space<semaphore_mem>>
      %dma_start3A = arith.constant 0 : i32
      %dma_start3A_12 = tpu.memref_slice %arg17[%mul3A_0, %dma_start3A] : memref<5120x128xf32, #tpu.memory_space<vmem_shared>> -> memref<320x128xf32, #tpu.memory_space<vmem_shared>>
      tpu.enqueue_dma source(%arg5 : memref<320x128xf32, #tpu.memory_space<hbm>>) target(%dma_start3A_12 : memref<320x128xf32, #tpu.memory_space<vmem_shared>>) target_semaphore(%run_scoped3A : memref<!tpu.dma_semaphore, #tpu.memory_space<semaphore_mem>>)
      %dma_wait3A = arith.constant 0 : i32
      %dma_wait3A_13 = tpu.memref_slice %arg17[%mul3A_0, %dma_wait3A] : memref<5120x128xf32, #tpu.memory_space<vmem_shared>> -> memref<320x128xf32, #tpu.memory_space<vmem_shared>>
      tpu.wait_dma2 semaphore(%run_scoped3A : memref<!tpu.dma_semaphore, #tpu.memory_space<semaphore_mem>>) src(%arg5 : memref<320x128xf32, #tpu.memory_space<hbm>>) dst(%dma_wait3A_13 : memref<320x128xf32, #tpu.memory_space<vmem_shared>>)
      tpu.yield
    }) : () -> ()
    %barrier3A = arith.constant 0 : index
    tpu.barrier barrier_id(%barrier3A)
    %scan3A = arith.constant 0 : i32
    %scan3A_1 = arith.constant 20 : i32
    %scan3A_2 = arith.addi %scan3A, %scan3A_1 : i32
    %scan3A_3 = arith.constant 1 : i32
    scf.for %scan3A_12 = %scan3A to %scan3A_2 step %scan3A_3  : i32 {
      %mul3A_13 = arith.constant 8 : i32
      %mul3A_14 = arith.muli %scan3A_12, %mul3A_13 : i32
      %add3A_15 = arith.constant 0 : i32
      %add3A_16 = arith.addi %add3A_15, %mul3A_14 : i32
      "tpu.region"() ({
        %run_scoped3A_142 = tpu.sem_alloc : memref<!tpu.dma_semaphore, #tpu.memory_space<semaphore_mem>>
        %dma_start3A_143 = arith.constant 0 : i32
        %dma_start3A_144 = tpu.memref_slice %arg3[%arg0, %arg1, %add3A_16, %dma_start3A_143] : memref<2x16x160x128xi32, #tpu.memory_space<hbm>> -> memref<1x1x8x128xi32, #tpu.memory_space<hbm>>
        %dma_start3A_145 = tpu.memref_squeeze %dma_start3A_144 : memref<1x1x8x128xi32, #tpu.memory_space<hbm>> -> memref<8x128xi32, #tpu.memory_space<hbm>>
        %dma_start3A_146 = arith.constant 0 : i32
        %dma_start3A_147 = tpu.memref_slice %arg3[%arg0, %arg1, %add3A_16, %dma_start3A_146] : memref<2x16x160x128xi32, #tpu.memory_space<hbm>> -> memref<1x1x8x128xi32, #tpu.memory_space<hbm>>
        %dma_start3A_148 = tpu.memref_squeeze %dma_start3A_147 : memref<1x1x8x128xi32, #tpu.memory_space<hbm>> -> memref<8x128xi32, #tpu.memory_space<hbm>>
        tpu.enqueue_dma source(%dma_start3A_148 : memref<8x128xi32, #tpu.memory_space<hbm>>) target(%arg7 : memref<8x128xi32, #tpu.memory_space<vmem>>) target_semaphore(%run_scoped3A_142 : memref<!tpu.dma_semaphore, #tpu.memory_space<semaphore_mem>>)
        %dma_wait3A_149 = arith.constant 0 : i32
        %dma_wait3A_150 = tpu.memref_slice %arg3[%arg0, %arg1, %add3A_16, %dma_wait3A_149] : memref<2x16x160x128xi32, #tpu.memory_space<hbm>> -> memref<1x1x8x128xi32, #tpu.memory_space<hbm>>
        %dma_wait3A_151 = tpu.memref_squeeze %dma_wait3A_150 : memref<1x1x8x128xi32, #tpu.memory_space<hbm>> -> memref<8x128xi32, #tpu.memory_space<hbm>>
        %dma_wait3A_152 = arith.constant 0 : i32
        %dma_wait3A_153 = tpu.memref_slice %arg3[%arg0, %arg1, %add3A_16, %dma_wait3A_152] : memref<2x16x160x128xi32, #tpu.memory_space<hbm>> -> memref<1x1x8x128xi32, #tpu.memory_space<hbm>>
        %dma_wait3A_154 = tpu.memref_squeeze %dma_wait3A_153 : memref<1x1x8x128xi32, #tpu.memory_space<hbm>> -> memref<8x128xi32, #tpu.memory_space<hbm>>
        tpu.wait_dma2 semaphore(%run_scoped3A_142 : memref<!tpu.dma_semaphore, #tpu.memory_space<semaphore_mem>>) src(%dma_wait3A_154 : memref<8x128xi32, #tpu.memory_space<hbm>>) dst(%arg7 : memref<8x128xi32, #tpu.memory_space<vmem>>)
        tpu.yield
      }) : () -> ()
      "tpu.region"() ({
        %run_scoped3A_142 = tpu.sem_alloc : memref<!tpu.dma_semaphore, #tpu.memory_space<semaphore_mem>>
        %dma_start3A_143 = arith.constant 0 : i32
        %dma_start3A_144 = tpu.memref_slice %arg4[%arg0, %arg1, %add3A_16, %dma_start3A_143] : memref<2x16x160x128xi32, #tpu.memory_space<hbm>> -> memref<1x1x8x128xi32, #tpu.memory_space<hbm>>
        %dma_start3A_145 = tpu.memref_squeeze %dma_start3A_144 : memref<1x1x8x128xi32, #tpu.memory_space<hbm>> -> memref<8x128xi32, #tpu.memory_space<hbm>>
        %dma_start3A_146 = arith.constant 0 : i32
        %dma_start3A_147 = tpu.memref_slice %arg4[%arg0, %arg1, %add3A_16, %dma_start3A_146] : memref<2x16x160x128xi32, #tpu.memory_space<hbm>> -> memref<1x1x8x128xi32, #tpu.memory_space<hbm>>
        %dma_start3A_148 = tpu.memref_squeeze %dma_start3A_147 : memref<1x1x8x128xi32, #tpu.memory_space<hbm>> -> memref<8x128xi32, #tpu.memory_space<hbm>>
        tpu.enqueue_dma source(%dma_start3A_148 : memref<8x128xi32, #tpu.memory_space<hbm>>) target(%arg8 : memref<8x128xi32, #tpu.memory_space<vmem>>) target_semaphore(%run_scoped3A_142 : memref<!tpu.dma_semaphore, #tpu.memory_space<semaphore_mem>>)
        %dma_wait3A_149 = arith.constant 0 : i32
        %dma_wait3A_150 = tpu.memref_slice %arg4[%arg0, %arg1, %add3A_16, %dma_wait3A_149] : memref<2x16x160x128xi32, #tpu.memory_space<hbm>> -> memref<1x1x8x128xi32, #tpu.memory_space<hbm>>
        %dma_wait3A_151 = tpu.memref_squeeze %dma_wait3A_150 : memref<1x1x8x128xi32, #tpu.memory_space<hbm>> -> memref<8x128xi32, #tpu.memory_space<hbm>>
        %dma_wait3A_152 = arith.constant 0 : i32
        %dma_wait3A_153 = tpu.memref_slice %arg4[%arg0, %arg1, %add3A_16, %dma_wait3A_152] : memref<2x16x160x128xi32, #tpu.memory_space<hbm>> -> memref<1x1x8x128xi32, #tpu.memory_space<hbm>>
        %dma_wait3A_154 = tpu.memref_squeeze %dma_wait3A_153 : memref<1x1x8x128xi32, #tpu.memory_space<hbm>> -> memref<8x128xi32, #tpu.memory_space<hbm>>
        tpu.wait_dma2 semaphore(%run_scoped3A_142 : memref<!tpu.dma_semaphore, #tpu.memory_space<semaphore_mem>>) src(%dma_wait3A_154 : memref<8x128xi32, #tpu.memory_space<hbm>>) dst(%arg8 : memref<8x128xi32, #tpu.memory_space<vmem>>)
        tpu.yield
      }) : () -> ()
      %dma_start3A = arith.constant 0 : i32
      %dma_start3A_17 = arith.constant 0 : i32
      %dma_start3A_18 = tpu.memref_slice %arg7[%dma_start3A, %dma_start3A_17] : memref<8x128xi32, #tpu.memory_space<vmem>> -> memref<1x128xi32, #tpu.memory_space<vmem>>
      %dma_start3A_19 = tpu.memref_squeeze %dma_start3A_18 : memref<1x128xi32, #tpu.memory_space<vmem>> -> memref<128xi32, #tpu.memory_space<vmem>>
      %dma_start3A_20 = arith.constant 0 : i32
      %dma_start3A_21 = arith.constant 0 : i32
      %dma_start3A_22 = tpu.memref_slice %arg2[%dma_start3A_20, %dma_start3A_21] : memref<10240x128xf32, #tpu.memory_space<hbm>> -> memref<10240x128xf32, #tpu.memory_space<hbm>>
      %dma_start3A_23 = arith.constant -1 : i32
      tpu.enqueue_indirect_dma source(%dma_start3A_22 : memref<10240x128xf32, #tpu.memory_space<hbm>>) target(%arg9 : memref<128x128xf32, #tpu.memory_space<vmem>>) offsets(%dma_start3A_19 : memref<128xi32, #tpu.memory_space<vmem>>) offset_filter(%dma_start3A_23) semaphore(%arg13 : memref<!tpu.dma_semaphore, #tpu.memory_space<semaphore_mem>>)
      %dma_start3A_24 = arith.constant 1 : i32
      %dma_start3A_25 = arith.constant 0 : i32
      %dma_start3A_26 = tpu.memref_slice %arg7[%dma_start3A_24, %dma_start3A_25] : memref<8x128xi32, #tpu.memory_space<vmem>> -> memref<1x128xi32, #tpu.memory_space<vmem>>
      %dma_start3A_27 = tpu.memref_squeeze %dma_start3A_26 : memref<1x128xi32, #tpu.memory_space<vmem>> -> memref<128xi32, #tpu.memory_space<vmem>>
      %dma_start3A_28 = arith.constant 0 : i32
      %dma_start3A_29 = arith.constant 0 : i32
      %dma_start3A_30 = tpu.memref_slice %arg2[%dma_start3A_28, %dma_start3A_29] : memref<10240x128xf32, #tpu.memory_space<hbm>> -> memref<10240x128xf32, #tpu.memory_space<hbm>>
      %dma_start3A_31 = arith.constant -1 : i32
      tpu.enqueue_indirect_dma source(%dma_start3A_30 : memref<10240x128xf32, #tpu.memory_space<hbm>>) target(%arg10 : memref<128x128xf32, #tpu.memory_space<vmem>>) offsets(%dma_start3A_27 : memref<128xi32, #tpu.memory_space<vmem>>) offset_filter(%dma_start3A_31) semaphore(%arg14 : memref<!tpu.dma_semaphore, #tpu.memory_space<semaphore_mem>>)
      %dma_start3A_32 = arith.constant 2 : i32
      %dma_start3A_33 = arith.constant 0 : i32
      %dma_start3A_34 = tpu.memref_slice %arg7[%dma_start3A_32, %dma_start3A_33] : memref<8x128xi32, #tpu.memory_space<vmem>> -> memref<1x128xi32, #tpu.memory_space<vmem>>
      %dma_start3A_35 = tpu.memref_squeeze %dma_start3A_34 : memref<1x128xi32, #tpu.memory_space<vmem>> -> memref<128xi32, #tpu.memory_space<vmem>>
      %dma_start3A_36 = arith.constant 0 : i32
      %dma_start3A_37 = arith.constant 0 : i32
      %dma_start3A_38 = tpu.memref_slice %arg2[%dma_start3A_36, %dma_start3A_37] : memref<10240x128xf32, #tpu.memory_space<hbm>> -> memref<10240x128xf32, #tpu.memory_space<hbm>>
      %dma_start3A_39 = arith.constant -1 : i32
      tpu.enqueue_indirect_dma source(%dma_start3A_38 : memref<10240x128xf32, #tpu.memory_space<hbm>>) target(%arg11 : memref<128x128xf32, #tpu.memory_space<vmem>>) offsets(%dma_start3A_35 : memref<128xi32, #tpu.memory_space<vmem>>) offset_filter(%dma_start3A_39) semaphore(%arg15 : memref<!tpu.dma_semaphore, #tpu.memory_space<semaphore_mem>>)
      %dma_start3A_40 = arith.constant 3 : i32
      %dma_start3A_41 = arith.constant 0 : i32
      %dma_start3A_42 = tpu.memref_slice %arg7[%dma_start3A_40, %dma_start3A_41] : memref<8x128xi32, #tpu.memory_space<vmem>> -> memref<1x128xi32, #tpu.memory_space<vmem>>
      %dma_start3A_43 = tpu.memref_squeeze %dma_start3A_42 : memref<1x128xi32, #tpu.memory_space<vmem>> -> memref<128xi32, #tpu.memory_space<vmem>>
      %dma_start3A_44 = arith.constant 0 : i32
      %dma_start3A_45 = arith.constant 0 : i32
      %dma_start3A_46 = tpu.memref_slice %arg2[%dma_start3A_44, %dma_start3A_45] : memref<10240x128xf32, #tpu.memory_space<hbm>> -> memref<10240x128xf32, #tpu.memory_space<hbm>>
      %dma_start3A_47 = arith.constant -1 : i32
      tpu.enqueue_indirect_dma source(%dma_start3A_46 : memref<10240x128xf32, #tpu.memory_space<hbm>>) target(%arg12 : memref<128x128xf32, #tpu.memory_space<vmem>>) offsets(%dma_start3A_43 : memref<128xi32, #tpu.memory_space<vmem>>) offset_filter(%dma_start3A_47) semaphore(%arg16 : memref<!tpu.dma_semaphore, #tpu.memory_space<semaphore_mem>>)
      %dma_wait3A = arith.constant 0 : i32
      %dma_wait3A_48 = arith.constant 0 : i32
      %dma_wait3A_49 = tpu.memref_slice %arg7[%dma_wait3A, %dma_wait3A_48] : memref<8x128xi32, #tpu.memory_space<vmem>> -> memref<1x128xi32, #tpu.memory_space<vmem>>
      %dma_wait3A_50 = tpu.memref_squeeze %dma_wait3A_49 : memref<1x128xi32, #tpu.memory_space<vmem>> -> memref<128xi32, #tpu.memory_space<vmem>>
      %dma_wait3A_51 = arith.constant 0 : i32
      %dma_wait3A_52 = arith.constant 0 : i32
      %dma_wait3A_53 = tpu.memref_slice %arg2[%dma_wait3A_51, %dma_wait3A_52] : memref<10240x128xf32, #tpu.memory_space<hbm>> -> memref<10240x128xf32, #tpu.memory_space<hbm>>
      tpu.wait_indirect_dma semaphore(%arg13 : memref<!tpu.dma_semaphore, #tpu.memory_space<semaphore_mem>>) src(%dma_wait3A_53 : memref<10240x128xf32, #tpu.memory_space<hbm>>) dst(%arg9 : memref<128x128xf32, #tpu.memory_space<vmem>>)
      %run_scoped3A = arith.constant 0 : i32
      "tpu.region"() ({
        %run_scoped3A_142 = tpu.sem_alloc : memref<!tpu.dma_semaphore, #tpu.memory_space<semaphore_mem>>
        %dma_start3A_143 = arith.constant 0 : i32
        %dma_start3A_144 = tpu.memref_slice %arg8[%run_scoped3A, %dma_start3A_143] : memref<8x128xi32, #tpu.memory_space<vmem>> -> memref<1x128xi32, #tpu.memory_space<vmem>>
        %dma_start3A_145 = tpu.memref_squeeze %dma_start3A_144 : memref<1x128xi32, #tpu.memory_space<vmem>> -> memref<128xi32, #tpu.memory_space<vmem>>
        %dma_start3A_146 = arith.constant 0 : i32
        %dma_start3A_147 = arith.constant 0 : i32
        %dma_start3A_148 = tpu.memref_slice %arg17[%dma_start3A_146, %dma_start3A_147] : memref<5120x128xf32, #tpu.memory_space<vmem_shared>> -> memref<5120x128xf32, #tpu.memory_space<vmem_shared>>
        %dma_start3A_149 = arith.constant -1 : i32
        tpu.enqueue_indirect_dma source(%arg9 : memref<128x128xf32, #tpu.memory_space<vmem>>) target(%dma_start3A_148 : memref<5120x128xf32, #tpu.memory_space<vmem_shared>>) offsets(%dma_start3A_145 : memref<128xi32, #tpu.memory_space<vmem>>) offset_filter(%dma_start3A_149) semaphore(%run_scoped3A_142 : memref<!tpu.dma_semaphore, #tpu.memory_space<semaphore_mem>>) {add = true}
        %dma_wait3A_150 = arith.constant 0 : i32
        %dma_wait3A_151 = tpu.memref_slice %arg8[%run_scoped3A, %dma_wait3A_150] : memref<8x128xi32, #tpu.memory_space<vmem>> -> memref<1x128xi32, #tpu.memory_space<vmem>>
        %dma_wait3A_152 = tpu.memref_squeeze %dma_wait3A_151 : memref<1x128xi32, #tpu.memory_space<vmem>> -> memref<128xi32, #tpu.memory_space<vmem>>
        %dma_wait3A_153 = arith.constant 0 : i32
        %dma_wait3A_154 = arith.constant 0 : i32
        %dma_wait3A_155 = tpu.memref_slice %arg17[%dma_wait3A_153, %dma_wait3A_154] : memref<5120x128xf32, #tpu.memory_space<vmem_shared>> -> memref<5120x128xf32, #tpu.memory_space<vmem_shared>>
        tpu.wait_indirect_dma semaphore(%run_scoped3A_142 : memref<!tpu.dma_semaphore, #tpu.memory_space<semaphore_mem>>) src(%arg9 : memref<128x128xf32, #tpu.memory_space<vmem>>) dst(%dma_wait3A_155 : memref<5120x128xf32, #tpu.memory_space<vmem_shared>>)
        tpu.yield
      }) : () -> ()
      %dma_start3A_54 = arith.constant 4 : i32
      %dma_start3A_55 = arith.constant 0 : i32
      %dma_start3A_56 = tpu.memref_slice %arg7[%dma_start3A_54, %dma_start3A_55] : memref<8x128xi32, #tpu.memory_space<vmem>> -> memref<1x128xi32, #tpu.memory_space<vmem>>
      %dma_start3A_57 = tpu.memref_squeeze %dma_start3A_56 : memref<1x128xi32, #tpu.memory_space<vmem>> -> memref<128xi32, #tpu.memory_space<vmem>>
      %dma_start3A_58 = arith.constant 0 : i32
      %dma_start3A_59 = arith.constant 0 : i32
      %dma_start3A_60 = tpu.memref_slice %arg2[%dma_start3A_58, %dma_start3A_59] : memref<10240x128xf32, #tpu.memory_space<hbm>> -> memref<10240x128xf32, #tpu.memory_space<hbm>>
      %dma_start3A_61 = arith.constant -1 : i32
      tpu.enqueue_indirect_dma source(%dma_start3A_60 : memref<10240x128xf32, #tpu.memory_space<hbm>>) target(%arg9 : memref<128x128xf32, #tpu.memory_space<vmem>>) offsets(%dma_start3A_57 : memref<128xi32, #tpu.memory_space<vmem>>) offset_filter(%dma_start3A_61) semaphore(%arg13 : memref<!tpu.dma_semaphore, #tpu.memory_space<semaphore_mem>>)
      %dma_wait3A_62 = arith.constant 1 : i32
      %dma_wait3A_63 = arith.constant 0 : i32
      %dma_wait3A_64 = tpu.memref_slice %arg7[%dma_wait3A_62, %dma_wait3A_63] : memref<8x128xi32, #tpu.memory_space<vmem>> -> memref<1x128xi32, #tpu.memory_space<vmem>>
      %dma_wait3A_65 = tpu.memref_squeeze %dma_wait3A_64 : memref<1x128xi32, #tpu.memory_space<vmem>> -> memref<128xi32, #tpu.memory_space<vmem>>
      %dma_wait3A_66 = arith.constant 0 : i32
      %dma_wait3A_67 = arith.constant 0 : i32
      %dma_wait3A_68 = tpu.memref_slice %arg2[%dma_wait3A_66, %dma_wait3A_67] : memref<10240x128xf32, #tpu.memory_space<hbm>> -> memref<10240x128xf32, #tpu.memory_space<hbm>>
      tpu.wait_indirect_dma semaphore(%arg14 : memref<!tpu.dma_semaphore, #tpu.memory_space<semaphore_mem>>) src(%dma_wait3A_68 : memref<10240x128xf32, #tpu.memory_space<hbm>>) dst(%arg10 : memref<128x128xf32, #tpu.memory_space<vmem>>)
      %run_scoped3A_69 = arith.constant 1 : i32
      "tpu.region"() ({
        %run_scoped3A_142 = tpu.sem_alloc : memref<!tpu.dma_semaphore, #tpu.memory_space<semaphore_mem>>
        %dma_start3A_143 = arith.constant 0 : i32
        %dma_start3A_144 = tpu.memref_slice %arg8[%run_scoped3A_69, %dma_start3A_143] : memref<8x128xi32, #tpu.memory_space<vmem>> -> memref<1x128xi32, #tpu.memory_space<vmem>>
        %dma_start3A_145 = tpu.memref_squeeze %dma_start3A_144 : memref<1x128xi32, #tpu.memory_space<vmem>> -> memref<128xi32, #tpu.memory_space<vmem>>
        %dma_start3A_146 = arith.constant 0 : i32
        %dma_start3A_147 = arith.constant 0 : i32
        %dma_start3A_148 = tpu.memref_slice %arg17[%dma_start3A_146, %dma_start3A_147] : memref<5120x128xf32, #tpu.memory_space<vmem_shared>> -> memref<5120x128xf32, #tpu.memory_space<vmem_shared>>
        %dma_start3A_149 = arith.constant -1 : i32
        tpu.enqueue_indirect_dma source(%arg10 : memref<128x128xf32, #tpu.memory_space<vmem>>) target(%dma_start3A_148 : memref<5120x128xf32, #tpu.memory_space<vmem_shared>>) offsets(%dma_start3A_145 : memref<128xi32, #tpu.memory_space<vmem>>) offset_filter(%dma_start3A_149) semaphore(%run_scoped3A_142 : memref<!tpu.dma_semaphore, #tpu.memory_space<semaphore_mem>>) {add = true}
        %dma_wait3A_150 = arith.constant 0 : i32
        %dma_wait3A_151 = tpu.memref_slice %arg8[%run_scoped3A_69, %dma_wait3A_150] : memref<8x128xi32, #tpu.memory_space<vmem>> -> memref<1x128xi32, #tpu.memory_space<vmem>>
        %dma_wait3A_152 = tpu.memref_squeeze %dma_wait3A_151 : memref<1x128xi32, #tpu.memory_space<vmem>> -> memref<128xi32, #tpu.memory_space<vmem>>
        %dma_wait3A_153 = arith.constant 0 : i32
        %dma_wait3A_154 = arith.constant 0 : i32
        %dma_wait3A_155 = tpu.memref_slice %arg17[%dma_wait3A_153, %dma_wait3A_154] : memref<5120x128xf32, #tpu.memory_space<vmem_shared>> -> memref<5120x128xf32, #tpu.memory_space<vmem_shared>>
        tpu.wait_indirect_dma semaphore(%run_scoped3A_142 : memref<!tpu.dma_semaphore, #tpu.memory_space<semaphore_mem>>) src(%arg10 : memref<128x128xf32, #tpu.memory_space<vmem>>) dst(%dma_wait3A_155 : memref<5120x128xf32, #tpu.memory_space<vmem_shared>>)
        tpu.yield
      }) : () -> ()
      %dma_start3A_70 = arith.constant 5 : i32
      %dma_start3A_71 = arith.constant 0 : i32
      %dma_start3A_72 = tpu.memref_slice %arg7[%dma_start3A_70, %dma_start3A_71] : memref<8x128xi32, #tpu.memory_space<vmem>> -> memref<1x128xi32, #tpu.memory_space<vmem>>
      %dma_start3A_73 = tpu.memref_squeeze %dma_start3A_72 : memref<1x128xi32, #tpu.memory_space<vmem>> -> memref<128xi32, #tpu.memory_space<vmem>>
      %dma_start3A_74 = arith.constant 0 : i32
      %dma_start3A_75 = arith.constant 0 : i32
      %dma_start3A_76 = tpu.memref_slice %arg2[%dma_start3A_74, %dma_start3A_75] : memref<10240x128xf32, #tpu.memory_space<hbm>> -> memref<10240x128xf32, #tpu.memory_space<hbm>>
      %dma_start3A_77 = arith.constant -1 : i32
      tpu.enqueue_indirect_dma source(%dma_start3A_76 : memref<10240x128xf32, #tpu.memory_space<hbm>>) target(%arg10 : memref<128x128xf32, #tpu.memory_space<vmem>>) offsets(%dma_start3A_73 : memref<128xi32, #tpu.memory_space<vmem>>) offset_filter(%dma_start3A_77) semaphore(%arg14 : memref<!tpu.dma_semaphore, #tpu.memory_space<semaphore_mem>>)
      %dma_wait3A_78 = arith.constant 2 : i32
      %dma_wait3A_79 = arith.constant 0 : i32
      %dma_wait3A_80 = tpu.memref_slice %arg7[%dma_wait3A_78, %dma_wait3A_79] : memref<8x128xi32, #tpu.memory_space<vmem>> -> memref<1x128xi32, #tpu.memory_space<vmem>>
      %dma_wait3A_81 = tpu.memref_squeeze %dma_wait3A_80 : memref<1x128xi32, #tpu.memory_space<vmem>> -> memref<128xi32, #tpu.memory_space<vmem>>
      %dma_wait3A_82 = arith.constant 0 : i32
      %dma_wait3A_83 = arith.constant 0 : i32
      %dma_wait3A_84 = tpu.memref_slice %arg2[%dma_wait3A_82, %dma_wait3A_83] : memref<10240x128xf32, #tpu.memory_space<hbm>> -> memref<10240x128xf32, #tpu.memory_space<hbm>>
      tpu.wait_indirect_dma semaphore(%arg15 : memref<!tpu.dma_semaphore, #tpu.memory_space<semaphore_mem>>) src(%dma_wait3A_84 : memref<10240x128xf32, #tpu.memory_space<hbm>>) dst(%arg11 : memref<128x128xf32, #tpu.memory_space<vmem>>)
      %run_scoped3A_85 = arith.constant 2 : i32
      "tpu.region"() ({
        %run_scoped3A_142 = tpu.sem_alloc : memref<!tpu.dma_semaphore, #tpu.memory_space<semaphore_mem>>
        %dma_start3A_143 = arith.constant 0 : i32
        %dma_start3A_144 = tpu.memref_slice %arg8[%run_scoped3A_85, %dma_start3A_143] : memref<8x128xi32, #tpu.memory_space<vmem>> -> memref<1x128xi32, #tpu.memory_space<vmem>>
        %dma_start3A_145 = tpu.memref_squeeze %dma_start3A_144 : memref<1x128xi32, #tpu.memory_space<vmem>> -> memref<128xi32, #tpu.memory_space<vmem>>
        %dma_start3A_146 = arith.constant 0 : i32
        %dma_start3A_147 = arith.constant 0 : i32
        %dma_start3A_148 = tpu.memref_slice %arg17[%dma_start3A_146, %dma_start3A_147] : memref<5120x128xf32, #tpu.memory_space<vmem_shared>> -> memref<5120x128xf32, #tpu.memory_space<vmem_shared>>
        %dma_start3A_149 = arith.constant -1 : i32
        tpu.enqueue_indirect_dma source(%arg11 : memref<128x128xf32, #tpu.memory_space<vmem>>) target(%dma_start3A_148 : memref<5120x128xf32, #tpu.memory_space<vmem_shared>>) offsets(%dma_start3A_145 : memref<128xi32, #tpu.memory_space<vmem>>) offset_filter(%dma_start3A_149) semaphore(%run_scoped3A_142 : memref<!tpu.dma_semaphore, #tpu.memory_space<semaphore_mem>>) {add = true}
        %dma_wait3A_150 = arith.constant 0 : i32
        %dma_wait3A_151 = tpu.memref_slice %arg8[%run_scoped3A_85, %dma_wait3A_150] : memref<8x128xi32, #tpu.memory_space<vmem>> -> memref<1x128xi32, #tpu.memory_space<vmem>>
        %dma_wait3A_152 = tpu.memref_squeeze %dma_wait3A_151 : memref<1x128xi32, #tpu.memory_space<vmem>> -> memref<128xi32, #tpu.memory_space<vmem>>
        %dma_wait3A_153 = arith.constant 0 : i32
        %dma_wait3A_154 = arith.constant 0 : i32
        %dma_wait3A_155 = tpu.memref_slice %arg17[%dma_wait3A_153, %dma_wait3A_154] : memref<5120x128xf32, #tpu.memory_space<vmem_shared>> -> memref<5120x128xf32, #tpu.memory_space<vmem_shared>>
        tpu.wait_indirect_dma semaphore(%run_scoped3A_142 : memref<!tpu.dma_semaphore, #tpu.memory_space<semaphore_mem>>) src(%arg11 : memref<128x128xf32, #tpu.memory_space<vmem>>) dst(%dma_wait3A_155 : memref<5120x128xf32, #tpu.memory_space<vmem_shared>>)
        tpu.yield
      }) : () -> ()
      %dma_start3A_86 = arith.constant 6 : i32
      %dma_start3A_87 = arith.constant 0 : i32
      %dma_start3A_88 = tpu.memref_slice %arg7[%dma_start3A_86, %dma_start3A_87] : memref<8x128xi32, #tpu.memory_space<vmem>> -> memref<1x128xi32, #tpu.memory_space<vmem>>
      %dma_start3A_89 = tpu.memref_squeeze %dma_start3A_88 : memref<1x128xi32, #tpu.memory_space<vmem>> -> memref<128xi32, #tpu.memory_space<vmem>>
      %dma_start3A_90 = arith.constant 0 : i32
      %dma_start3A_91 = arith.constant 0 : i32
      %dma_start3A_92 = tpu.memref_slice %arg2[%dma_start3A_90, %dma_start3A_91] : memref<10240x128xf32, #tpu.memory_space<hbm>> -> memref<10240x128xf32, #tpu.memory_space<hbm>>
      %dma_start3A_93 = arith.constant -1 : i32
      tpu.enqueue_indirect_dma source(%dma_start3A_92 : memref<10240x128xf32, #tpu.memory_space<hbm>>) target(%arg11 : memref<128x128xf32, #tpu.memory_space<vmem>>) offsets(%dma_start3A_89 : memref<128xi32, #tpu.memory_space<vmem>>) offset_filter(%dma_start3A_93) semaphore(%arg15 : memref<!tpu.dma_semaphore, #tpu.memory_space<semaphore_mem>>)
      %dma_wait3A_94 = arith.constant 3 : i32
      %dma_wait3A_95 = arith.constant 0 : i32
      %dma_wait3A_96 = tpu.memref_slice %arg7[%dma_wait3A_94, %dma_wait3A_95] : memref<8x128xi32, #tpu.memory_space<vmem>> -> memref<1x128xi32, #tpu.memory_space<vmem>>
      %dma_wait3A_97 = tpu.memref_squeeze %dma_wait3A_96 : memref<1x128xi32, #tpu.memory_space<vmem>> -> memref<128xi32, #tpu.memory_space<vmem>>
      %dma_wait3A_98 = arith.constant 0 : i32
      %dma_wait3A_99 = arith.constant 0 : i32
      %dma_wait3A_100 = tpu.memref_slice %arg2[%dma_wait3A_98, %dma_wait3A_99] : memref<10240x128xf32, #tpu.memory_space<hbm>> -> memref<10240x128xf32, #tpu.memory_space<hbm>>
      tpu.wait_indirect_dma semaphore(%arg16 : memref<!tpu.dma_semaphore, #tpu.memory_space<semaphore_mem>>) src(%dma_wait3A_100 : memref<10240x128xf32, #tpu.memory_space<hbm>>) dst(%arg12 : memref<128x128xf32, #tpu.memory_space<vmem>>)
      %run_scoped3A_101 = arith.constant 3 : i32
      "tpu.region"() ({
        %run_scoped3A_142 = tpu.sem_alloc : memref<!tpu.dma_semaphore, #tpu.memory_space<semaphore_mem>>
        %dma_start3A_143 = arith.constant 0 : i32
        %dma_start3A_144 = tpu.memref_slice %arg8[%run_scoped3A_101, %dma_start3A_143] : memref<8x128xi32, #tpu.memory_space<vmem>> -> memref<1x128xi32, #tpu.memory_space<vmem>>
        %dma_start3A_145 = tpu.memref_squeeze %dma_start3A_144 : memref<1x128xi32, #tpu.memory_space<vmem>> -> memref<128xi32, #tpu.memory_space<vmem>>
        %dma_start3A_146 = arith.constant 0 : i32
        %dma_start3A_147 = arith.constant 0 : i32
        %dma_start3A_148 = tpu.memref_slice %arg17[%dma_start3A_146, %dma_start3A_147] : memref<5120x128xf32, #tpu.memory_space<vmem_shared>> -> memref<5120x128xf32, #tpu.memory_space<vmem_shared>>
        %dma_start3A_149 = arith.constant -1 : i32
        tpu.enqueue_indirect_dma source(%arg12 : memref<128x128xf32, #tpu.memory_space<vmem>>) target(%dma_start3A_148 : memref<5120x128xf32, #tpu.memory_space<vmem_shared>>) offsets(%dma_start3A_145 : memref<128xi32, #tpu.memory_space<vmem>>) offset_filter(%dma_start3A_149) semaphore(%run_scoped3A_142 : memref<!tpu.dma_semaphore, #tpu.memory_space<semaphore_mem>>) {add = true}
        %dma_wait3A_150 = arith.constant 0 : i32
        %dma_wait3A_151 = tpu.memref_slice %arg8[%run_scoped3A_101, %dma_wait3A_150] : memref<8x128xi32, #tpu.memory_space<vmem>> -> memref<1x128xi32, #tpu.memory_space<vmem>>
        %dma_wait3A_152 = tpu.memref_squeeze %dma_wait3A_151 : memref<1x128xi32, #tpu.memory_space<vmem>> -> memref<128xi32, #tpu.memory_space<vmem>>
        %dma_wait3A_153 = arith.constant 0 : i32
        %dma_wait3A_154 = arith.constant 0 : i32
        %dma_wait3A_155 = tpu.memref_slice %arg17[%dma_wait3A_153, %dma_wait3A_154] : memref<5120x128xf32, #tpu.memory_space<vmem_shared>> -> memref<5120x128xf32, #tpu.memory_space<vmem_shared>>
        tpu.wait_indirect_dma semaphore(%run_scoped3A_142 : memref<!tpu.dma_semaphore, #tpu.memory_space<semaphore_mem>>) src(%arg12 : memref<128x128xf32, #tpu.memory_space<vmem>>) dst(%dma_wait3A_155 : memref<5120x128xf32, #tpu.memory_space<vmem_shared>>)
        tpu.yield
      }) : () -> ()
      %dma_start3A_102 = arith.constant 7 : i32
      %dma_start3A_103 = arith.constant 0 : i32
      %dma_start3A_104 = tpu.memref_slice %arg7[%dma_start3A_102, %dma_start3A_103] : memref<8x128xi32, #tpu.memory_space<vmem>> -> memref<1x128xi32, #tpu.memory_space<vmem>>
      %dma_start3A_105 = tpu.memref_squeeze %dma_start3A_104 : memref<1x128xi32, #tpu.memory_space<vmem>> -> memref<128xi32, #tpu.memory_space<vmem>>
      %dma_start3A_106 = arith.constant 0 : i32
      %dma_start3A_107 = arith.constant 0 : i32
      %dma_start3A_108 = tpu.memref_slice %arg2[%dma_start3A_106, %dma_start3A_107] : memref<10240x128xf32, #tpu.memory_space<hbm>> -> memref<10240x128xf32, #tpu.memory_space<hbm>>
      %dma_start3A_109 = arith.constant -1 : i32
      tpu.enqueue_indirect_dma source(%dma_start3A_108 : memref<10240x128xf32, #tpu.memory_space<hbm>>) target(%arg12 : memref<128x128xf32, #tpu.memory_space<vmem>>) offsets(%dma_start3A_105 : memref<128xi32, #tpu.memory_space<vmem>>) offset_filter(%dma_start3A_109) semaphore(%arg16 : memref<!tpu.dma_semaphore, #tpu.memory_space<semaphore_mem>>)
      %dma_wait3A_110 = arith.constant 4 : i32
      %dma_wait3A_111 = arith.constant 0 : i32
      %dma_wait3A_112 = tpu.memref_slice %arg7[%dma_wait3A_110, %dma_wait3A_111] : memref<8x128xi32, #tpu.memory_space<vmem>> -> memref<1x128xi32, #tpu.memory_space<vmem>>
      %dma_wait3A_113 = tpu.memref_squeeze %dma_wait3A_112 : memref<1x128xi32, #tpu.memory_space<vmem>> -> memref<128xi32, #tpu.memory_space<vmem>>
      %dma_wait3A_114 = arith.constant 0 : i32
      %dma_wait3A_115 = arith.constant 0 : i32
      %dma_wait3A_116 = tpu.memref_slice %arg2[%dma_wait3A_114, %dma_wait3A_115] : memref<10240x128xf32, #tpu.memory_space<hbm>> -> memref<10240x128xf32, #tpu.memory_space<hbm>>
      tpu.wait_indirect_dma semaphore(%arg13 : memref<!tpu.dma_semaphore, #tpu.memory_space<semaphore_mem>>) src(%dma_wait3A_116 : memref<10240x128xf32, #tpu.memory_space<hbm>>) dst(%arg9 : memref<128x128xf32, #tpu.memory_space<vmem>>)
      %run_scoped3A_117 = arith.constant 4 : i32
      "tpu.region"() ({
        %run_scoped3A_142 = tpu.sem_alloc : memref<!tpu.dma_semaphore, #tpu.memory_space<semaphore_mem>>
        %dma_start3A_143 = arith.constant 0 : i32
        %dma_start3A_144 = tpu.memref_slice %arg8[%run_scoped3A_117, %dma_start3A_143] : memref<8x128xi32, #tpu.memory_space<vmem>> -> memref<1x128xi32, #tpu.memory_space<vmem>>
        %dma_start3A_145 = tpu.memref_squeeze %dma_start3A_144 : memref<1x128xi32, #tpu.memory_space<vmem>> -> memref<128xi32, #tpu.memory_space<vmem>>
        %dma_start3A_146 = arith.constant 0 : i32
        %dma_start3A_147 = arith.constant 0 : i32
        %dma_start3A_148 = tpu.memref_slice %arg17[%dma_start3A_146, %dma_start3A_147] : memref<5120x128xf32, #tpu.memory_space<vmem_shared>> -> memref<5120x128xf32, #tpu.memory_space<vmem_shared>>
        %dma_start3A_149 = arith.constant -1 : i32
        tpu.enqueue_indirect_dma source(%arg9 : memref<128x128xf32, #tpu.memory_space<vmem>>) target(%dma_start3A_148 : memref<5120x128xf32, #tpu.memory_space<vmem_shared>>) offsets(%dma_start3A_145 : memref<128xi32, #tpu.memory_space<vmem>>) offset_filter(%dma_start3A_149) semaphore(%run_scoped3A_142 : memref<!tpu.dma_semaphore, #tpu.memory_space<semaphore_mem>>) {add = true}
        %dma_wait3A_150 = arith.constant 0 : i32
        %dma_wait3A_151 = tpu.memref_slice %arg8[%run_scoped3A_117, %dma_wait3A_150] : memref<8x128xi32, #tpu.memory_space<vmem>> -> memref<1x128xi32, #tpu.memory_space<vmem>>
        %dma_wait3A_152 = tpu.memref_squeeze %dma_wait3A_151 : memref<1x128xi32, #tpu.memory_space<vmem>> -> memref<128xi32, #tpu.memory_space<vmem>>
        %dma_wait3A_153 = arith.constant 0 : i32
        %dma_wait3A_154 = arith.constant 0 : i32
        %dma_wait3A_155 = tpu.memref_slice %arg17[%dma_wait3A_153, %dma_wait3A_154] : memref<5120x128xf32, #tpu.memory_space<vmem_shared>> -> memref<5120x128xf32, #tpu.memory_space<vmem_shared>>
        tpu.wait_indirect_dma semaphore(%run_scoped3A_142 : memref<!tpu.dma_semaphore, #tpu.memory_space<semaphore_mem>>) src(%arg9 : memref<128x128xf32, #tpu.memory_space<vmem>>) dst(%dma_wait3A_155 : memref<5120x128xf32, #tpu.memory_space<vmem_shared>>)
        tpu.yield
      }) : () -> ()
      %dma_wait3A_118 = arith.constant 5 : i32
      %dma_wait3A_119 = arith.constant 0 : i32
      %dma_wait3A_120 = tpu.memref_slice %arg7[%dma_wait3A_118, %dma_wait3A_119] : memref<8x128xi32, #tpu.memory_space<vmem>> -> memref<1x128xi32, #tpu.memory_space<vmem>>
      %dma_wait3A_121 = tpu.memref_squeeze %dma_wait3A_120 : memref<1x128xi32, #tpu.memory_space<vmem>> -> memref<128xi32, #tpu.memory_space<vmem>>
      %dma_wait3A_122 = arith.constant 0 : i32
      %dma_wait3A_123 = arith.constant 0 : i32
      %dma_wait3A_124 = tpu.memref_slice %arg2[%dma_wait3A_122, %dma_wait3A_123] : memref<10240x128xf32, #tpu.memory_space<hbm>> -> memref<10240x128xf32, #tpu.memory_space<hbm>>
      tpu.wait_indirect_dma semaphore(%arg14 : memref<!tpu.dma_semaphore, #tpu.memory_space<semaphore_mem>>) src(%dma_wait3A_124 : memref<10240x128xf32, #tpu.memory_space<hbm>>) dst(%arg10 : memref<128x128xf32, #tpu.memory_space<vmem>>)
      %run_scoped3A_125 = arith.constant 5 : i32
      "tpu.region"() ({
        %run_scoped3A_142 = tpu.sem_alloc : memref<!tpu.dma_semaphore, #tpu.memory_space<semaphore_mem>>
        %dma_start3A_143 = arith.constant 0 : i32
        %dma_start3A_144 = tpu.memref_slice %arg8[%run_scoped3A_125, %dma_start3A_143] : memref<8x128xi32, #tpu.memory_space<vmem>> -> memref<1x128xi32, #tpu.memory_space<vmem>>
        %dma_start3A_145 = tpu.memref_squeeze %dma_start3A_144 : memref<1x128xi32, #tpu.memory_space<vmem>> -> memref<128xi32, #tpu.memory_space<vmem>>
        %dma_start3A_146 = arith.constant 0 : i32
        %dma_start3A_147 = arith.constant 0 : i32
        %dma_start3A_148 = tpu.memref_slice %arg17[%dma_start3A_146, %dma_start3A_147] : memref<5120x128xf32, #tpu.memory_space<vmem_shared>> -> memref<5120x128xf32, #tpu.memory_space<vmem_shared>>
        %dma_start3A_149 = arith.constant -1 : i32
        tpu.enqueue_indirect_dma source(%arg10 : memref<128x128xf32, #tpu.memory_space<vmem>>) target(%dma_start3A_148 : memref<5120x128xf32, #tpu.memory_space<vmem_shared>>) offsets(%dma_start3A_145 : memref<128xi32, #tpu.memory_space<vmem>>) offset_filter(%dma_start3A_149) semaphore(%run_scoped3A_142 : memref<!tpu.dma_semaphore, #tpu.memory_space<semaphore_mem>>) {add = true}
        %dma_wait3A_150 = arith.constant 0 : i32
        %dma_wait3A_151 = tpu.memref_slice %arg8[%run_scoped3A_125, %dma_wait3A_150] : memref<8x128xi32, #tpu.memory_space<vmem>> -> memref<1x128xi32, #tpu.memory_space<vmem>>
        %dma_wait3A_152 = tpu.memref_squeeze %dma_wait3A_151 : memref<1x128xi32, #tpu.memory_space<vmem>> -> memref<128xi32, #tpu.memory_space<vmem>>
        %dma_wait3A_153 = arith.constant 0 : i32
        %dma_wait3A_154 = arith.constant 0 : i32
        %dma_wait3A_155 = tpu.memref_slice %arg17[%dma_wait3A_153, %dma_wait3A_154] : memref<5120x128xf32, #tpu.memory_space<vmem_shared>> -> memref<5120x128xf32, #tpu.memory_space<vmem_shared>>
        tpu.wait_indirect_dma semaphore(%run_scoped3A_142 : memref<!tpu.dma_semaphore, #tpu.memory_space<semaphore_mem>>) src(%arg10 : memref<128x128xf32, #tpu.memory_space<vmem>>) dst(%dma_wait3A_155 : memref<5120x128xf32, #tpu.memory_space<vmem_shared>>)
        tpu.yield
      }) : () -> ()
      %dma_wait3A_126 = arith.constant 6 : i32
      %dma_wait3A_127 = arith.constant 0 : i32
      %dma_wait3A_128 = tpu.memref_slice %arg7[%dma_wait3A_126, %dma_wait3A_127] : memref<8x128xi32, #tpu.memory_space<vmem>> -> memref<1x128xi32, #tpu.memory_space<vmem>>
      %dma_wait3A_129 = tpu.memref_squeeze %dma_wait3A_128 : memref<1x128xi32, #tpu.memory_space<vmem>> -> memref<128xi32, #tpu.memory_space<vmem>>
      %dma_wait3A_130 = arith.constant 0 : i32
      %dma_wait3A_131 = arith.constant 0 : i32
      %dma_wait3A_132 = tpu.memref_slice %arg2[%dma_wait3A_130, %dma_wait3A_131] : memref<10240x128xf32, #tpu.memory_space<hbm>> -> memref<10240x128xf32, #tpu.memory_space<hbm>>
      tpu.wait_indirect_dma semaphore(%arg15 : memref<!tpu.dma_semaphore, #tpu.memory_space<semaphore_mem>>) src(%dma_wait3A_132 : memref<10240x128xf32, #tpu.memory_space<hbm>>) dst(%arg11 : memref<128x128xf32, #tpu.memory_space<vmem>>)
      %run_scoped3A_133 = arith.constant 6 : i32
      "tpu.region"() ({
        %run_scoped3A_142 = tpu.sem_alloc : memref<!tpu.dma_semaphore, #tpu.memory_space<semaphore_mem>>
        %dma_start3A_143 = arith.constant 0 : i32
        %dma_start3A_144 = tpu.memref_slice %arg8[%run_scoped3A_133, %dma_start3A_143] : memref<8x128xi32, #tpu.memory_space<vmem>> -> memref<1x128xi32, #tpu.memory_space<vmem>>
        %dma_start3A_145 = tpu.memref_squeeze %dma_start3A_144 : memref<1x128xi32, #tpu.memory_space<vmem>> -> memref<128xi32, #tpu.memory_space<vmem>>
        %dma_start3A_146 = arith.constant 0 : i32
        %dma_start3A_147 = arith.constant 0 : i32
        %dma_start3A_148 = tpu.memref_slice %arg17[%dma_start3A_146, %dma_start3A_147] : memref<5120x128xf32, #tpu.memory_space<vmem_shared>> -> memref<5120x128xf32, #tpu.memory_space<vmem_shared>>
        %dma_start3A_149 = arith.constant -1 : i32
        tpu.enqueue_indirect_dma source(%arg11 : memref<128x128xf32, #tpu.memory_space<vmem>>) target(%dma_start3A_148 : memref<5120x128xf32, #tpu.memory_space<vmem_shared>>) offsets(%dma_start3A_145 : memref<128xi32, #tpu.memory_space<vmem>>) offset_filter(%dma_start3A_149) semaphore(%run_scoped3A_142 : memref<!tpu.dma_semaphore, #tpu.memory_space<semaphore_mem>>) {add = true}
        %dma_wait3A_150 = arith.constant 0 : i32
        %dma_wait3A_151 = tpu.memref_slice %arg8[%run_scoped3A_133, %dma_wait3A_150] : memref<8x128xi32, #tpu.memory_space<vmem>> -> memref<1x128xi32, #tpu.memory_space<vmem>>
        %dma_wait3A_152 = tpu.memref_squeeze %dma_wait3A_151 : memref<1x128xi32, #tpu.memory_space<vmem>> -> memref<128xi32, #tpu.memory_space<vmem>>
        %dma_wait3A_153 = arith.constant 0 : i32
        %dma_wait3A_154 = arith.constant 0 : i32
        %dma_wait3A_155 = tpu.memref_slice %arg17[%dma_wait3A_153, %dma_wait3A_154] : memref<5120x128xf32, #tpu.memory_space<vmem_shared>> -> memref<5120x128xf32, #tpu.memory_space<vmem_shared>>
        tpu.wait_indirect_dma semaphore(%run_scoped3A_142 : memref<!tpu.dma_semaphore, #tpu.memory_space<semaphore_mem>>) src(%arg11 : memref<128x128xf32, #tpu.memory_space<vmem>>) dst(%dma_wait3A_155 : memref<5120x128xf32, #tpu.memory_space<vmem_shared>>)
        tpu.yield
      }) : () -> ()
      %dma_wait3A_134 = arith.constant 7 : i32
      %dma_wait3A_135 = arith.constant 0 : i32
      %dma_wait3A_136 = tpu.memref_slice %arg7[%dma_wait3A_134, %dma_wait3A_135] : memref<8x128xi32, #tpu.memory_space<vmem>> -> memref<1x128xi32, #tpu.memory_space<vmem>>
      %dma_wait3A_137 = tpu.memref_squeeze %dma_wait3A_136 : memref<1x128xi32, #tpu.memory_space<vmem>> -> memref<128xi32, #tpu.memory_space<vmem>>
      %dma_wait3A_138 = arith.constant 0 : i32
      %dma_wait3A_139 = arith.constant 0 : i32
      %dma_wait3A_140 = tpu.memref_slice %arg2[%dma_wait3A_138, %dma_wait3A_139] : memref<10240x128xf32, #tpu.memory_space<hbm>> -> memref<10240x128xf32, #tpu.memory_space<hbm>>
      tpu.wait_indirect_dma semaphore(%arg16 : memref<!tpu.dma_semaphore, #tpu.memory_space<semaphore_mem>>) src(%dma_wait3A_140 : memref<10240x128xf32, #tpu.memory_space<hbm>>) dst(%arg12 : memref<128x128xf32, #tpu.memory_space<vmem>>)
      %run_scoped3A_141 = arith.constant 7 : i32
      "tpu.region"() ({
        %run_scoped3A_142 = tpu.sem_alloc : memref<!tpu.dma_semaphore, #tpu.memory_space<semaphore_mem>>
        %dma_start3A_143 = arith.constant 0 : i32
        %dma_start3A_144 = tpu.memref_slice %arg8[%run_scoped3A_141, %dma_start3A_143] : memref<8x128xi32, #tpu.memory_space<vmem>> -> memref<1x128xi32, #tpu.memory_space<vmem>>
        %dma_start3A_145 = tpu.memref_squeeze %dma_start3A_144 : memref<1x128xi32, #tpu.memory_space<vmem>> -> memref<128xi32, #tpu.memory_space<vmem>>
        %dma_start3A_146 = arith.constant 0 : i32
        %dma_start3A_147 = arith.constant 0 : i32
        %dma_start3A_148 = tpu.memref_slice %arg17[%dma_start3A_146, %dma_start3A_147] : memref<5120x128xf32, #tpu.memory_space<vmem_shared>> -> memref<5120x128xf32, #tpu.memory_space<vmem_shared>>
        %dma_start3A_149 = arith.constant -1 : i32
        tpu.enqueue_indirect_dma source(%arg12 : memref<128x128xf32, #tpu.memory_space<vmem>>) target(%dma_start3A_148 : memref<5120x128xf32, #tpu.memory_space<vmem_shared>>) offsets(%dma_start3A_145 : memref<128xi32, #tpu.memory_space<vmem>>) offset_filter(%dma_start3A_149) semaphore(%run_scoped3A_142 : memref<!tpu.dma_semaphore, #tpu.memory_space<semaphore_mem>>) {add = true}
        %dma_wait3A_150 = arith.constant 0 : i32
        %dma_wait3A_151 = tpu.memref_slice %arg8[%run_scoped3A_141, %dma_wait3A_150] : memref<8x128xi32, #tpu.memory_space<vmem>> -> memref<1x128xi32, #tpu.memory_space<vmem>>
        %dma_wait3A_152 = tpu.memref_squeeze %dma_wait3A_151 : memref<1x128xi32, #tpu.memory_space<vmem>> -> memref<128xi32, #tpu.memory_space<vmem>>
        %dma_wait3A_153 = arith.constant 0 : i32
        %dma_wait3A_154 = arith.constant 0 : i32
        %dma_wait3A_155 = tpu.memref_slice %arg17[%dma_wait3A_153, %dma_wait3A_154] : memref<5120x128xf32, #tpu.memory_space<vmem_shared>> -> memref<5120x128xf32, #tpu.memory_space<vmem_shared>>
        tpu.wait_indirect_dma semaphore(%run_scoped3A_142 : memref<!tpu.dma_semaphore, #tpu.memory_space<semaphore_mem>>) src(%arg12 : memref<128x128xf32, #tpu.memory_space<vmem>>) dst(%dma_wait3A_155 : memref<5120x128xf32, #tpu.memory_space<vmem_shared>>)
        tpu.yield
      }) : () -> ()
    }
    %scan3A_4 = arith.constant 20 : i32
    %barrier3A_5 = arith.constant 0 : index
    tpu.barrier barrier_id(%barrier3A_5)
    %mul3A_6 = arith.constant 320 : i32
    %mul3A_7 = arith.muli %arg1, %mul3A_6 : i32
    %mul3A_8 = arith.constant 5120 : i32
    %mul3A_9 = arith.muli %arg0, %mul3A_8 : i32
    %mul3A_10 = arith.constant 320 : i32
    %mul3A_11 = arith.muli %arg1, %mul3A_10 : i32
    %add3A = arith.addi %mul3A_9, %mul3A_11 : i32
    "tpu.region"() ({
      %run_scoped3A = tpu.sem_alloc : memref<!tpu.dma_semaphore, #tpu.memory_space<semaphore_mem>>
      %dma_start3A = arith.constant 0 : i32
      %dma_start3A_12 = tpu.memref_slice %arg6[%add3A, %dma_start3A] : memref<10240x128xf32, #tpu.memory_space<hbm>> -> memref<320x128xf32, #tpu.memory_space<hbm>>
      %dma_start3A_13 = arith.constant 0 : i32
      %dma_start3A_14 = tpu.memref_slice %arg17[%mul3A_7, %dma_start3A_13] : memref<5120x128xf32, #tpu.memory_space<vmem_shared>> -> memref<320x128xf32, #tpu.memory_space<vmem_shared>>
      tpu.enqueue_dma source(%dma_start3A_14 : memref<320x128xf32, #tpu.memory_space<vmem_shared>>) target(%dma_start3A_12 : memref<320x128xf32, #tpu.memory_space<hbm>>) target_semaphore(%run_scoped3A : memref<!tpu.dma_semaphore, #tpu.memory_space<semaphore_mem>>)
      %dma_wait3A = arith.constant 0 : i32
      %dma_wait3A_15 = tpu.memref_slice %arg6[%add3A, %dma_wait3A] : memref<10240x128xf32, #tpu.memory_space<hbm>> -> memref<320x128xf32, #tpu.memory_space<hbm>>
      %dma_wait3A_16 = arith.constant 0 : i32
      %dma_wait3A_17 = tpu.memref_slice %arg17[%mul3A_7, %dma_wait3A_16] : memref<5120x128xf32, #tpu.memory_space<vmem_shared>> -> memref<320x128xf32, #tpu.memory_space<vmem_shared>>
      tpu.wait_dma2 semaphore(%run_scoped3A : memref<!tpu.dma_semaphore, #tpu.memory_space<semaphore_mem>>) src(%dma_wait3A_17 : memref<320x128xf32, #tpu.memory_space<vmem_shared>>) dst(%dma_wait3A_15 : memref<320x128xf32, #tpu.memory_space<hbm>>)
      tpu.yield
    }) : () -> ()
    return
  }
}

module attributes {stable_mosaic.version = 14 : i64} {
  func.func @_pre_body(%arg0: i32, %arg1: memref<256x128xf32, #tpu.memory_space<vmem>>, %arg2: memref<128x128xf32, #tpu.memory_space<vmem>>, %arg3: memref<256x128xf32, #tpu.memory_space<vmem>>) attributes {dimension_semantics = [#tpu.dimension_semantics<arbitrary>], iteration_bounds = array<i64: 40>, scalar_prefetch = 0 : i64, scratch_operands = 0 : i64, tpu.core_type = #tpu.core_type<tc>, window_params = [{transform_indices = @transform_0, window_bounds = array<i64: 256, 128>}, {pipeline_mode = #tpu.pipeline_mode<synchronous>, transform_indices = @transform_1, window_bounds = array<i64: 128, 128>}, {transform_indices = @transform_2, window_bounds = array<i64: 256, 128>}]} {
    %get3A = arith.constant 0 : index
    %get3A_0 = arith.constant 0 : index
    %get3A_1 = vector.load %arg1[%get3A, %get3A_0] : memref<256x128xf32, #tpu.memory_space<vmem>>, vector<256x128xf32>
    %get3A_2 = arith.constant 0 : index
    %get3A_3 = arith.constant 0 : index
    %get3A_4 = vector.load %arg2[%get3A_2, %get3A_3] : memref<128x128xf32, #tpu.memory_space<vmem>>, vector<128x128xf32>
    %dot_general3A = arith.constant dense<0.000000e+00> : vector<256x128xf32>
    %dot_general3A_5 = tpu.matmul %get3A_1, %get3A_4, %dot_general3A {dimension_numbers = #tpu.dot_dimension_numbers<[1], [0], [0], [1], [0, 0, 1, 1], [], []>, transpose_lhs_hint = false} : vector<256x128xf32>, vector<128x128xf32>, vector<256x128xf32> -> vector<256x128xf32>
    %swap3A = arith.constant 0 : index
    %swap3A_6 = arith.constant 0 : index
    %swap3A_7 = vector.load %arg3[%swap3A, %swap3A_6] : memref<256x128xf32, #tpu.memory_space<vmem>>, vector<256x128xf32>
    tpu.vector_store %arg3[%swap3A, %swap3A_6], %dot_general3A_5 {strides = array<i32>} : memref<256x128xf32, #tpu.memory_space<vmem>>, vector<256x128xf32>,
    return
  }
  func.func @transform_0(%arg0: i32) -> (i32, i32) {
    %c0_i32 = arith.constant 0 : i32
    %c0_i32_0 = arith.constant 0 : i32
    return %arg0, %c0_i32 : i32, i32
  }
  func.func @transform_1(%arg0: i32) -> (i32, i32) {
    %c0_i32 = arith.constant 0 : i32
    %c0_i32_0 = arith.constant 0 : i32
    %c0_i32_1 = arith.constant 0 : i32
    return %c0_i32, %c0_i32_0 : i32, i32
  }
  func.func @transform_2(%arg0: i32) -> (i32, i32) {
    %c0_i32 = arith.constant 0 : i32
    %c0_i32_0 = arith.constant 0 : i32
    return %arg0, %c0_i32 : i32, i32
  }
}

module attributes {stable_mosaic.version = 14 : i64} {
  func.func @_h0_body(%arg0: i32, %arg1: memref<256x128xf32, #tpu.memory_space<vmem>>, %arg2: memref<256x128xf32, #tpu.memory_space<vmem>>, %arg3: memref<256x128xf32, #tpu.memory_space<vmem>>) attributes {dimension_semantics = [#tpu.dimension_semantics<arbitrary>], iteration_bounds = array<i64: 40>, scalar_prefetch = 0 : i64, scratch_operands = 0 : i64, tpu.core_type = #tpu.core_type<tc>, window_params = [{transform_indices = @transform_0, window_bounds = array<i64: 256, 128>}, {transform_indices = @transform_1, window_bounds = array<i64: 256, 128>}, {transform_indices = @transform_2, window_bounds = array<i64: 256, 128>}]} {
    %get3A = arith.constant 0 : index
    %get3A_0 = arith.constant 0 : index
    %get3A_1 = vector.load %arg2[%get3A, %get3A_0] : memref<256x128xf32, #tpu.memory_space<vmem>>, vector<256x1xf32>
    %gt3A = arith.constant 0.000000e+00 : f32
    %gt3A_2 = vector.broadcast %gt3A : f32 to vector<256x1xf32>
    %gt3A_3 = arith.cmpf ogt, %get3A_1, %gt3A_2 : vector<256x1xf32>
    %max3A = arith.constant 1.000000e+00 : f32
    %max3A_4 = vector.broadcast %max3A : f32 to vector<256x1xf32>
    %max3A_5 = arith.maximumf %get3A_1, %max3A_4 : vector<256x1xf32>
    %rsqrt3A = math.rsqrt %max3A_5 : vector<256x1xf32>
    %jit3A = arith.constant 0.000000e+00 : f32
    %broadcast_in_dim3A = vector.broadcast %jit3A : f32 to vector<256x1xf32>
    %select_n3A = arith.select %gt3A_3, %rsqrt3A, %broadcast_in_dim3A : vector<256x1xi1>, vector<256x1xf32>
    %get3A_6 = arith.constant 0 : index
    %get3A_7 = arith.constant 0 : index
    %get3A_8 = vector.load %arg1[%get3A_6, %get3A_7] : memref<256x128xf32, #tpu.memory_space<vmem>>, vector<256x128xf32>
    %mul3A = vector.broadcast %select_n3A : vector<256x1xf32> to vector<256x128xf32>
    %mul3A_9 = arith.mulf %get3A_8, %mul3A : vector<256x128xf32>
    %swap3A = arith.constant 0 : index
    %swap3A_10 = arith.constant 0 : index
    %swap3A_11 = vector.load %arg3[%swap3A, %swap3A_10] : memref<256x128xf32, #tpu.memory_space<vmem>>, vector<256x128xf32>
    tpu.vector_store %arg3[%swap3A, %swap3A_10], %mul3A_9 {strides = array<i32>} : memref<256x128xf32, #tpu.memory_space<vmem>>, vector<256x128xf32>,
    return
  }
  func.func @transform_0(%arg0: i32) -> (i32, i32) {
    %c0_i32 = arith.constant 0 : i32
    %c0_i32_0 = arith.constant 0 : i32
    return %arg0, %c0_i32 : i32, i32
  }
  func.func @transform_1(%arg0: i32) -> (i32, i32) {
    %c0_i32 = arith.constant 0 : i32
    %c0_i32_0 = arith.constant 0 : i32
    return %arg0, %c0_i32 : i32, i32
  }
  func.func @transform_2(%arg0: i32) -> (i32, i32) {
    %c0_i32 = arith.constant 0 : i32
    %c0_i32_0 = arith.constant 0 : i32
    return %arg0, %c0_i32 : i32, i32
  }
}

module attributes {stable_mosaic.version = 14 : i64} {
  func.func @_layer_body(%arg0: i32, %arg1: memref<256x128xf32, #tpu.memory_space<vmem>>, %arg2: memref<256x128xf32, #tpu.memory_space<vmem>>, %arg3: memref<1x128xf32, #tpu.memory_space<vmem>>, %arg4: memref<128x128xf32, #tpu.memory_space<vmem>>, %arg5: memref<256x128xf32, #tpu.memory_space<vmem>>) attributes {dimension_semantics = [#tpu.dimension_semantics<arbitrary>], iteration_bounds = array<i64: 40>, scalar_prefetch = 0 : i64, scratch_operands = 0 : i64, tpu.core_type = #tpu.core_type<tc>, window_params = [{transform_indices = @transform_0, window_bounds = array<i64: 256, 128>}, {transform_indices = @transform_1, window_bounds = array<i64: 256, 128>}, {pipeline_mode = #tpu.pipeline_mode<synchronous>, transform_indices = @transform_2, window_bounds = array<i64: 1, 128>}, {pipeline_mode = #tpu.pipeline_mode<synchronous>, transform_indices = @transform_3, window_bounds = array<i64: 128, 128>}, {transform_indices = @transform_4, window_bounds = array<i64: 256, 128>}]} {
    %get3A = arith.constant 0 : index
    %get3A_0 = arith.constant 0 : index
    %get3A_1 = vector.load %arg2[%get3A, %get3A_0] : memref<256x128xf32, #tpu.memory_space<vmem>>, vector<256x1xf32>
    %get3A_2 = arith.constant 0 : index
    %get3A_3 = arith.constant 1 : index
    %get3A_4 = vector.load %arg2[%get3A_2, %get3A_3] : memref<256x128xf32, #tpu.memory_space<vmem>>, vector<256x1xf32>
    %gt3A = arith.constant 0.000000e+00 : f32
    %gt3A_5 = vector.broadcast %gt3A : f32 to vector<256x1xf32>
    %gt3A_6 = arith.cmpf ogt, %get3A_1, %gt3A_5 : vector<256x1xf32>
    %max3A = arith.constant 1.000000e+00 : f32
    %max3A_7 = vector.broadcast %max3A : f32 to vector<256x1xf32>
    %max3A_8 = arith.maximumf %get3A_1, %max3A_7 : vector<256x1xf32>
    %rsqrt3A = math.rsqrt %max3A_8 : vector<256x1xf32>
    %jit3A = arith.constant 0.000000e+00 : f32
    %broadcast_in_dim3A = vector.broadcast %jit3A : f32 to vector<256x1xf32>
    %select_n3A = arith.select %gt3A_6, %rsqrt3A, %broadcast_in_dim3A : vector<256x1xi1>, vector<256x1xf32>
    %gt3A_9 = arith.constant 0.000000e+00 : f32
    %gt3A_10 = vector.broadcast %gt3A_9 : f32 to vector<256x1xf32>
    %gt3A_11 = arith.cmpf ogt, %get3A_4, %gt3A_10 : vector<256x1xf32>
    %max3A_12 = arith.constant 1.000000e+00 : f32
    %max3A_13 = vector.broadcast %max3A_12 : f32 to vector<256x1xf32>
    %max3A_14 = arith.maximumf %get3A_4, %max3A_13 : vector<256x1xf32>
    %rsqrt3A_15 = math.rsqrt %max3A_14 : vector<256x1xf32>
    %jit3A_16 = arith.constant 0.000000e+00 : f32
    %broadcast_in_dim3A_17 = vector.broadcast %jit3A_16 : f32 to vector<256x1xf32>
    %select_n3A_18 = arith.select %gt3A_11, %rsqrt3A_15, %broadcast_in_dim3A_17 : vector<256x1xi1>, vector<256x1xf32>
    %get3A_19 = arith.constant 0 : index
    %get3A_20 = arith.constant 0 : index
    %get3A_21 = vector.load %arg1[%get3A_19, %get3A_20] : memref<256x128xf32, #tpu.memory_space<vmem>>, vector<256x128xf32>
    %mul3A = vector.broadcast %select_n3A_18 : vector<256x1xf32> to vector<256x128xf32>
    %mul3A_22 = arith.mulf %get3A_21, %mul3A : vector<256x128xf32>
    %get3A_23 = arith.constant 0 : index
    %get3A_24 = arith.constant 0 : index
    %get3A_25 = vector.load %arg3[%get3A_23, %get3A_24] : memref<1x128xf32, #tpu.memory_space<vmem>>, vector<1x128xf32>
    %add3A = vector.broadcast %get3A_25 : vector<1x128xf32> to vector<256x128xf32>
    %add3A_26 = arith.addf %mul3A_22, %add3A : vector<256x128xf32>
    %gt3A_27 = arith.constant 0.000000e+00 : f32
    %gt3A_28 = vector.broadcast %gt3A_27 : f32 to vector<256x128xf32>
    %gt3A_29 = arith.cmpf ogt, %add3A_26, %gt3A_28 : vector<256x128xf32>
    %min3A = arith.constant 0.000000e+00 : f32
    %min3A_30 = vector.broadcast %min3A : f32 to vector<256x128xf32>
    %min3A_31 = arith.minimumf %add3A_26, %min3A_30 : vector<256x128xf32>
    %exp3A = math.exp %min3A_31 : vector<256x128xf32>
    %sub3A = arith.constant 1.000000e+00 : f32
    %sub3A_32 = vector.broadcast %sub3A : f32 to vector<256x128xf32>
    %sub3A_33 = arith.subf %exp3A, %sub3A_32 : vector<256x128xf32>
    %select_n3A_34 = arith.select %gt3A_29, %add3A_26, %sub3A_33 : vector<256x128xi1>, vector<256x128xf32>
    %mul3A_35 = vector.broadcast %select_n3A : vector<256x1xf32> to vector<256x128xf32>
    %mul3A_36 = arith.mulf %select_n3A_34, %mul3A_35 : vector<256x128xf32>
    %get3A_37 = arith.constant 0 : index
    %get3A_38 = arith.constant 0 : index
    %get3A_39 = vector.load %arg4[%get3A_37, %get3A_38] : memref<128x128xf32, #tpu.memory_space<vmem>>, vector<128x128xf32>
    %dot_general3A = arith.constant dense<0.000000e+00> : vector<256x128xf32>
    %dot_general3A_40 = tpu.matmul %mul3A_36, %get3A_39, %dot_general3A {dimension_numbers = #tpu.dot_dimension_numbers<[1], [0], [0], [1], [0, 0, 1, 1], [], []>, transpose_lhs_hint = false} : vector<256x128xf32>, vector<128x128xf32>, vector<256x128xf32> -> vector<256x128xf32>
    %swap3A = arith.constant 0 : index
    %swap3A_41 = arith.constant 0 : index
    %swap3A_42 = vector.load %arg5[%swap3A, %swap3A_41] : memref<256x128xf32, #tpu.memory_space<vmem>>, vector<256x128xf32>
    tpu.vector_store %arg5[%swap3A, %swap3A_41], %dot_general3A_40 {strides = array<i32>} : memref<256x128xf32, #tpu.memory_space<vmem>>, vector<256x128xf32>,
    return
  }
  func.func @transform_0(%arg0: i32) -> (i32, i32) {
    %c0_i32 = arith.constant 0 : i32
    %c0_i32_0 = arith.constant 0 : i32
    return %arg0, %c0_i32 : i32, i32
  }
  func.func @transform_1(%arg0: i32) -> (i32, i32) {
    %c0_i32 = arith.constant 0 : i32
    %c0_i32_0 = arith.constant 0 : i32
    return %arg0, %c0_i32 : i32, i32
  }
  func.func @transform_2(%arg0: i32) -> (i32, i32) {
    %c0_i32 = arith.constant 0 : i32
    %c0_i32_0 = arith.constant 0 : i32
    %c0_i32_1 = arith.constant 0 : i32
    return %c0_i32, %c0_i32_0 : i32, i32
  }
  func.func @transform_3(%arg0: i32) -> (i32, i32) {
    %c0_i32 = arith.constant 0 : i32
    %c0_i32_0 = arith.constant 0 : i32
    %c0_i32_1 = arith.constant 0 : i32
    return %c0_i32, %c0_i32_0 : i32, i32
  }
  func.func @transform_4(%arg0: i32) -> (i32, i32) {
    %c0_i32 = arith.constant 0 : i32
    %c0_i32_0 = arith.constant 0 : i32
    return %arg0, %c0_i32 : i32, i32
  }
}

module attributes {stable_mosaic.version = 14 : i64} {
  func.func @_final_body(%arg0: i32, %arg1: memref<256x128xf32, #tpu.memory_space<vmem>>, %arg2: memref<256x128xf32, #tpu.memory_space<vmem>>, %arg3: memref<1x128xf32, #tpu.memory_space<vmem>>, %arg4: memref<128x128xf32, #tpu.memory_space<vmem>>, %arg5: memref<1x128xf32, #tpu.memory_space<vmem>>, %arg6: memref<256x128xf32, #tpu.memory_space<vmem>>) attributes {dimension_semantics = [#tpu.dimension_semantics<arbitrary>], iteration_bounds = array<i64: 40>, scalar_prefetch = 0 : i64, scratch_operands = 0 : i64, tpu.core_type = #tpu.core_type<tc>, window_params = [{transform_indices = @transform_0, window_bounds = array<i64: 256, 128>}, {transform_indices = @transform_1, window_bounds = array<i64: 256, 128>}, {pipeline_mode = #tpu.pipeline_mode<synchronous>, transform_indices = @transform_2, window_bounds = array<i64: 1, 128>}, {pipeline_mode = #tpu.pipeline_mode<synchronous>, transform_indices = @transform_3, window_bounds = array<i64: 128, 128>}, {pipeline_mode = #tpu.pipeline_mode<synchronous>, transform_indices = @transform_4, window_bounds = array<i64: 1, 128>}, {transform_indices = @transform_5, window_bounds = array<i64: 256, 128>}]} {
    %get3A = arith.constant 0 : index
    %get3A_0 = arith.constant 1 : index
    %get3A_1 = vector.load %arg2[%get3A, %get3A_0] : memref<256x128xf32, #tpu.memory_space<vmem>>, vector<256x1xf32>
    %gt3A = arith.constant 0.000000e+00 : f32
    %gt3A_2 = vector.broadcast %gt3A : f32 to vector<256x1xf32>
    %gt3A_3 = arith.cmpf ogt, %get3A_1, %gt3A_2 : vector<256x1xf32>
    %max3A = arith.constant 1.000000e+00 : f32
    %max3A_4 = vector.broadcast %max3A : f32 to vector<256x1xf32>
    %max3A_5 = arith.maximumf %get3A_1, %max3A_4 : vector<256x1xf32>
    %rsqrt3A = math.rsqrt %max3A_5 : vector<256x1xf32>
    %jit3A = arith.constant 0.000000e+00 : f32
    %broadcast_in_dim3A = vector.broadcast %jit3A : f32 to vector<256x1xf32>
    %select_n3A = arith.select %gt3A_3, %rsqrt3A, %broadcast_in_dim3A : vector<256x1xi1>, vector<256x1xf32>
    %get3A_6 = arith.constant 0 : index
    %get3A_7 = arith.constant 0 : index
    %get3A_8 = vector.load %arg1[%get3A_6, %get3A_7] : memref<256x128xf32, #tpu.memory_space<vmem>>, vector<256x128xf32>
    %mul3A = vector.broadcast %select_n3A : vector<256x1xf32> to vector<256x128xf32>
    %mul3A_9 = arith.mulf %get3A_8, %mul3A : vector<256x128xf32>
    %get3A_10 = arith.constant 0 : index
    %get3A_11 = arith.constant 0 : index
    %get3A_12 = vector.load %arg3[%get3A_10, %get3A_11] : memref<1x128xf32, #tpu.memory_space<vmem>>, vector<1x128xf32>
    %add3A = vector.broadcast %get3A_12 : vector<1x128xf32> to vector<256x128xf32>
    %add3A_13 = arith.addf %mul3A_9, %add3A : vector<256x128xf32>
    %gt3A_14 = arith.constant 0.000000e+00 : f32
    %gt3A_15 = vector.broadcast %gt3A_14 : f32 to vector<256x128xf32>
    %gt3A_16 = arith.cmpf ogt, %add3A_13, %gt3A_15 : vector<256x128xf32>
    %min3A = arith.constant 0.000000e+00 : f32
    %min3A_17 = vector.broadcast %min3A : f32 to vector<256x128xf32>
    %min3A_18 = arith.minimumf %add3A_13, %min3A_17 : vector<256x128xf32>
    %exp3A = math.exp %min3A_18 : vector<256x128xf32>
    %sub3A = arith.constant 1.000000e+00 : f32
    %sub3A_19 = vector.broadcast %sub3A : f32 to vector<256x128xf32>
    %sub3A_20 = arith.subf %exp3A, %sub3A_19 : vector<256x128xf32>
    %select_n3A_21 = arith.select %gt3A_16, %add3A_13, %sub3A_20 : vector<256x128xi1>, vector<256x128xf32>
    %get3A_22 = arith.constant 0 : index
    %get3A_23 = arith.constant 0 : index
    %get3A_24 = vector.load %arg4[%get3A_22, %get3A_23] : memref<128x128xf32, #tpu.memory_space<vmem>>, vector<128x128xf32>
    %dot_general3A = arith.constant dense<0.000000e+00> : vector<256x128xf32>
    %dot_general3A_25 = tpu.matmul %select_n3A_21, %get3A_24, %dot_general3A {dimension_numbers = #tpu.dot_dimension_numbers<[1], [0], [0], [1], [0, 0, 1, 1], [], []>, transpose_lhs_hint = false} : vector<256x128xf32>, vector<128x128xf32>, vector<256x128xf32> -> vector<256x128xf32>
    %get3A_26 = arith.constant 0 : index
    %get3A_27 = arith.constant 0 : index
    %get3A_28 = vector.load %arg5[%get3A_26, %get3A_27] : memref<1x128xf32, #tpu.memory_space<vmem>>, vector<1x128xf32>
    %add3A_29 = vector.broadcast %get3A_28 : vector<1x128xf32> to vector<256x128xf32>
    %add3A_30 = arith.addf %dot_general3A_25, %add3A_29 : vector<256x128xf32>
    %swap3A = arith.constant 0 : index
    %swap3A_31 = arith.constant 0 : index
    %swap3A_32 = vector.load %arg6[%swap3A, %swap3A_31] : memref<256x128xf32, #tpu.memory_space<vmem>>, vector<256x128xf32>
    tpu.vector_store %arg6[%swap3A, %swap3A_31], %add3A_30 {strides = array<i32>} : memref<256x128xf32, #tpu.memory_space<vmem>>, vector<256x128xf32>,
    return
  }
  func.func @transform_0(%arg0: i32) -> (i32, i32) {
    %c0_i32 = arith.constant 0 : i32
    %c0_i32_0 = arith.constant 0 : i32
    return %arg0, %c0_i32 : i32, i32
  }
  func.func @transform_1(%arg0: i32) -> (i32, i32) {
    %c0_i32 = arith.constant 0 : i32
    %c0_i32_0 = arith.constant 0 : i32
    return %arg0, %c0_i32 : i32, i32
  }
  func.func @transform_2(%arg0: i32) -> (i32, i32) {
    %c0_i32 = arith.constant 0 : i32
    %c0_i32_0 = arith.constant 0 : i32
    %c0_i32_1 = arith.constant 0 : i32
    return %c0_i32, %c0_i32_0 : i32, i32
  }
  func.func @transform_3(%arg0: i32) -> (i32, i32) {
    %c0_i32 = arith.constant 0 : i32
    %c0_i32_0 = arith.constant 0 : i32
    %c0_i32_1 = arith.constant 0 : i32
    return %c0_i32, %c0_i32_0 : i32, i32
  }
  func.func @transform_4(%arg0: i32) -> (i32, i32) {
    %c0_i32 = arith.constant 0 : i32
    %c0_i32_0 = arith.constant 0 : i32
    %c0_i32_1 = arith.constant 0 : i32
    return %c0_i32, %c0_i32_0 : i32, i32
  }
  func.func @transform_5(%arg0: i32) -> (i32, i32) {
    %c0_i32 = arith.constant 0 : i32
    %c0_i32_0 = arith.constant 0 : i32
    return %arg0, %c0_i32 : i32, i32
  }
}

</mosaic_0001>

<sc_bundles>
// kernel: kernel.11.cloned.1.call-start
scs
__scs_entry_jumppad:
0x0: {  	(pc) =	sbr.rel $0x88, $3  }
0x1: {  	(tag) =	ssettag $0x0;
	lr =	simm.s32 $0x1  }
0x2: {  	[smem:$0x3F97] =	sst lr;
	_ =	strace $0xD0000000  }
0x3: {  	_ = 	snop  }
0x4: {  	_ = 	snop  }
0x5: {  	_ = 	snop  }
0x6: {  	_ = 	snop  }
0x7: {  	_ = 	snop  }
__scs_overlays_trampoline_lowered:
0x8: {  	[smem:$0x3FA6] =	sst s0  }
0x9: {  	[smem:$0x3FA7] =	sst s1  }
0xa: {  	[smem:$0x3FA8] =	sst s2  }
0xb: {  	[smem:$0x3FA9] =	sst s3  }
0xc: {  	[smem:$0x3FAA] =	sst s4  }
0xd: {  	[smem:$0x3FAB] =	sst s5  }
0xe: {  	[smem:$0x3FAC] =	sst s6  }
0xf: {  	[smem:$0x3FAD] =	sst s7  }
0x10: {  	[smem:$0x3FAE] =	sst s8  }
0x11: {  	[smem:$0x3FAF] =	sst s9;
	s0 =	simm.s32 @!p0 $0x0  }
0x12: {  	s1 =	sld [smem:$0x3F95];
	s0 =	simm.s32 @p0 $0x1  }
0x13: {  	[smem:$0x3FB0] =	sst s0;
	s0 =	simm.s32 @!p1 $0x0  }
0x14: {  	s2 =	sld [smem:$0x3F94];
	s0 =	simm.s32 @p1 $0x1  }
0x15: {  	[smem:$0x3FB1] =	sst s0;
	s0 =	simm.s32 @!p2 $0x0  }
0x16: {  	s3 =	sld [smem:$0x3FDB];
	s0 =	simm.s32 @p2 $0x1  }
0x17: {  	s4 =	simm.s32 $0x1BF5;
	[smem:$0x3FB3] =	sst s0  }
0x18: {  	s0 =	sld [smem:$0x3F96];
	_ =	swait.ge [sflag:s4], $0x0  }
0x19: {  	s7 =	sld [smem:$0x3F97]  }
0x1a: {  	s8 =	sadd.s32 $0xFFFFE003, lr  }
0x1b: {  	s9 =	sadd.s32 $0xFFFFFEF7, lr;
	s5 =	simm.s32 $0xFFFFFFFF;
	p2 =	slt.u32 s8, $0xFFFFF086  }
0x1c: {  	p1 =	slt.u32 s9, $0xF7A;
	s5 =	simm.s32 @!p2 $0x0  }
0x1d: {  	s5 =	simm.s32 @p1 $0x1;
	p0 =	seq.s32 s7, s2  }
0x1e: {  	s7 =	smul.u32 @!p0 $0xF7A, s2;
	p2 =	seq.s32 @!p0 s5, $0x0  }
0x1f: {  	s9 =	smul.u32 $0xF7A, s1;
	s8 =	simm.s32 @!p0 $0x1BF5;
	p2 =	por !p2, p0  }
0x20: {  	[sflag:s8] =	ssyncset.s32 @!p0 $0xFFFFF086;
	s6 =	sadd.s32 @!p0 s3, s7;
	s7 =	simm.s32 @!p0 $0x108  }
0x21: {  	s3 =	sadd.s32 s3, s9;
	s6 =	sadd.s32 @!p0 $0x88, s6;
	s7 =	simm.s32 @p2 $0x1082  }
0x22: {  	[simem:s7], [sflag:s8] =	dma.local @!p0 [hbm:s6], $0xF7A  }
0x23: {  	s9 =	sor.u32 $0xD0000000, s2;
	s6 =	simm.s32 $0x108;
	_ =	swait.ge @!p0 [sflag:s8], $0x0  }
0x24: {  	s3 =	sadd.s32 $0x88, s3;
	s6 =	simm.s32 @!p1 $0x1082;
	[sflag:s4] =	ssyncset.s32 $0xFFFFF086  }
0x25: {  	[simem:s6], [sflag:s4] =	dma.local [hbm:s3], $0xF7A  }
0x26: {  	[smem:$0x3F97] =	sst s1;
	(tag) =	ssettag s2;
	_ =	strace s9  }
0x27: {  	s1 =	sld [smem:$0x3FA7]  }
0x28: {  	s2 =	sld [smem:$0x3FA8]  }
0x29: {  	s4 =	sld [smem:$0x3FAA]  }
0x2a: {  	p0 =	seq.s32 s5, $0x0;
	s5 =	sld [smem:$0x3FAB]  }
0x2b: {  	s6 =	sld [smem:$0x3FAC]  }
0x2c: {  	s7 =	sld [smem:$0x3FAD]  }
0x2d: {  	s3 =	simm.s32 $0x108;
	s8 =	sld [smem:$0x3FAE]  }
0x2e: {  	s3 =	simm.s32 @!p0 $0x1082;
	s9 =	sld [smem:$0x3FAF]  }
0x2f: {  	lr =	sadd.s32 s0, s3;
	s0 =	sld [smem:$0x3FA6]  }
0x30: {  	s3 =	sld [smem:$0x3FA9]  }
0x31: {  	[smem:$0x3FB2] =	sst s10  }
0x32: {  	s10 =	sld [smem:$0x3FB0];
	_ =	sdelay $0x3  }
0x33: {  	p0 =	seq.s32 s10, $0x1;
	s10 =	sld [smem:$0x3FB2];
	_ =	sdelay $0x3  }
0x34: {  	[smem:$0x3FB2] =	sst s10  }
0x35: {  	s10 =	sld [smem:$0x3FB1];
	_ =	sdelay $0x3  }
0x36: {  	p1 =	seq.s32 s10, $0x1;
	s10 =	sld [smem:$0x3FB2];
	_ =	sdelay $0x3  }
0x37: {  	[smem:$0x3FB2] =	sst s10  }
0x38: {  	s10 =	sld [smem:$0x3FB3]  }
0x39: {  	_ = 	snop;
	(pc) =	sbr.ind lr, $3  }
0x3a: {  	_ = 	snop  }
0x3b: {  	_ = 	snop  }
0x3c: {  	p2 =	seq.s32 s10, $0x1;
	s10 =	sld [smem:$0x3FB2]  }
0x3d: {  	_ =	shalt  }
0x3e: {  	_ =	shalt  }
0x3f: {  	_ =	shalt  }
0x40: {  	_ =	shalt  }
0x41: {  	_ =	shalt  }
0x42: {  	_ =	shalt  }
0x43: {  	_ =	shalt  }
0x44: {  	_ =	shalt  }
0x45: {  	_ =	shalt  }
0x46: {  	_ =	shalt  }
0x47: {  	_ =	shalt  }
0x48: {  	_ =	shalt  }
0x49: {  	_ =	shalt  }
0x4a: {  	_ =	shalt  }
0x4b: {  	_ =	shalt  }
0x4c: {  	_ =	shalt  }
0x4d: {  	_ =	shalt  }
0x4e: {  	_ =	shalt  }
0x4f: {  	_ =	shalt  }
0x50: {  	_ =	shalt  }
0x51: {  	_ =	shalt  }
0x52: {  	_ =	shalt  }
0x53: {  	_ =	shalt  }
0x54: {  	_ =	shalt  }
0x55: {  	_ =	shalt  }
0x56: {  	_ =	shalt  }
0x57: {  	_ =	shalt  }
0x58: {  	_ =	shalt  }
0x59: {  	_ =	shalt  }
0x5a: {  	_ =	shalt  }
0x5b: {  	_ =	shalt  }
0x5c: {  	_ =	shalt  }
0x5d: {  	_ =	shalt  }
0x5e: {  	_ =	shalt  }
0x5f: {  	_ =	shalt  }
0x60: {  	_ =	shalt  }
0x61: {  	_ =	shalt  }
0x62: {  	_ =	shalt  }
0x63: {  	_ =	shalt  }
0x64: {  	_ =	shalt  }
0x65: {  	_ =	shalt  }
0x66: {  	_ =	shalt  }
0x67: {  	_ =	shalt  }
0x68: {  	_ =	shalt  }
0x69: {  	_ =	shalt  }
0x6a: {  	_ =	shalt  }
0x6b: {  	_ =	shalt  }
0x6c: {  	_ =	shalt  }
0x6d: {  	_ =	shalt  }
0x6e: {  	_ =	shalt  }
0x6f: {  	_ =	shalt  }
0x70: {  	_ =	shalt  }
0x71: {  	_ =	shalt  }
0x72: {  	_ =	shalt  }
0x73: {  	_ =	shalt  }
0x74: {  	_ =	shalt  }
0x75: {  	_ =	shalt  }
0x76: {  	_ =	shalt  }
0x77: {  	_ =	shalt  }
0x78: {  	_ =	shalt  }
0x79: {  	_ =	shalt  }
0x7a: {  	_ =	shalt  }
0x7b: {  	_ =	shalt  }
0x7c: {  	_ =	shalt  }
0x7d: {  	_ =	shalt  }
0x7e: {  	_ =	shalt  }
0x7f: {  	_ =	shalt  }
0x80: {  	_ =	shalt  }
0x81: {  	_ =	shalt  }
0x82: {  	_ =	shalt  }
0x83: {  	_ =	shalt  }
0x84: {  	_ =	shalt  }
0x85: {  	_ =	shalt  }
0x86: {  	_ =	shalt  }
0x87: {  	_ =	shalt  }
.Lfunc_end0:
.L_simem_size_0:
called_computation_lowered:
.L_overlay_start_0:
0x88: {  	s2 =	sld [smem:$0x3FD9]  }
0x89: {  	s3 =	sld [smem:$0x3FFE];
	_ =	sdelay $0x1  }
0x8a: {  	s1 =	srdreg.scid  }
0x8b: {  	s0 =	sand.u32 $0x1, s1  }
0x8c: {  	s17 =	sshll.u32 s0, $0xA;
	s2 =	sadd.s32 s3, s2  }
0x8d: {  	s2 =	sadd.s32 s2, s17  }
0x8e: {  	[smem:$0x3FBE] =	sst s2  }
0x8f: {  	_ = 	snop  }
0x90: {  	s2 =	sld [smem:$0x3FD0];
	(tm) =	ssettm $0x1  }
0x91: {  	s18 =	sld [smem:$0x3FFB];
	_ =	sdelay $0x3  }
0x92: {  	_ =	strace s18  }
0x93: {  	s3 =	sld [smem:$0x3FFC];
	_ =	sdelay $0x3  }
0x94: {  	_ =	strace s3  }
0x95: {  	s3 =	sld [smem:$0x3FFD];
	_ =	sdelay $0x3  }
0x96: {  	_ =	strace s3  }
0x97: {  	_ =	strace $0x8FFFFFFF  }
0x98: {  	s19 =	sld [smem:$0x3FDB];
	_ =	sdelay $0x1  }
0x99: {  	s4 =	simm.s32 $_scs_section_size  }
0x9a: {  	s5 =	simm.s32 $_size__tile_overlayer_lowered;
	s6 =	simm.s32 $_tile_overlayer_lowered  }
0x9b: {  	s22 =	simm.s32 $0x1BFF;
	s21 =	sshll.u32 s6, $0x1;
	s3 =	sadd.s32 s4, s19  }
0x9c: {  	s7 =	simm.s32 $0x0;
	s20 =	sshll.u32 s5, $0x1;
	s5 =	sadd.s32 s21, s3  }
0x9d: {  	[timem:s7], [sflag:s22] =	dma.local [hbm:s5], s20  }
0x9e: {  	_ =	swait.ge [sflag:s22], s20  }
0x9f: {  	s4 =	ssub.s32 $0x0, s20;
	[sflag:s22] =	ssyncset.done $0x0  }
0xa0: {  	[sflag:s22] =	ssyncadd.s32 s4;
	_ =	sdelay $0x1  }
0xa1: {  	s23 =	simm.s32 $0x1B8B  }
0xa2: {  	_ =	swait.ge [sflag:s23], $0x1  }
0xa3: {  	[sflag:s23] =	ssyncset.done $0x0  }
0xa4: {  	s25 =	simm.s32 $0x1B8E;
	s24 =	sld [smem:$0x3FFE];
	[sflag:s23] =	ssyncadd.s32 $0xFFFFFFFF  }
0xa5: {  	s26 =	simm.s32 $execute0_lowered;
	[smem:$0x3FD2] =	sst s25  }
0xa6: {  	s5 =	sshll.u32 s26, $0x1;
	_ =	strace $0x80000046;
	[dreg:$0x1] =	wrdreg $0xFFFFFFFF  }
0xa7: {  	s28 =	simm.s32 $_size_execute0_lowered;
	s3 =	sadd.s32 s3, s5;
	[dreg:$0x0] =	wrdreg $0x0  }
0xa8: {  	s5 =	sshll.u32 s28, $0x1;
	[dreg:$0x2] =	wrdreg s3  }
0xa9: {  	[dreg:$0x3] =	wrdreg s5  }
0xaa: {  	[dreg:$0x4] =	wrdreg $0xC0  }
0xab: {  	_ =	task [dreg:s7], $0x5FFFF  }
0xac: {  	[dreg:$0x1] =	wrdreg $0xFFFFFFFF  }
0xad: {  	[dreg:$0x0] =	wrdreg $0x60  }
0xae: {  	[dreg:$0x2] =	wrdreg s2  }
0xaf: {  	[dreg:$0x3] =	wrdreg s24  }
0xb0: {  	[dreg:$0x4] =	wrdreg $0x120000  }
0xb1: {  	[dreg:$0x5] =	wrdreg $0x9  }
0xb2: {  	_ =	task.clear_ibuf [dreg:s7], $0x6FFFF;
	_ =	strace $0x90000046  }
0xb3: {  	s29 =	simm.s32 $0x9;
	_ =	strace $0x80000048  }
0xb4: {  	_ =	swait.ge [sflag:s29], $0x1  }
0xb5: {  	[sflag:s29] =	ssyncadd.s32 $0xFFFFFFFF  }
0xb6: {  	_ =	strace $0x90000048  }
0xb7: {  	_ =	sfence  }
0xb8: {  	s30 =	sld [smem:$0x0];
	_ =	sdelay $0x2  }
0xb9: {  	s31 =	sshll.u32 s1, $0xD;
	s1 =	sshrl.u32 s1, $0x2  }
0xba: {  	s3 =	sand.u32 $0x4000, s31;
	s1 =	sadd.s32 s1, s30  }
0xbb: {  	s0 =	sor.u32 s3, s0;
	s1 =	sshll.u32 s1, $0x11  }
0xbc: {  	s0 =	sor.u32 s1, s0  }
0xbd: {  	s0 =	sadd.s32 $0x8F2B, s0  }
0xbe: {  	[sflag:s0] =	ssyncadd.remote.s32 $0x1  }
0xbf: {  	_ =	sfence.sel $0xFFFF  }
0xc0: {  	[dreg:$0x0] =	wrdreg $0xFFFFFFFF;
	(pc) =	sbr.abs _section_cstart, $3  }
0xc1: {  	[dreg:$0x1] =	wrdreg $0xFFFFFFFF  }
0xc2: {  	_ =	task.clear_ibuf [dreg:s7], $0x2FFFF;
	_ =	strace $0x9FFFFFFF  }
0xc3: {  	(tm) =	ssettm $0x7FFFFFFF  }
tec
execute0_lowered:
.L_overlay_start_1:
0x0: {  	(tag) =	ssettag $0x1  }
0x1: {  	s8 =	rddreg [dreg:$0x0]  }
0x2: {  	s7 =	rddreg [dreg:$0x1]  }
0x3: {  	s0 =	srdreg.scid;
	s2 =	rddreg [dreg:$0x2]  }
0x4: {  	s1 =	rddreg [dreg:$0x3];
	s3 =	simm.s32 $0x0;
	s6 =	sand.u32 $0x1, s0  }
0x5: {  	s15 =	simm.s32 $0xA000;
	s0 =	stileid.u32;
	s4 =	smul.u32 $0x50000, s6  }
0x6: {  	s16 =	simm.s32 $0xE000;
	s17 =	simm.s32 $0x80;
	s5 =	smul.u32 $0x5000, s0  }
0x7: {  	s18 =	simm.s32 $0x1;
	s19 =	simm.s32 $0x2;
	s9 =	smul.u32 $0x1400, s0  }
0x8: {  	s20 =	simm.s32 $0x0;
	[smem:$0x7FF] =	sst s3;
	s11 =	smul.u32 $0x14000, s6  }
0x9: {  	_ =	strace $0x80000047;
	s28 =	ssub.s32 $0x2, s6;
	s13 =	smul.u32 $0x28000, s0  }
0xa: {  	s6 =	sadd.s32 $0x18200, s7;
	s31 =	sshll.u32 s0, $0x6;
	s29 =	sshrl.u32 s28, $0x1  }
0xb: {  	s4 =	sadd.s32 s5, s4;
	s5 =	sadd.s32 $0x17200, s7;
	s9 =	sadd.s32 s9, s11  }
0xc: {  	s11 =	ssub.s32 s28, s29;
	s30 =	sshrl.u32 s13, $0x2;
	s10 =	sshrl.u32 s4, $0x3  }
0xd: {  	s4 =	sadd.s32 $0x17A00, s7;
	s14 =	sadd.s32 s9, s7;
	s13 =	sadd.s32 s30, s2  }
0xe: {  	s11 =	smax.u32 s11, $0x1;
	s12 =	sadd.s32 s10, s7;
	s7 =	sor.u32 $0x1C03, s31  }
0xf: {  	s8 =	sadd.s32 s8, s10;
	s10 =	sadd.s32 $0x19600, s14;
	s14 =	simm.s32 $0x5000  }
0x10: {  	s9 =	sadd.s32 $0x3200, s12;
	s12 =	sshrl.u32 s13, $0x3;
	s13 =	simm.s32 $0x3  }
.LBB2_1:
0x11: {  	[spmem:s12], [sflag:s7] =	dma.local [hbm:s6], $0x1400  }
0x12: {  	_ =	swait.ge [sflag:s13], $0x1400  }
0x13: {  	[sflag:s13] =	ssyncset.done $0x0  }
0x14: {  	[sflag:s13] =	ssyncadd.s32 $0xFFFFEC00  }
0x15: {  	[tilespmem:s3], [sflag:$0x3] =	stream.linear.gather [hbm4b:s8+s3], $0x5000, $0x38;
	[tilespmem:$0x1C000] =	vst v63  }
0x16: {  	_ =	swait.ge [sflag:s13], $0x5000  }
0x17: {  	[sflag:s13] =	ssyncset.done $0x0  }
0x18: {  	[sflag:s13] =	ssyncadd.s32 $0xFFFFB000  }
0x19: {  	[tilespmem:s14], [sflag:$0x3] =	stream.linear.gather [hbm4b:s9+s3], $0x5000, $0x38;
	[tilespmem:$0x1C000] =	vst v63  }
0x1a: {  	_ =	swait.ge [sflag:s13], $0x5000  }
0x1b: {  	[sflag:s13] =	ssyncset.done $0x0  }
0x1c: {  	[sflag:s13] =	ssyncadd.s32 $0xFFFFB000  }
0x1d: {  	[tilespmem:s15], [sflag:$0x3] =	stream.linear.gather [hbm4b:s4+s3], $0x4000, $0x38;
	[tilespmem:$0x1C000] =	vst v63  }
0x1e: {  	_ =	swait.ge [sflag:s13], $0x4000  }
0x1f: {  	[sflag:s13] =	ssyncset.done $0x0  }
0x20: {  	[sflag:s13] =	ssyncadd.s32 $0xFFFFC000  }
0x21: {  	[tilespmem:s16], [sflag:$0x3] =	stream.linear.gather [hbm4b:s5+s3], $0x4000, $0x38;
	[tilespmem:$0x1C000] =	vst v63  }
0x22: {  	_ =	swait.ge [sflag:s13], $0x4000  }
0x23: {  	[sflag:s13] =	ssyncset.done $0x0  }
0x24: {  	[sflag:s13] =	ssyncadd.s32 $0xFFFFC000  }
0x25: {  	[bflag:$0x0] =	sbarrier.arrive $0xFFFF  }
0x26: {  	s21 =	simm.s32 $0x0;
	(ifvalue) =	ssetifvalue $0xFFFFFFFF  }
0x27: {  	[spmem:s2] =	stream.indirect.scatter.add.f32 [tilespmem:s15], [sflag:$0x1], $0x80, s21, s17, $0x40b8;
	[tilespmem:$0x1C000] =	vst v63  }
0x28: {  	s25 =	simm.s32 $0x5000;
	(ifvalue) =	ssetifvalue $0xFFFFFFFF  }
0x29: {  	[spmem:s2] =	stream.indirect.scatter.add.f32 [tilespmem:s16], [sflag:$0x2], $0x80, s25, s17, $0x40b8;
	[tilespmem:$0x1C000] =	vst v63  }
0x2a: {  	s26 =	simm.s32 $0x80;
	(ifvalue) =	ssetifvalue $0xFFFFFFFF  }
0x2b: {  	[spmem:s2] =	stream.indirect.scatter.add.f32 [tilespmem:s15], [sflag:$0x1], $0x80, s26, s17, $0x40b8;
	[tilespmem:$0x1C000] =	vst v63  }
0x2c: {  	s28 =	simm.s32 $0x5080;
	(ifvalue) =	ssetifvalue $0xFFFFFFFF  }
0x2d: {  	[spmem:s2] =	stream.indirect.scatter.add.f32 [tilespmem:s16], [sflag:$0x2], $0x80, s28, s17, $0x40b8;
	[tilespmem:$0x1C000] =	vst v63  }
0x2e: {  	s29 =	simm.s32 $0x100;
	(ifvalue) =	ssetifvalue $0xFFFFFFFF  }
0x2f: {  	[spmem:s2] =	stream.indirect.scatter.add.f32 [tilespmem:s15], [sflag:$0x1], $0x80, s29, s17, $0x40b8;
	[tilespmem:$0x1C000] =	vst v63  }
0x30: {  	s30 =	simm.s32 $0x5100;
	(ifvalue) =	ssetifvalue $0xFFFFFFFF  }
0x31: {  	[spmem:s2] =	stream.indirect.scatter.add.f32 [tilespmem:s16], [sflag:$0x2], $0x80, s30, s17, $0x40b8;
	[tilespmem:$0x1C000] =	vst v63  }
0x32: {  	s31 =	simm.s32 $0x180;
	(ifvalue) =	ssetifvalue $0xFFFFFFFF  }
0x33: {  	[spmem:s2] =	stream.indirect.scatter.add.f32 [tilespmem:s15], [sflag:$0x1], $0x80, s31, s17, $0x40b8;
	[tilespmem:$0x1C000] =	vst v63  }
0x34: {  	s22 =	simm.s32 $0x5180;
	(ifvalue) =	ssetifvalue $0xFFFFFFFF  }
0x35: {  	[spmem:s2] =	stream.indirect.scatter.add.f32 [tilespmem:s16], [sflag:$0x2], $0x80, s22, s17, $0x40b8;
	[tilespmem:$0x1C000] =	vst v63  }
0x36: {  	s23 =	simm.s32 $0x200;
	(ifvalue) =	ssetifvalue $0xFFFFFFFF  }
0x37: {  	[spmem:s2] =	stream.indirect.scatter.add.f32 [tilespmem:s15], [sflag:$0x1], $0x80, s23, s17, $0x40b8;
	[tilespmem:$0x1C000] =	vst v63  }
0x38: {  	s24 =	simm.s32 $0x5200;
	(ifvalue) =	ssetifvalue $0xFFFFFFFF  }
0x39: {  	[spmem:s2] =	stream.indirect.scatter.add.f32 [tilespmem:s16], [sflag:$0x2], $0x80, s24, s17, $0x40b8;
	[tilespmem:$0x1C000] =	vst v63  }
0x3a: {  	s25 =	simm.s32 $0x280;
	(ifvalue) =	ssetifvalue $0xFFFFFFFF  }
0x3b: {  	[spmem:s2] =	stream.indirect.scatter.add.f32 [tilespmem:s15], [sflag:$0x1], $0x80, s25, s17, $0x40b8;
	[tilespmem:$0x1C000] =	vst v63  }
0x3c: {  	s26 =	simm.s32 $0x5280;
	(ifvalue) =	ssetifvalue $0xFFFFFFFF  }
0x3d: {  	[spmem:s2] =	stream.indirect.scatter.add.f32 [tilespmem:s16], [sflag:$0x2], $0x80, s26, s17, $0x40b8;
	[tilespmem:$0x1C000] =	vst v63  }
0x3e: {  	s28 =	simm.s32 $0x300;
	(ifvalue) =	ssetifvalue $0xFFFFFFFF  }
0x3f: {  	[spmem:s2] =	stream.indirect.scatter.add.f32 [tilespmem:s15], [sflag:$0x1], $0x80, s28, s17, $0x40b8;
	[tilespmem:$0x1C000] =	vst v63  }
0x40: {  	s29 =	simm.s32 $0x5300;
	(ifvalue) =	ssetifvalue $0xFFFFFFFF  }
0x41: {  	[spmem:s2] =	stream.indirect.scatter.add.f32 [tilespmem:s16], [sflag:$0x2], $0x80, s29, s17, $0x40b8;
	[tilespmem:$0x1C000] =	vst v63  }
0x42: {  	s30 =	simm.s32 $0x380;
	(ifvalue) =	ssetifvalue $0xFFFFFFFF  }
0x43: {  	[spmem:s2] =	stream.indirect.scatter.add.f32 [tilespmem:s15], [sflag:$0x1], $0x80, s30, s17, $0x40b8;
	[tilespmem:$0x1C000] =	vst v63  }
0x44: {  	s31 =	simm.s32 $0x5380;
	(ifvalue) =	ssetifvalue $0xFFFFFFFF  }
0x45: {  	[spmem:s2] =	stream.indirect.scatter.add.f32 [tilespmem:s16], [sflag:$0x2], $0x80, s31, s17, $0x40b8;
	[tilespmem:$0x1C000] =	vst v63  }
0x46: {  	_ =	swait.ge [sflag:s18], $0x4000  }
0x47: {  	[sflag:s18] =	ssyncset.done $0x0  }
0x48: {  	[sflag:s18] =	ssyncadd.s32 $0xFFFFC000  }
0x49: {  	_ =	swait.ge [sflag:s19], $0x4000  }
0x4a: {  	[sflag:s19] =	ssyncset.done $0x0  }
0x4b: {  	[sflag:s19] =	ssyncadd.s32 $0xFFFFC000  }
0x4c: {  	_ =	swait.ge [sflag:s18], $0x4000  }
0x4d: {  	[sflag:s18] =	ssyncset.done $0x0  }
0x4e: {  	[sflag:s18] =	ssyncadd.s32 $0xFFFFC000  }
0x4f: {  	_ =	swait.ge [sflag:s19], $0x4000  }
0x50: {  	[sflag:s19] =	ssyncset.done $0x0  }
0x51: {  	[sflag:s19] =	ssyncadd.s32 $0xFFFFC000  }
0x52: {  	_ =	swait.ge [sflag:s18], $0x4000  }
0x53: {  	[sflag:s18] =	ssyncset.done $0x0  }
0x54: {  	[sflag:s18] =	ssyncadd.s32 $0xFFFFC000  }
0x55: {  	_ =	swait.ge [sflag:s19], $0x4000  }
0x56: {  	[sflag:s19] =	ssyncset.done $0x0  }
0x57: {  	[sflag:s19] =	ssyncadd.s32 $0xFFFFC000  }
0x58: {  	_ =	swait.ge [sflag:s18], $0x4000  }
0x59: {  	[sflag:s18] =	ssyncset.done $0x0  }
0x5a: {  	[sflag:s18] =	ssyncadd.s32 $0xFFFFC000  }
0x5b: {  	_ =	swait.ge [sflag:s19], $0x4000  }
0x5c: {  	[sflag:s19] =	ssyncset.done $0x0  }
0x5d: {  	[sflag:s19] =	ssyncadd.s32 $0xFFFFC000  }
0x5e: {  	_ =	swait.ge [sflag:s18], $0x4000  }
0x5f: {  	[sflag:s18] =	ssyncset.done $0x0  }
0x60: {  	[sflag:s18] =	ssyncadd.s32 $0xFFFFC000  }
0x61: {  	_ =	swait.ge [sflag:s19], $0x4000  }
0x62: {  	[sflag:s19] =	ssyncset.done $0x0  }
0x63: {  	[sflag:s19] =	ssyncadd.s32 $0xFFFFC000  }
0x64: {  	_ =	swait.ge [sflag:s18], $0x4000  }
0x65: {  	[sflag:s18] =	ssyncset.done $0x0  }
0x66: {  	[sflag:s18] =	ssyncadd.s32 $0xFFFFC000  }
0x67: {  	_ =	swait.ge [sflag:s19], $0x4000  }
0x68: {  	[sflag:s19] =	ssyncset.done $0x0  }
0x69: {  	[sflag:s19] =	ssyncadd.s32 $0xFFFFC000  }
0x6a: {  	_ =	swait.ge [sflag:s18], $0x4000  }
0x6b: {  	[sflag:s18] =	ssyncset.done $0x0  }
0x6c: {  	[sflag:s18] =	ssyncadd.s32 $0xFFFFC000  }
0x6d: {  	_ =	swait.ge [sflag:s19], $0x4000  }
0x6e: {  	[sflag:s19] =	ssyncset.done $0x0  }
0x6f: {  	[sflag:s19] =	ssyncadd.s32 $0xFFFFC000  }
0x70: {  	_ =	swait.ge [sflag:s18], $0x4000  }
0x71: {  	[sflag:s18] =	ssyncset.done $0x0  }
0x72: {  	[sflag:s18] =	ssyncadd.s32 $0xFFFFC000  }
0x73: {  	_ =	swait.ge [sflag:s19], $0x4000  }
0x74: {  	s21 =	simm.s32 $0x400;
	s24 =	simm.s32 $0x2000;
	[sflag:s19] =	ssyncset.done $0x0  }
.LBB2_2:
0x75: {  	s23 =	sshra.s32 s24, $0x2  }
0x76: {  	(ifvalue) =	ssetifvalue $0xFFFFFFFF;
	[sflag:s19] =	ssyncadd.s32 $0xFFFFC000;
	s22 =	smov.u32 s24  }
0x77: {  	[spmem:s2] =	stream.indirect.scatter.add.f32 [tilespmem:s15], [sflag:$0x1], $0x80, s21, s17, $0x40b8;
	[tilespmem:$0x1C000] =	vst v63  }
0x78: {  	s25 =	sadd.s32 $0x5000, s21;
	s22 =	sadd.s32 $0x1000, s24;
	(ifvalue) =	ssetifvalue $0xFFFFFFFF  }
0x79: {  	[spmem:s2] =	stream.indirect.scatter.add.f32 [tilespmem:s16], [sflag:$0x2], $0x80, s25, s17, $0x40b8;
	[tilespmem:$0x1C000] =	vst v63  }
0x7a: {  	p0 =	sne.s32 s24, $0x13000;
	s24 =	sadd.s32 $0x80, s21;
	(ifvalue) =	ssetifvalue $0xFFFFFFFF  }
0x7b: {  	[spmem:s2] =	stream.indirect.scatter.add.f32 [tilespmem:s15], [sflag:$0x1], $0x80, s24, s17, $0x40b8;
	[tilespmem:$0x1C000] =	vst v63  }
0x7c: {  	s24 =	sadd.s32 $0x5080, s21;
	(ifvalue) =	ssetifvalue $0xFFFFFFFF  }
0x7d: {  	[spmem:s2] =	stream.indirect.scatter.add.f32 [tilespmem:s16], [sflag:$0x2], $0x80, s24, s17, $0x40b8;
	[tilespmem:$0x1C000] =	vst v63  }
0x7e: {  	s24 =	sadd.s32 $0x100, s21;
	(ifvalue) =	ssetifvalue $0xFFFFFFFF  }
0x7f: {  	[spmem:s2] =	stream.indirect.scatter.add.f32 [tilespmem:s15], [sflag:$0x1], $0x80, s24, s17, $0x40b8;
	[tilespmem:$0x1C000] =	vst v63  }
0x80: {  	s24 =	sadd.s32 $0x5100, s21;
	(ifvalue) =	ssetifvalue $0xFFFFFFFF  }
0x81: {  	[spmem:s2] =	stream.indirect.scatter.add.f32 [tilespmem:s16], [sflag:$0x2], $0x80, s24, s17, $0x40b8;
	[tilespmem:$0x1C000] =	vst v63  }
0x82: {  	s24 =	sadd.s32 $0x180, s21;
	(ifvalue) =	ssetifvalue $0xFFFFFFFF  }
0x83: {  	[spmem:s2] =	stream.indirect.scatter.add.f32 [tilespmem:s15], [sflag:$0x1], $0x80, s24, s17, $0x40b8;
	[tilespmem:$0x1C000] =	vst v63  }
0x84: {  	s24 =	sadd.s32 $0x5180, s21;
	(ifvalue) =	ssetifvalue $0xFFFFFFFF  }
0x85: {  	[spmem:s2] =	stream.indirect.scatter.add.f32 [tilespmem:s16], [sflag:$0x2], $0x80, s24, s17, $0x40b8;
	[tilespmem:$0x1C000] =	vst v63  }
0x86: {  	s24 =	sadd.s32 $0x200, s21;
	(ifvalue) =	ssetifvalue $0xFFFFFFFF  }
0x87: {  	[spmem:s2] =	stream.indirect.scatter.add.f32 [tilespmem:s15], [sflag:$0x1], $0x80, s24, s17, $0x40b8;
	[tilespmem:$0x1C000] =	vst v63  }
0x88: {  	s24 =	sadd.s32 $0x5200, s21;
	(ifvalue) =	ssetifvalue $0xFFFFFFFF  }
0x89: {  	[spmem:s2] =	stream.indirect.scatter.add.f32 [tilespmem:s16], [sflag:$0x2], $0x80, s24, s17, $0x40b8;
	[tilespmem:$0x1C000] =	vst v63  }
0x8a: {  	s24 =	sadd.s32 $0x280, s21;
	(ifvalue) =	ssetifvalue $0xFFFFFFFF  }
0x8b: {  	[spmem:s2] =	stream.indirect.scatter.add.f32 [tilespmem:s15], [sflag:$0x1], $0x80, s24, s17, $0x40b8;
	[tilespmem:$0x1C000] =	vst v63  }
0x8c: {  	s24 =	sadd.s32 $0x5280, s21;
	(ifvalue) =	ssetifvalue $0xFFFFFFFF  }
0x8d: {  	[spmem:s2] =	stream.indirect.scatter.add.f32 [tilespmem:s16], [sflag:$0x2], $0x80, s24, s17, $0x40b8;
	[tilespmem:$0x1C000] =	vst v63  }
0x8e: {  	s24 =	sadd.s32 $0x300, s21;
	(ifvalue) =	ssetifvalue $0xFFFFFFFF  }
0x8f: {  	[spmem:s2] =	stream.indirect.scatter.add.f32 [tilespmem:s15], [sflag:$0x1], $0x80, s24, s17, $0x40b8;
	[tilespmem:$0x1C000] =	vst v63  }
0x90: {  	s24 =	sadd.s32 $0x5300, s21;
	(ifvalue) =	ssetifvalue $0xFFFFFFFF  }
0x91: {  	[spmem:s2] =	stream.indirect.scatter.add.f32 [tilespmem:s16], [sflag:$0x2], $0x80, s24, s17, $0x40b8;
	[tilespmem:$0x1C000] =	vst v63  }
0x92: {  	s24 =	sadd.s32 $0x380, s21;
	(ifvalue) =	ssetifvalue $0xFFFFFFFF  }
0x93: {  	[spmem:s2] =	stream.indirect.scatter.add.f32 [tilespmem:s15], [sflag:$0x1], $0x80, s24, s17, $0x40b8;
	[tilespmem:$0x1C000] =	vst v63  }
0x94: {  	s24 =	sadd.s32 $0x5380, s21;
	s21 =	smov.u32 s23;
	(ifvalue) =	ssetifvalue $0xFFFFFFFF  }
0x95: {  	[spmem:s2] =	stream.indirect.scatter.add.f32 [tilespmem:s16], [sflag:$0x2], $0x80, s24, s17, $0x40b8;
	[tilespmem:$0x1C000] =	vst v63  }
0x96: {  	_ =	swait.ge [sflag:s18], $0x4000  }
0x97: {  	[sflag:s18] =	ssyncset.done $0x0  }
0x98: {  	[sflag:s18] =	ssyncadd.s32 $0xFFFFC000  }
0x99: {  	_ =	swait.ge [sflag:s19], $0x4000  }
0x9a: {  	[sflag:s19] =	ssyncset.done $0x0  }
0x9b: {  	[sflag:s19] =	ssyncadd.s32 $0xFFFFC000  }
0x9c: {  	_ =	swait.ge [sflag:s18], $0x4000  }
0x9d: {  	[sflag:s18] =	ssyncset.done $0x0  }
0x9e: {  	[sflag:s18] =	ssyncadd.s32 $0xFFFFC000  }
0x9f: {  	_ =	swait.ge [sflag:s19], $0x4000  }
0xa0: {  	[sflag:s19] =	ssyncset.done $0x0  }
0xa1: {  	[sflag:s19] =	ssyncadd.s32 $0xFFFFC000  }
0xa2: {  	_ =	swait.ge [sflag:s18], $0x4000  }
0xa3: {  	[sflag:s18] =	ssyncset.done $0x0  }
0xa4: {  	[sflag:s18] =	ssyncadd.s32 $0xFFFFC000  }
0xa5: {  	_ =	swait.ge [sflag:s19], $0x4000  }
0xa6: {  	[sflag:s19] =	ssyncset.done $0x0  }
0xa7: {  	[sflag:s19] =	ssyncadd.s32 $0xFFFFC000  }
0xa8: {  	_ =	swait.ge [sflag:s18], $0x4000  }
0xa9: {  	[sflag:s18] =	ssyncset.done $0x0  }
0xaa: {  	[sflag:s18] =	ssyncadd.s32 $0xFFFFC000  }
0xab: {  	_ =	swait.ge [sflag:s19], $0x4000  }
0xac: {  	[sflag:s19] =	ssyncset.done $0x0  }
0xad: {  	[sflag:s19] =	ssyncadd.s32 $0xFFFFC000  }
0xae: {  	_ =	swait.ge [sflag:s18], $0x4000  }
0xaf: {  	[sflag:s18] =	ssyncset.done $0x0  }
0xb0: {  	[sflag:s18] =	ssyncadd.s32 $0xFFFFC000  }
0xb1: {  	_ =	swait.ge [sflag:s19], $0x4000  }
0xb2: {  	[sflag:s19] =	ssyncset.done $0x0  }
0xb3: {  	[sflag:s19] =	ssyncadd.s32 $0xFFFFC000  }
0xb4: {  	_ =	swait.ge [sflag:s18], $0x4000  }
0xb5: {  	[sflag:s18] =	ssyncset.done $0x0  }
0xb6: {  	[sflag:s18] =	ssyncadd.s32 $0xFFFFC000  }
0xb7: {  	_ =	swait.ge [sflag:s19], $0x4000  }
0xb8: {  	[sflag:s19] =	ssyncset.done $0x0  }
0xb9: {  	[sflag:s19] =	ssyncadd.s32 $0xFFFFC000  }
0xba: {  	_ =	swait.ge [sflag:s18], $0x4000  }
0xbb: {  	[sflag:s18] =	ssyncset.done $0x0  }
0xbc: {  	[sflag:s18] =	ssyncadd.s32 $0xFFFFC000  }
0xbd: {  	_ =	swait.ge [sflag:s19], $0x4000  }
0xbe: {  	[sflag:s19] =	ssyncset.done $0x0  }
0xbf: {  	[sflag:s19] =	ssyncadd.s32 $0xFFFFC000  }
.Ltmp0:
0xc0: {  	_ =	swait.ge [sflag:s18], $0x4000;
	(pc) =	sbr.rel @p0 .LBB2_2-.Ltmp0, $4  }
0xc1: {  	[sflag:s18] =	ssyncset.done $0x0  }
0xc2: {  	[sflag:s18] =	ssyncadd.s32 $0xFFFFC000  }
0xc3: {  	_ =	swait.ge [sflag:s19], $0x4000  }
0xc4: {  	s24 =	smov.u32 s22;
	[sflag:s19] =	ssyncset.done $0x0  }
0xc5: {  	(ifvalue) =	ssetifvalue $0xFFFFFFFF;
	[sflag:s19] =	ssyncadd.s32 $0xFFFFC000  }
0xc6: {  	[spmem:s2] =	stream.indirect.scatter.add.f32 [tilespmem:s15], [sflag:$0x1], $0x80, s21, s17, $0x40b8;
	[tilespmem:$0x1C000] =	vst v63  }
0xc7: {  	s22 =	sadd.s32 $0x5000, s21;
	(ifvalue) =	ssetifvalue $0xFFFFFFFF  }
0xc8: {  	[spmem:s2] =	stream.indirect.scatter.add.f32 [tilespmem:s16], [sflag:$0x2], $0x80, s22, s17, $0x40b8;
	[tilespmem:$0x1C000] =	vst v63  }
0xc9: {  	s25 =	sadd.s32 $0x80, s21;
	(ifvalue) =	ssetifvalue $0xFFFFFFFF  }
0xca: {  	[spmem:s2] =	stream.indirect.scatter.add.f32 [tilespmem:s15], [sflag:$0x1], $0x80, s25, s17, $0x40b8;
	[tilespmem:$0x1C000] =	vst v63  }
0xcb: {  	s26 =	sadd.s32 $0x5080, s21;
	(ifvalue) =	ssetifvalue $0xFFFFFFFF  }
0xcc: {  	[spmem:s2] =	stream.indirect.scatter.add.f32 [tilespmem:s16], [sflag:$0x2], $0x80, s26, s17, $0x40b8;
	[tilespmem:$0x1C000] =	vst v63  }
0xcd: {  	s28 =	sadd.s32 $0x100, s21;
	(ifvalue) =	ssetifvalue $0xFFFFFFFF  }
0xce: {  	[spmem:s2] =	stream.indirect.scatter.add.f32 [tilespmem:s15], [sflag:$0x1], $0x80, s28, s17, $0x40b8;
	[tilespmem:$0x1C000] =	vst v63  }
0xcf: {  	s29 =	sadd.s32 $0x5100, s21;
	(ifvalue) =	ssetifvalue $0xFFFFFFFF  }
0xd0: {  	[spmem:s2] =	stream.indirect.scatter.add.f32 [tilespmem:s16], [sflag:$0x2], $0x80, s29, s17, $0x40b8;
	[tilespmem:$0x1C000] =	vst v63  }
0xd1: {  	s30 =	sadd.s32 $0x180, s21;
	(ifvalue) =	ssetifvalue $0xFFFFFFFF  }
0xd2: {  	[spmem:s2] =	stream.indirect.scatter.add.f32 [tilespmem:s15], [sflag:$0x1], $0x80, s30, s17, $0x40b8;
	[tilespmem:$0x1C000] =	vst v63  }
0xd3: {  	s31 =	sadd.s32 $0x5180, s21;
	(ifvalue) =	ssetifvalue $0xFFFFFFFF  }
0xd4: {  	[spmem:s2] =	stream.indirect.scatter.add.f32 [tilespmem:s16], [sflag:$0x2], $0x80, s31, s17, $0x40b8;
	[tilespmem:$0x1C000] =	vst v63  }
0xd5: {  	s23 =	sadd.s32 $0x200, s21;
	(ifvalue) =	ssetifvalue $0xFFFFFFFF  }
0xd6: {  	[spmem:s2] =	stream.indirect.scatter.add.f32 [tilespmem:s15], [sflag:$0x1], $0x80, s23, s17, $0x40b8;
	[tilespmem:$0x1C000] =	vst v63  }
0xd7: {  	s24 =	sadd.s32 $0x5200, s21;
	(ifvalue) =	ssetifvalue $0xFFFFFFFF  }
0xd8: {  	[spmem:s2] =	stream.indirect.scatter.add.f32 [tilespmem:s16], [sflag:$0x2], $0x80, s24, s17, $0x40b8;
	[tilespmem:$0x1C000] =	vst v63  }
0xd9: {  	s25 =	sadd.s32 $0x280, s21;
	(ifvalue) =	ssetifvalue $0xFFFFFFFF  }
0xda: {  	[spmem:s2] =	stream.indirect.scatter.add.f32 [tilespmem:s15], [sflag:$0x1], $0x80, s25, s17, $0x40b8;
	[tilespmem:$0x1C000] =	vst v63  }
0xdb: {  	s26 =	sadd.s32 $0x5280, s21;
	(ifvalue) =	ssetifvalue $0xFFFFFFFF  }
0xdc: {  	[spmem:s2] =	stream.indirect.scatter.add.f32 [tilespmem:s16], [sflag:$0x2], $0x80, s26, s17, $0x40b8;
	[tilespmem:$0x1C000] =	vst v63  }
0xdd: {  	s28 =	sadd.s32 $0x300, s21;
	(ifvalue) =	ssetifvalue $0xFFFFFFFF  }
0xde: {  	[spmem:s2] =	stream.indirect.scatter.add.f32 [tilespmem:s15], [sflag:$0x1], $0x80, s28, s17, $0x40b8;
	[tilespmem:$0x1C000] =	vst v63  }
0xdf: {  	s29 =	sadd.s32 $0x5300, s21;
	(ifvalue) =	ssetifvalue $0xFFFFFFFF  }
0xe0: {  	[spmem:s2] =	stream.indirect.scatter.add.f32 [tilespmem:s16], [sflag:$0x2], $0x80, s29, s17, $0x40b8;
	[tilespmem:$0x1C000] =	vst v63  }
0xe1: {  	s30 =	sadd.s32 $0x380, s21;
	(ifvalue) =	ssetifvalue $0xFFFFFFFF  }
0xe2: {  	[spmem:s2] =	stream.indirect.scatter.add.f32 [tilespmem:s15], [sflag:$0x1], $0x80, s30, s17, $0x40b8;
	[tilespmem:$0x1C000] =	vst v63  }
0xe3: {  	s31 =	sadd.s32 $0x5380, s21;
	(ifvalue) =	ssetifvalue $0xFFFFFFFF  }
0xe4: {  	[spmem:s2] =	stream.indirect.scatter.add.f32 [tilespmem:s16], [sflag:$0x2], $0x80, s31, s17, $0x40b8;
	[tilespmem:$0x1C000] =	vst v63  }
0xe5: {  	_ =	swait.ge [sflag:s18], $0x4000  }
0xe6: {  	[sflag:s18] =	ssyncset.done $0x0  }
0xe7: {  	[sflag:s18] =	ssyncadd.s32 $0xFFFFC000  }
0xe8: {  	_ =	swait.ge [sflag:s19], $0x4000  }
0xe9: {  	[sflag:s19] =	ssyncset.done $0x0  }
0xea: {  	[sflag:s19] =	ssyncadd.s32 $0xFFFFC000  }
0xeb: {  	_ =	swait.ge [sflag:s18], $0x4000  }
0xec: {  	[sflag:s18] =	ssyncset.done $0x0  }
0xed: {  	[sflag:s18] =	ssyncadd.s32 $0xFFFFC000  }
0xee: {  	_ =	swait.ge [sflag:s19], $0x4000  }
0xef: {  	[sflag:s19] =	ssyncset.done $0x0  }
0xf0: {  	[sflag:s19] =	ssyncadd.s32 $0xFFFFC000  }
0xf1: {  	_ =	swait.ge [sflag:s18], $0x4000  }
0xf2: {  	[sflag:s18] =	ssyncset.done $0x0  }
0xf3: {  	[sflag:s18] =	ssyncadd.s32 $0xFFFFC000  }
0xf4: {  	_ =	swait.ge [sflag:s19], $0x4000  }
0xf5: {  	[sflag:s19] =	ssyncset.done $0x0  }
0xf6: {  	[sflag:s19] =	ssyncadd.s32 $0xFFFFC000  }
0xf7: {  	_ =	swait.ge [sflag:s18], $0x4000  }
0xf8: {  	[sflag:s18] =	ssyncset.done $0x0  }
0xf9: {  	[sflag:s18] =	ssyncadd.s32 $0xFFFFC000  }
0xfa: {  	_ =	swait.ge [sflag:s19], $0x4000  }
0xfb: {  	[sflag:s19] =	ssyncset.done $0x0  }
0xfc: {  	[sflag:s19] =	ssyncadd.s32 $0xFFFFC000  }
0xfd: {  	_ =	swait.ge [sflag:s18], $0x4000  }
0xfe: {  	[sflag:s18] =	ssyncset.done $0x0  }
0xff: {  	[sflag:s18] =	ssyncadd.s32 $0xFFFFC000  }
0x100: {  	_ =	swait.ge [sflag:s19], $0x4000  }
0x101: {  	[sflag:s19] =	ssyncset.done $0x0  }
0x102: {  	[sflag:s19] =	ssyncadd.s32 $0xFFFFC000  }
0x103: {  	_ =	swait.ge [sflag:s18], $0x4000  }
0x104: {  	[sflag:s18] =	ssyncset.done $0x0  }
0x105: {  	[sflag:s18] =	ssyncadd.s32 $0xFFFFC000  }
0x106: {  	_ =	swait.ge [sflag:s19], $0x4000  }
0x107: {  	[sflag:s19] =	ssyncset.done $0x0  }
0x108: {  	[sflag:s19] =	ssyncadd.s32 $0xFFFFC000  }
0x109: {  	_ =	swait.ge [sflag:s18], $0x4000  }
0x10a: {  	[sflag:s18] =	ssyncset.done $0x0  }
0x10b: {  	[sflag:s18] =	ssyncadd.s32 $0xFFFFC000  }
0x10c: {  	_ =	swait.ge [sflag:s19], $0x4000  }
0x10d: {  	[sflag:s19] =	ssyncset.done $0x0  }
0x10e: {  	[sflag:s19] =	ssyncadd.s32 $0xFFFFC000  }
0x10f: {  	_ =	swait.ge [sflag:s18], $0x4000  }
0x110: {  	[sflag:s18] =	ssyncset.done $0x0  }
0x111: {  	[sflag:s18] =	ssyncadd.s32 $0xFFFFC000  }
0x112: {  	_ =	swait.ge [sflag:s19], $0x4000  }
0x113: {  	s20 =	sadd.s32 $0x1, s20;
	[sflag:s19] =	ssyncset.done $0x0  }
0x114: {  	p0 =	sne.s32 s20, s11;
	[sflag:s19] =	ssyncadd.s32 $0xFFFFC000  }
.Ltmp1:
0x115: {  	[bflag:$0x0] =	sbarrier.arrive $0xFFFF;
	(pc) =	sbr.rel @p0 .LBB2_1-.Ltmp1, $4  }
0x116: {  	[hbm:s10], [sflag:s7] =	dma.local [spmem:s12], $0x1400  }
0x117: {  	_ =	swait.ge [sflag:s13], $0x1400  }
0x118: {  	[sflag:s13] =	ssyncset.done $0x0  }
0x119: {  	[sflag:s13] =	ssyncadd.s32 $0xFFFFEC00  }
0x11a: {  	_ =	sfence.sel $0x180000  }
0x11b: {  	[bflag:$0x0] =	sbarrier.arrive $0xFFFF  }
0x11c: {  	p0 =	sne.s32 s0, $0x0;
	_ =	strace $0x90000047  }
0x11d: {  	s0 =	sadd.s32 @!p0 $0x100000, s1;
	[bflag:$0x2] =	sbarrier.arrive $0xFFFF  }
0x11e: {  	[sflag:s0] =	ssyncadd.tile.s32 @!p0 $0x1;
	_ =	shalt  }
.Lfunc_end2:
_tile_overlayer_lowered:
.L_overlay_start_2:
0x11f: {  	(tag) =	ssettag $0x2  }
0x120: {  	s0 =	rddreg [dreg:$0x0];
	s2 =	stileid.u32  }
0x121: {  	s1 =	rddreg [dreg:$0x1];
	p0 =	sne.s32 s2, $0x0  }
0x122: {  	s3 =	rddreg [dreg:$0x2];
	[bflag:$0x3] =	sbarrier.arrive $0xFFFF;
	s2 =	simm.s32 @!p0 $0x1C03  }
0x123: {  	[timem:s3], [sflag:s2] =	dma.local @!p0 [hbm:s0], s1  }
0x124: {  	s0 =	simm.s32 @!p0 $0x3  }
0x125: {  	_ =	swait.ge @!p0 [sflag:s0], s1  }
0x126: {  	s1 =	ssub.s32 @!p0 $0x0, s1;
	[sflag:s0] =	ssyncset.done @!p0 $0x0  }
0x127: {  	[sflag:s0] =	ssyncadd.s32 @!p0 s1  }
0x128: {  	[bflag:$0x3] =	sbarrier.arrive $0xFFFF  }
0x129: {  	_ =	shalt  }

// kernel: kernel.14.cloned.1.call-start
scs
__scs_entry_jumppad:
0x0: {  	(pc) =	sbr.rel $0x88, $3  }
0x1: {  	(tag) =	ssettag $0x0;
	lr =	simm.s32 $0x1  }
0x2: {  	[smem:$0x3F97] =	sst lr;
	_ =	strace $0xD0000000  }
0x3: {  	_ = 	snop  }
0x4: {  	_ = 	snop  }
0x5: {  	_ = 	snop  }
0x6: {  	_ = 	snop  }
0x7: {  	_ = 	snop  }
__scs_overlays_trampoline_lowered:
0x8: {  	[smem:$0x3FA6] =	sst s0  }
0x9: {  	[smem:$0x3FA7] =	sst s1  }
0xa: {  	[smem:$0x3FA8] =	sst s2  }
0xb: {  	[smem:$0x3FA9] =	sst s3  }
0xc: {  	[smem:$0x3FAA] =	sst s4  }
0xd: {  	[smem:$0x3FAB] =	sst s5  }
0xe: {  	[smem:$0x3FAC] =	sst s6  }
0xf: {  	[smem:$0x3FAD] =	sst s7  }
0x10: {  	[smem:$0x3FAE] =	sst s8  }
0x11: {  	[smem:$0x3FAF] =	sst s9;
	s0 =	simm.s32 @!p0 $0x0  }
0x12: {  	s1 =	sld [smem:$0x3F95];
	s0 =	simm.s32 @p0 $0x1  }
0x13: {  	[smem:$0x3FB0] =	sst s0;
	s0 =	simm.s32 @!p1 $0x0  }
0x14: {  	s2 =	sld [smem:$0x3F94];
	s0 =	simm.s32 @p1 $0x1  }
0x15: {  	[smem:$0x3FB1] =	sst s0;
	s0 =	simm.s32 @!p2 $0x0  }
0x16: {  	s3 =	sld [smem:$0x3FDB];
	s0 =	simm.s32 @p2 $0x1  }
0x17: {  	s4 =	simm.s32 $0x1BF5;
	[smem:$0x3FB3] =	sst s0  }
0x18: {  	s0 =	sld [smem:$0x3F96];
	_ =	swait.ge [sflag:s4], $0x0  }
0x19: {  	s7 =	sld [smem:$0x3F97]  }
0x1a: {  	s8 =	sadd.s32 $0xFFFFE003, lr  }
0x1b: {  	s9 =	sadd.s32 $0xFFFFFEF7, lr;
	s5 =	simm.s32 $0xFFFFFFFF;
	p2 =	slt.u32 s8, $0xFFFFF086  }
0x1c: {  	p1 =	slt.u32 s9, $0xF7A;
	s5 =	simm.s32 @!p2 $0x0  }
0x1d: {  	s5 =	simm.s32 @p1 $0x1;
	p0 =	seq.s32 s7, s2  }
0x1e: {  	s7 =	smul.u32 @!p0 $0xF7A, s2;
	p2 =	seq.s32 @!p0 s5, $0x0  }
0x1f: {  	s9 =	smul.u32 $0xF7A, s1;
	s8 =	simm.s32 @!p0 $0x1BF5;
	p2 =	por !p2, p0  }
0x20: {  	[sflag:s8] =	ssyncset.s32 @!p0 $0xFFFFF086;
	s6 =	sadd.s32 @!p0 s3, s7;
	s7 =	simm.s32 @!p0 $0x108  }
0x21: {  	s3 =	sadd.s32 s3, s9;
	s6 =	sadd.s32 @!p0 $0x88, s6;
	s7 =	simm.s32 @p2 $0x1082  }
0x22: {  	[simem:s7], [sflag:s8] =	dma.local @!p0 [hbm:s6], $0xF7A  }
0x23: {  	s9 =	sor.u32 $0xD0000000, s2;
	s6 =	simm.s32 $0x108;
	_ =	swait.ge @!p0 [sflag:s8], $0x0  }
0x24: {  	s3 =	sadd.s32 $0x88, s3;
	s6 =	simm.s32 @!p1 $0x1082;
	[sflag:s4] =	ssyncset.s32 $0xFFFFF086  }
0x25: {  	[simem:s6], [sflag:s4] =	dma.local [hbm:s3], $0xF7A  }
0x26: {  	[smem:$0x3F97] =	sst s1;
	(tag) =	ssettag s2;
	_ =	strace s9  }
0x27: {  	s1 =	sld [smem:$0x3FA7]  }
0x28: {  	s2 =	sld [smem:$0x3FA8]  }
0x29: {  	s4 =	sld [smem:$0x3FAA]  }
0x2a: {  	p0 =	seq.s32 s5, $0x0;
	s5 =	sld [smem:$0x3FAB]  }
0x2b: {  	s6 =	sld [smem:$0x3FAC]  }
0x2c: {  	s7 =	sld [smem:$0x3FAD]  }
0x2d: {  	s3 =	simm.s32 $0x108;
	s8 =	sld [smem:$0x3FAE]  }
0x2e: {  	s3 =	simm.s32 @!p0 $0x1082;
	s9 =	sld [smem:$0x3FAF]  }
0x2f: {  	lr =	sadd.s32 s0, s3;
	s0 =	sld [smem:$0x3FA6]  }
0x30: {  	s3 =	sld [smem:$0x3FA9]  }
0x31: {  	[smem:$0x3FB2] =	sst s10  }
0x32: {  	s10 =	sld [smem:$0x3FB0];
	_ =	sdelay $0x3  }
0x33: {  	p0 =	seq.s32 s10, $0x1;
	s10 =	sld [smem:$0x3FB2];
	_ =	sdelay $0x3  }
0x34: {  	[smem:$0x3FB2] =	sst s10  }
0x35: {  	s10 =	sld [smem:$0x3FB1];
	_ =	sdelay $0x3  }
0x36: {  	p1 =	seq.s32 s10, $0x1;
	s10 =	sld [smem:$0x3FB2];
	_ =	sdelay $0x3  }
0x37: {  	[smem:$0x3FB2] =	sst s10  }
0x38: {  	s10 =	sld [smem:$0x3FB3]  }
0x39: {  	_ = 	snop;
	(pc) =	sbr.ind lr, $3  }
0x3a: {  	_ = 	snop  }
0x3b: {  	_ = 	snop  }
0x3c: {  	p2 =	seq.s32 s10, $0x1;
	s10 =	sld [smem:$0x3FB2]  }
0x3d: {  	_ =	shalt  }
0x3e: {  	_ =	shalt  }
0x3f: {  	_ =	shalt  }
0x40: {  	_ =	shalt  }
0x41: {  	_ =	shalt  }
0x42: {  	_ =	shalt  }
0x43: {  	_ =	shalt  }
0x44: {  	_ =	shalt  }
0x45: {  	_ =	shalt  }
0x46: {  	_ =	shalt  }
0x47: {  	_ =	shalt  }
0x48: {  	_ =	shalt  }
0x49: {  	_ =	shalt  }
0x4a: {  	_ =	shalt  }
0x4b: {  	_ =	shalt  }
0x4c: {  	_ =	shalt  }
0x4d: {  	_ =	shalt  }
0x4e: {  	_ =	shalt  }
0x4f: {  	_ =	shalt  }
0x50: {  	_ =	shalt  }
0x51: {  	_ =	shalt  }
0x52: {  	_ =	shalt  }
0x53: {  	_ =	shalt  }
0x54: {  	_ =	shalt  }
0x55: {  	_ =	shalt  }
0x56: {  	_ =	shalt  }
0x57: {  	_ =	shalt  }
0x58: {  	_ =	shalt  }
0x59: {  	_ =	shalt  }
0x5a: {  	_ =	shalt  }
0x5b: {  	_ =	shalt  }
0x5c: {  	_ =	shalt  }
0x5d: {  	_ =	shalt  }
0x5e: {  	_ =	shalt  }
0x5f: {  	_ =	shalt  }
0x60: {  	_ =	shalt  }
0x61: {  	_ =	shalt  }
0x62: {  	_ =	shalt  }
0x63: {  	_ =	shalt  }
0x64: {  	_ =	shalt  }
0x65: {  	_ =	shalt  }
0x66: {  	_ =	shalt  }
0x67: {  	_ =	shalt  }
0x68: {  	_ =	shalt  }
0x69: {  	_ =	shalt  }
0x6a: {  	_ =	shalt  }
0x6b: {  	_ =	shalt  }
0x6c: {  	_ =	shalt  }
0x6d: {  	_ =	shalt  }
0x6e: {  	_ =	shalt  }
0x6f: {  	_ =	shalt  }
0x70: {  	_ =	shalt  }
0x71: {  	_ =	shalt  }
0x72: {  	_ =	shalt  }
0x73: {  	_ =	shalt  }
0x74: {  	_ =	shalt  }
0x75: {  	_ =	shalt  }
0x76: {  	_ =	shalt  }
0x77: {  	_ =	shalt  }
0x78: {  	_ =	shalt  }
0x79: {  	_ =	shalt  }
0x7a: {  	_ =	shalt  }
0x7b: {  	_ =	shalt  }
0x7c: {  	_ =	shalt  }
0x7d: {  	_ =	shalt  }
0x7e: {  	_ =	shalt  }
0x7f: {  	_ =	shalt  }
0x80: {  	_ =	shalt  }
0x81: {  	_ =	shalt  }
0x82: {  	_ =	shalt  }
0x83: {  	_ =	shalt  }
0x84: {  	_ =	shalt  }
0x85: {  	_ =	shalt  }
0x86: {  	_ =	shalt  }
0x87: {  	_ =	shalt  }
.Lfunc_end0:
.L_simem_size_0:
called_computation.1_lowered:
.L_overlay_start_0:
0x88: {  	s2 =	sld [smem:$0x3FD9]  }
0x89: {  	s3 =	sld [smem:$0x3FFE];
	_ =	sdelay $0x1  }
0x8a: {  	s1 =	srdreg.scid  }
0x8b: {  	s0 =	sand.u32 $0x1, s1  }
0x8c: {  	s16 =	sshll.u32 s0, $0xA;
	s2 =	sadd.s32 s3, s2  }
0x8d: {  	s2 =	sadd.s32 s2, s16  }
0x8e: {  	[smem:$0x3FBE] =	sst s2  }
0x8f: {  	_ = 	snop  }
0x90: {  	(tm) =	ssettm $0x1  }
0x91: {  	s17 =	sld [smem:$0x3FFB];
	_ =	sdelay $0x3  }
0x92: {  	_ =	strace s17  }
0x93: {  	s2 =	sld [smem:$0x3FFC];
	_ =	sdelay $0x3  }
0x94: {  	_ =	strace s2  }
0x95: {  	s2 =	sld [smem:$0x3FFD];
	_ =	sdelay $0x3  }
0x96: {  	_ =	strace s2  }
0x97: {  	_ =	strace $0x8FFFFFFF  }
0x98: {  	s18 =	sld [smem:$0x3FDB];
	_ =	sdelay $0x1  }
0x99: {  	s19 =	simm.s32 $_scs_section_size  }
0x9a: {  	s4 =	simm.s32 $_size__tile_overlayer_lowered;
	s5 =	simm.s32 $_tile_overlayer_lowered  }
0x9b: {  	s22 =	simm.s32 $0x1BFF;
	s21 =	sshll.u32 s5, $0x1;
	s2 =	sadd.s32 s19, s18  }
0x9c: {  	s6 =	simm.s32 $0x0;
	s20 =	sshll.u32 s4, $0x1;
	s4 =	sadd.s32 s21, s2  }
0x9d: {  	[timem:s6], [sflag:s22] =	dma.local [hbm:s4], s20  }
0x9e: {  	_ =	swait.ge [sflag:s22], s20  }
0x9f: {  	s3 =	ssub.s32 $0x0, s20;
	[sflag:s22] =	ssyncset.done $0x0  }
0xa0: {  	[sflag:s22] =	ssyncadd.s32 s3;
	_ =	sdelay $0x1  }
0xa1: {  	s23 =	simm.s32 $0x1B8B  }
0xa2: {  	_ =	swait.ge [sflag:s23], $0x1  }
0xa3: {  	[sflag:s23] =	ssyncset.done $0x0  }
0xa4: {  	s25 =	simm.s32 $0x1B8E;
	s24 =	sld [smem:$0x3FFE];
	[sflag:s23] =	ssyncadd.s32 $0xFFFFFFFF  }
0xa5: {  	s26 =	simm.s32 $execute0_lowered;
	[smem:$0x3FD2] =	sst s25  }
0xa6: {  	s4 =	sshll.u32 s26, $0x1;
	_ =	strace $0x80000049;
	[dreg:$0x1] =	wrdreg $0xFFFFFFFF  }
0xa7: {  	s28 =	simm.s32 $_size_execute0_lowered;
	s2 =	sadd.s32 s2, s4;
	[dreg:$0x0] =	wrdreg $0x0  }
0xa8: {  	s4 =	sshll.u32 s28, $0x1;
	[dreg:$0x2] =	wrdreg s2  }
0xa9: {  	[dreg:$0x3] =	wrdreg s4  }
0xaa: {  	[dreg:$0x4] =	wrdreg $0xC0  }
0xab: {  	_ =	task [dreg:s6], $0x5FFFF  }
0xac: {  	[dreg:$0x1] =	wrdreg $0xFFFFFFFF  }
0xad: {  	[dreg:$0x0] =	wrdreg $0x60  }
0xae: {  	[dreg:$0x2] =	wrdreg s24  }
0xaf: {  	[dreg:$0x3] =	wrdreg $0x108000  }
0xb0: {  	[dreg:$0x4] =	wrdreg $0x9  }
0xb1: {  	_ =	task.clear_ibuf [dreg:s6], $0x5FFFF;
	_ =	strace $0x90000049  }
0xb2: {  	s29 =	simm.s32 $0x9;
	_ =	strace $0x8000004B  }
0xb3: {  	_ =	swait.ge [sflag:s29], $0x1  }
0xb4: {  	[sflag:s29] =	ssyncadd.s32 $0xFFFFFFFF  }
0xb5: {  	_ =	strace $0x9000004B  }
0xb6: {  	_ =	sfence  }
0xb7: {  	s30 =	sld [smem:$0x0];
	_ =	sdelay $0x2  }
0xb8: {  	s31 =	sshll.u32 s1, $0xD;
	s1 =	sshrl.u32 s1, $0x2  }
0xb9: {  	s3 =	sand.u32 $0x4000, s31;
	s1 =	sadd.s32 s1, s30  }
0xba: {  	s0 =	sor.u32 s3, s0;
	s1 =	sshll.u32 s1, $0x11  }
0xbb: {  	s0 =	sor.u32 s1, s0  }
0xbc: {  	s0 =	sadd.s32 $0x8F2B, s0  }
0xbd: {  	[sflag:s0] =	ssyncadd.remote.s32 $0x1  }
0xbe: {  	_ =	sfence.sel $0xFFFF  }
0xbf: {  	[dreg:$0x0] =	wrdreg $0xFFFFFFFF;
	(pc) =	sbr.abs _section_cstart, $3  }
0xc0: {  	[dreg:$0x1] =	wrdreg $0xFFFFFFFF  }
0xc1: {  	_ =	task.clear_ibuf [dreg:s6], $0x2FFFF;
	_ =	strace $0x9FFFFFFF  }
0xc2: {  	(tm) =	ssettm $0x7FFFFFFF  }
0xc3: {  	_ =	shalt  }
tec
execute0_lowered:
.L_overlay_start_1:
0x0: {  	(tag) =	ssettag $0x1  }
0x1: {  	s0 =	srdreg.scid;
	s1 =	rddreg [dreg:$0x0]  }
0x2: {  	s9 =	stileid.u32;
	s2 =	rddreg [dreg:$0x1];
	s3 =	simm.s32 $0x0  }
0x3: {  	s11 =	simm.s32 $0x400;
	s12 =	simm.s32 $0x80;
	s13 =	simm.s32 $0x800  }
0x4: {  	s14 =	simm.s32 $0x4800;
	s15 =	simm.s32 $0x100;
	s16 =	simm.s32 $0x8800  }
0x5: {  	s17 =	simm.s32 $0x180;
	s18 =	simm.s32 $0xC800;
	s19 =	simm.s32 $0x1  }
0x6: {  	s28 =	simm.s32 $0x4;
	s29 =	simm.s32 $0x580;
	s5 =	smul.u32 $0x5000, s9  }
0x7: {  	s30 =	simm.s32 $0x380;
	s31 =	simm.s32 $0x600;
	s20 =	smul.u32 $0x1400, s9  }
0x8: {  	s0 =	sand.u32 $0x1, s0;
	[smem:$0x7FF] =	sst s3;
	s21 =	smul.u32 $0x28000, s9  }
0x9: {  	s10 =	sadd.s32 $0x18200, s1;
	s24 =	sshll.u32 s9, $0x6;
	s4 =	smul.u32 $0x50000, s0  }
0xa: {  	_ =	strace $0x8000004A;
	s7 =	smul.u32 $0x14000, s0;
	s0 =	ssub.s32 $0x2, s0  }
0xb: {  	[dreg:$0x5] =	wrdreg s10;
	s10 =	simm.s32 $0x5;
	s22 =	sshrl.u32 s0, $0x1  }
0xc: {  	s4 =	sadd.s32 s5, s4;
	s5 =	sadd.s32 s20, s7;
	s0 =	ssub.s32 s0, s22  }
0xd: {  	s20 =	simm.s32 $0x200;
	s22 =	simm.s32 $0x480;
	s7 =	simm.s32 $0x0  }
0xe: {  	s6 =	sshrl.u32 s4, $0x3;
	s4 =	sadd.s32 $0x19600, s1;
	s0 =	smax.u32 s0, $0x1  }
0xf: {  	s8 =	sadd.s32 s6, s1;
	s1 =	sadd.s32 s5, s1;
	s6 =	sshrl.u32 s21, $0x2  }
0x10: {  	[dreg:$0x7] =	wrdreg s0;
	s21 =	simm.s32 $0x2;
	s0 =	simm.s32 $0x700  }
0x11: {  	s5 =	simm.s32 $0x780;
	s23 =	sadd.s32 s6, s2;
	s1 =	sadd.s32 $0x55600, s1  }
0x12: {  	s6 =	sor.u32 $0x1C05, s24;
	s25 =	sadd.s32 $0x3200, s8;
	[dreg:$0x6] =	wrdreg s1  }
0x13: {  	s26 =	sadd.s32 $0x41600, s8;
	s24 =	simm.s32 $0x3;
	[dreg:$0x3] =	wrdreg s25  }
0x14: {  	s8 =	smov.u32 s6;
	[dreg:$0x4] =	wrdreg s26;
	s9 =	sshrl.u32 s23, $0x3  }
0x15: {  	s23 =	simm.s32 $0x280;
	s25 =	simm.s32 $0x500;
	[dreg:$0x8] =	wrdreg s8  }
0x16: {  	s26 =	simm.s32 $0x300;
	s1 =	simm.s32 $0x680;
	[dreg:$0x9] =	wrdreg s9  }
.LBB2_1:
0x17: {  	s6 =	rddreg [dreg:$0x5]  }
0x18: {  	[spmem:s9], [sflag:s8] =	dma.local [hbm:s6], $0x1400  }
0x19: {  	_ =	swait.ge [sflag:s10], $0x1400  }
0x1a: {  	[sflag:s10] =	ssyncset.done $0x0  }
0x1b: {  	[sflag:s10] =	ssyncadd.s32 $0xFFFFEC00  }
0x1c: {  	s8 =	simm.s32 $0x0;
	[bflag:$0x0] =	sbarrier.arrive $0xFFFF  }
.LBB2_2:
0x1d: {  	s6 =	rddreg [dreg:$0x4]  }
0x1e: {  	s6 =	sadd.s32 s8, s6  }
0x1f: {  	[tilespmem:s3], [sflag:$0x5] =	stream.linear.gather [hbm4b:s6+s3], $0x400, $0x38;
	[tilespmem:$0x1A800] =	vst v63  }
0x20: {  	_ =	swait.ge [sflag:s10], $0x400  }
0x21: {  	s9 =	rddreg [dreg:$0x3];
	[sflag:s10] =	ssyncset.done $0x0  }
0x22: {  	[sflag:s10] =	ssyncadd.s32 $0xFFFFFC00;
	s6 =	sadd.s32 s8, s9  }
0x23: {  	[tilespmem:s11], [sflag:$0x5] =	stream.linear.gather [hbm4b:s6+s3], $0x400, $0x38;
	[tilespmem:$0x1A800] =	vst v63  }
0x24: {  	_ =	swait.ge [sflag:s10], $0x400  }
0x25: {  	[sflag:s10] =	ssyncset.done $0x0  }
0x26: {  	[sflag:s10] =	ssyncadd.s32 $0xFFFFFC00;
	(ifvalue) =	ssetifvalue $0xFFFFFFFF  }
0x27: {  	(ifvalue) =	ssetifvalue $0xFFFFFFFF  }
0x28: {  	[tilespmem:s13], [sflag:$0x1] =	stream.indirect.gather [hbm4b:s4+s12], $0x80, s3, s12, $0x40b8;
	[tilespmem:$0x1A800] =	vst v63  }
0x29: {  	(ifvalue) =	ssetifvalue $0xFFFFFFFF  }
0x2a: {  	(ifvalue) =	ssetifvalue $0xFFFFFFFF  }
0x2b: {  	[tilespmem:s14], [sflag:$0x2] =	stream.indirect.gather [hbm4b:s4+s12], $0x80, s12, s12, $0x40b8;
	[tilespmem:$0x1A800] =	vst v63  }
0x2c: {  	(ifvalue) =	ssetifvalue $0xFFFFFFFF  }
0x2d: {  	(ifvalue) =	ssetifvalue $0xFFFFFFFF  }
0x2e: {  	[tilespmem:s16], [sflag:$0x3] =	stream.indirect.gather [hbm4b:s4+s12], $0x80, s15, s12, $0x40b8;
	[tilespmem:$0x1A800] =	vst v63  }
0x2f: {  	(ifvalue) =	ssetifvalue $0xFFFFFFFF  }
0x30: {  	(ifvalue) =	ssetifvalue $0xFFFFFFFF  }
0x31: {  	[tilespmem:s18], [sflag:$0x4] =	stream.indirect.gather [hbm4b:s4+s12], $0x80, s17, s12, $0x40b8;
	[tilespmem:$0x1A800] =	vst v63  }
0x32: {  	_ =	swait.ge [sflag:s19], $0x4000  }
0x33: {  	[sflag:s19] =	ssyncset.done $0x0  }
0x34: {  	[sflag:s19] =	ssyncadd.s32 $0xFFFFC000;
	(ifvalue) =	ssetifvalue $0xFFFFFFFF  }
0x35: {  	[spmem:s2] =	stream.indirect.scatter.add.f32 [tilespmem:s13], [sflag:$0x5], $0x80, s11, s12, $0x40b8;
	[tilespmem:$0x1A800] =	vst v63  }
0x36: {  	_ =	swait.ge [sflag:s10], $0x4000  }
0x37: {  	[sflag:s10] =	ssyncset.done $0x0  }
0x38: {  	[sflag:s10] =	ssyncadd.s32 $0xFFFFC000;
	(ifvalue) =	ssetifvalue $0xFFFFFFFF  }
0x39: {  	(ifvalue) =	ssetifvalue $0xFFFFFFFF  }
0x3a: {  	[tilespmem:s13], [sflag:$0x1] =	stream.indirect.gather [hbm4b:s4+s12], $0x80, s20, s12, $0x40b8;
	[tilespmem:$0x1A800] =	vst v63  }
0x3b: {  	_ =	swait.ge [sflag:s21], $0x4000  }
0x3c: {  	[sflag:s21] =	ssyncset.done $0x0  }
0x3d: {  	[sflag:s21] =	ssyncadd.s32 $0xFFFFC000;
	(ifvalue) =	ssetifvalue $0xFFFFFFFF  }
0x3e: {  	[spmem:s2] =	stream.indirect.scatter.add.f32 [tilespmem:s14], [sflag:$0x5], $0x80, s22, s12, $0x40b8;
	[tilespmem:$0x1A800] =	vst v63  }
0x3f: {  	_ =	swait.ge [sflag:s10], $0x4000  }
0x40: {  	[sflag:s10] =	ssyncset.done $0x0  }
0x41: {  	[sflag:s10] =	ssyncadd.s32 $0xFFFFC000;
	(ifvalue) =	ssetifvalue $0xFFFFFFFF  }
0x42: {  	(ifvalue) =	ssetifvalue $0xFFFFFFFF  }
0x43: {  	[tilespmem:s14], [sflag:$0x2] =	stream.indirect.gather [hbm4b:s4+s12], $0x80, s23, s12, $0x40b8;
	[tilespmem:$0x1A800] =	vst v63  }
0x44: {  	_ =	swait.ge [sflag:s24], $0x4000  }
0x45: {  	[sflag:s24] =	ssyncset.done $0x0  }
0x46: {  	[sflag:s24] =	ssyncadd.s32 $0xFFFFC000;
	(ifvalue) =	ssetifvalue $0xFFFFFFFF  }
0x47: {  	[spmem:s2] =	stream.indirect.scatter.add.f32 [tilespmem:s16], [sflag:$0x5], $0x80, s25, s12, $0x40b8;
	[tilespmem:$0x1A800] =	vst v63  }
0x48: {  	_ =	swait.ge [sflag:s10], $0x4000  }
0x49: {  	[sflag:s10] =	ssyncset.done $0x0  }
0x4a: {  	[sflag:s10] =	ssyncadd.s32 $0xFFFFC000;
	(ifvalue) =	ssetifvalue $0xFFFFFFFF  }
0x4b: {  	(ifvalue) =	ssetifvalue $0xFFFFFFFF  }
0x4c: {  	[tilespmem:s16], [sflag:$0x3] =	stream.indirect.gather [hbm4b:s4+s12], $0x80, s26, s12, $0x40b8;
	[tilespmem:$0x1A800] =	vst v63  }
0x4d: {  	_ =	swait.ge [sflag:s28], $0x4000  }
0x4e: {  	[sflag:s28] =	ssyncset.done $0x0  }
0x4f: {  	[sflag:s28] =	ssyncadd.s32 $0xFFFFC000;
	(ifvalue) =	ssetifvalue $0xFFFFFFFF  }
0x50: {  	[spmem:s2] =	stream.indirect.scatter.add.f32 [tilespmem:s18], [sflag:$0x5], $0x80, s29, s12, $0x40b8;
	[tilespmem:$0x1A800] =	vst v63  }
0x51: {  	_ =	swait.ge [sflag:s10], $0x4000  }
0x52: {  	[sflag:s10] =	ssyncset.done $0x0  }
0x53: {  	[sflag:s10] =	ssyncadd.s32 $0xFFFFC000;
	(ifvalue) =	ssetifvalue $0xFFFFFFFF  }
0x54: {  	(ifvalue) =	ssetifvalue $0xFFFFFFFF  }
0x55: {  	[tilespmem:s18], [sflag:$0x4] =	stream.indirect.gather [hbm4b:s4+s12], $0x80, s30, s12, $0x40b8;
	[tilespmem:$0x1A800] =	vst v63  }
0x56: {  	_ =	swait.ge [sflag:s19], $0x4000  }
0x57: {  	[sflag:s19] =	ssyncset.done $0x0  }
0x58: {  	[sflag:s19] =	ssyncadd.s32 $0xFFFFC000;
	(ifvalue) =	ssetifvalue $0xFFFFFFFF  }
0x59: {  	[spmem:s2] =	stream.indirect.scatter.add.f32 [tilespmem:s13], [sflag:$0x5], $0x80, s31, s12, $0x40b8;
	[tilespmem:$0x1A800] =	vst v63  }
0x5a: {  	_ =	swait.ge [sflag:s10], $0x4000  }
0x5b: {  	[sflag:s10] =	ssyncset.done $0x0  }
0x5c: {  	[sflag:s10] =	ssyncadd.s32 $0xFFFFC000  }
0x5d: {  	_ =	swait.ge [sflag:s21], $0x4000  }
0x5e: {  	[sflag:s21] =	ssyncset.done $0x0  }
0x5f: {  	[sflag:s21] =	ssyncadd.s32 $0xFFFFC000;
	(ifvalue) =	ssetifvalue $0xFFFFFFFF  }
0x60: {  	[spmem:s2] =	stream.indirect.scatter.add.f32 [tilespmem:s14], [sflag:$0x5], $0x80, s1, s12, $0x40b8;
	[tilespmem:$0x1A800] =	vst v63  }
0x61: {  	_ =	swait.ge [sflag:s10], $0x4000  }
0x62: {  	[sflag:s10] =	ssyncset.done $0x0  }
0x63: {  	[sflag:s10] =	ssyncadd.s32 $0xFFFFC000  }
0x64: {  	_ =	swait.ge [sflag:s24], $0x4000  }
0x65: {  	[sflag:s24] =	ssyncset.done $0x0  }
0x66: {  	[sflag:s24] =	ssyncadd.s32 $0xFFFFC000;
	(ifvalue) =	ssetifvalue $0xFFFFFFFF  }
0x67: {  	[spmem:s2] =	stream.indirect.scatter.add.f32 [tilespmem:s16], [sflag:$0x5], $0x80, s0, s12, $0x40b8;
	[tilespmem:$0x1A800] =	vst v63  }
0x68: {  	_ =	swait.ge [sflag:s10], $0x4000  }
0x69: {  	[sflag:s10] =	ssyncset.done $0x0  }
0x6a: {  	[sflag:s10] =	ssyncadd.s32 $0xFFFFC000  }
0x6b: {  	_ =	swait.ge [sflag:s28], $0x4000  }
0x6c: {  	p0 =	sne.s32 s8, $0x980;
	[sflag:s28] =	ssyncset.done $0x0  }
.Ltmp0:
0x6d: {  	[sflag:s28] =	ssyncadd.s32 $0xFFFFC000;
	(ifvalue) =	ssetifvalue $0xFFFFFFFF;
	(pc) =	sbr.rel @p0 .LBB2_2-.Ltmp0, $4  }
0x6e: {  	[spmem:s2] =	stream.indirect.scatter.add.f32 [tilespmem:s18], [sflag:$0x5], $0x80, s5, s12, $0x40b8;
	[tilespmem:$0x1A800] =	vst v63  }
0x6f: {  	_ =	swait.ge [sflag:s10], $0x4000  }
0x70: {  	[sflag:s10] =	ssyncset.done $0x0  }
0x71: {  	s8 =	sadd.s32 $0x80, s8;
	[sflag:s10] =	ssyncadd.s32 $0xFFFFC000  }
0x72: {  	[bflag:$0x0] =	sbarrier.arrive $0xFFFF  }
0x73: {  	s8 =	rddreg [dreg:$0x8]  }
0x74: {  	s6 =	rddreg [dreg:$0x6]  }
0x75: {  	s9 =	rddreg [dreg:$0x9]  }
0x76: {  	[hbm:s6], [sflag:s8] =	dma.local [spmem:s9], $0x1400  }
0x77: {  	_ =	swait.ge [sflag:s10], $0x1400  }
0x78: {  	s7 =	sadd.s32 $0x1, s7;
	s6 =	rddreg [dreg:$0x7]  }
0x79: {  	p0 =	sne.s32 s7, s6  }
.Ltmp1:
0x7a: {  	_ = 	snop;
	(pc) =	sbr.rel @p0 .LBB2_1-.Ltmp1, $3  }
0x7b: {  	_ =	sdelay $0x1  }
0x7c: {  	[sflag:s10] =	ssyncset.done $0x0  }
0x7d: {  	[sflag:s10] =	ssyncadd.s32 $0xFFFFEC00  }
0x7e: {  	_ =	sfence.sel $0x180000  }
0x7f: {  	[bflag:$0x0] =	sbarrier.arrive $0xFFFF  }
0x80: {  	_ =	strace $0x9000004A  }
0x81: {  	s0 =	stileid.u32;
	[bflag:$0x2] =	sbarrier.arrive $0xFFFF  }
0x82: {  	p0 =	sne.s32 s0, $0x0;
	s0 =	rddreg [dreg:$0x2]  }
0x83: {  	s0 =	sadd.s32 @!p0 $0x100000, s0  }
0x84: {  	[sflag:s0] =	ssyncadd.tile.s32 @!p0 $0x1;
	_ =	shalt  }
.Lfunc_end2:
_tile_overlayer_lowered:
.L_overlay_start_2:
0x85: {  	(tag) =	ssettag $0x2  }
0x86: {  	s0 =	rddreg [dreg:$0x0];
	s2 =	stileid.u32  }
0x87: {  	s1 =	rddreg [dreg:$0x1];
	p0 =	sne.s32 s2, $0x0  }
0x88: {  	s3 =	rddreg [dreg:$0x2];
	[bflag:$0x3] =	sbarrier.arrive $0xFFFF;
	s2 =	simm.s32 @!p0 $0x1C05  }
0x89: {  	[timem:s3], [sflag:s2] =	dma.local @!p0 [hbm:s0], s1  }
0x8a: {  	s0 =	simm.s32 @!p0 $0x5  }
0x8b: {  	_ =	swait.ge @!p0 [sflag:s0], s1  }
0x8c: {  	s1 =	ssub.s32 @!p0 $0x0, s1;
	[sflag:s0] =	ssyncset.done @!p0 $0x0  }
0x8d: {  	[sflag:s0] =	ssyncadd.s32 @!p0 s1  }
0x8e: {  	[bflag:$0x3] =	sbarrier.arrive $0xFFFF  }
0x8f: {  	_ =	shalt  }

// kernel: kernel.17.cloned.1.call-start
scs
__scs_entry_jumppad:
0x0: {  	(pc) =	sbr.rel $0x88, $3  }
0x1: {  	(tag) =	ssettag $0x0;
	lr =	simm.s32 $0x1  }
0x2: {  	[smem:$0x3F97] =	sst lr;
	_ =	strace $0xD0000000  }
0x3: {  	_ = 	snop  }
0x4: {  	_ = 	snop  }
0x5: {  	_ = 	snop  }
0x6: {  	_ = 	snop  }
0x7: {  	_ = 	snop  }
__scs_overlays_trampoline_lowered:
0x8: {  	[smem:$0x3FA6] =	sst s0  }
0x9: {  	[smem:$0x3FA7] =	sst s1  }
0xa: {  	[smem:$0x3FA8] =	sst s2  }
0xb: {  	[smem:$0x3FA9] =	sst s3  }
0xc: {  	[smem:$0x3FAA] =	sst s4  }
0xd: {  	[smem:$0x3FAB] =	sst s5  }
0xe: {  	[smem:$0x3FAC] =	sst s6  }
0xf: {  	[smem:$0x3FAD] =	sst s7  }
0x10: {  	[smem:$0x3FAE] =	sst s8  }
0x11: {  	[smem:$0x3FAF] =	sst s9;
	s0 =	simm.s32 @!p0 $0x0  }
0x12: {  	s1 =	sld [smem:$0x3F95];
	s0 =	simm.s32 @p0 $0x1  }
0x13: {  	[smem:$0x3FB0] =	sst s0;
	s0 =	simm.s32 @!p1 $0x0  }
0x14: {  	s2 =	sld [smem:$0x3F94];
	s0 =	simm.s32 @p1 $0x1  }
0x15: {  	[smem:$0x3FB1] =	sst s0;
	s0 =	simm.s32 @!p2 $0x0  }
0x16: {  	s3 =	sld [smem:$0x3FDB];
	s0 =	simm.s32 @p2 $0x1  }
0x17: {  	s4 =	simm.s32 $0x1BF5;
	[smem:$0x3FB3] =	sst s0  }
0x18: {  	s0 =	sld [smem:$0x3F96];
	_ =	swait.ge [sflag:s4], $0x0  }
0x19: {  	s7 =	sld [smem:$0x3F97]  }
0x1a: {  	s8 =	sadd.s32 $0xFFFFE003, lr  }
0x1b: {  	s9 =	sadd.s32 $0xFFFFFEF7, lr;
	s5 =	simm.s32 $0xFFFFFFFF;
	p2 =	slt.u32 s8, $0xFFFFF086  }
0x1c: {  	p1 =	slt.u32 s9, $0xF7A;
	s5 =	simm.s32 @!p2 $0x0  }
0x1d: {  	s5 =	simm.s32 @p1 $0x1;
	p0 =	seq.s32 s7, s2  }
0x1e: {  	s7 =	smul.u32 @!p0 $0xF7A, s2;
	p2 =	seq.s32 @!p0 s5, $0x0  }
0x1f: {  	s9 =	smul.u32 $0xF7A, s1;
	s8 =	simm.s32 @!p0 $0x1BF5;
	p2 =	por !p2, p0  }
0x20: {  	[sflag:s8] =	ssyncset.s32 @!p0 $0xFFFFF086;
	s6 =	sadd.s32 @!p0 s3, s7;
	s7 =	simm.s32 @!p0 $0x108  }
0x21: {  	s3 =	sadd.s32 s3, s9;
	s6 =	sadd.s32 @!p0 $0x88, s6;
	s7 =	simm.s32 @p2 $0x1082  }
0x22: {  	[simem:s7], [sflag:s8] =	dma.local @!p0 [hbm:s6], $0xF7A  }
0x23: {  	s9 =	sor.u32 $0xD0000000, s2;
	s6 =	simm.s32 $0x108;
	_ =	swait.ge @!p0 [sflag:s8], $0x0  }
0x24: {  	s3 =	sadd.s32 $0x88, s3;
	s6 =	simm.s32 @!p1 $0x1082;
	[sflag:s4] =	ssyncset.s32 $0xFFFFF086  }
0x25: {  	[simem:s6], [sflag:s4] =	dma.local [hbm:s3], $0xF7A  }
0x26: {  	[smem:$0x3F97] =	sst s1;
	(tag) =	ssettag s2;
	_ =	strace s9  }
0x27: {  	s1 =	sld [smem:$0x3FA7]  }
0x28: {  	s2 =	sld [smem:$0x3FA8]  }
0x29: {  	s4 =	sld [smem:$0x3FAA]  }
0x2a: {  	p0 =	seq.s32 s5, $0x0;
	s5 =	sld [smem:$0x3FAB]  }
0x2b: {  	s6 =	sld [smem:$0x3FAC]  }
0x2c: {  	s7 =	sld [smem:$0x3FAD]  }
0x2d: {  	s3 =	simm.s32 $0x108;
	s8 =	sld [smem:$0x3FAE]  }
0x2e: {  	s3 =	simm.s32 @!p0 $0x1082;
	s9 =	sld [smem:$0x3FAF]  }
0x2f: {  	lr =	sadd.s32 s0, s3;
	s0 =	sld [smem:$0x3FA6]  }
0x30: {  	s3 =	sld [smem:$0x3FA9]  }
0x31: {  	[smem:$0x3FB2] =	sst s10  }
0x32: {  	s10 =	sld [smem:$0x3FB0];
	_ =	sdelay $0x3  }
0x33: {  	p0 =	seq.s32 s10, $0x1;
	s10 =	sld [smem:$0x3FB2];
	_ =	sdelay $0x3  }
0x34: {  	[smem:$0x3FB2] =	sst s10  }
0x35: {  	s10 =	sld [smem:$0x3FB1];
	_ =	sdelay $0x3  }
0x36: {  	p1 =	seq.s32 s10, $0x1;
	s10 =	sld [smem:$0x3FB2];
	_ =	sdelay $0x3  }
0x37: {  	[smem:$0x3FB2] =	sst s10  }
0x38: {  	s10 =	sld [smem:$0x3FB3]  }
0x39: {  	_ = 	snop;
	(pc) =	sbr.ind lr, $3  }
0x3a: {  	_ = 	snop  }
0x3b: {  	_ = 	snop  }
0x3c: {  	p2 =	seq.s32 s10, $0x1;
	s10 =	sld [smem:$0x3FB2]  }
0x3d: {  	_ =	shalt  }
0x3e: {  	_ =	shalt  }
0x3f: {  	_ =	shalt  }
0x40: {  	_ =	shalt  }
0x41: {  	_ =	shalt  }
0x42: {  	_ =	shalt  }
0x43: {  	_ =	shalt  }
0x44: {  	_ =	shalt  }
0x45: {  	_ =	shalt  }
0x46: {  	_ =	shalt  }
0x47: {  	_ =	shalt  }
0x48: {  	_ =	shalt  }
0x49: {  	_ =	shalt  }
0x4a: {  	_ =	shalt  }
0x4b: {  	_ =	shalt  }
0x4c: {  	_ =	shalt  }
0x4d: {  	_ =	shalt  }
0x4e: {  	_ =	shalt  }
0x4f: {  	_ =	shalt  }
0x50: {  	_ =	shalt  }
0x51: {  	_ =	shalt  }
0x52: {  	_ =	shalt  }
0x53: {  	_ =	shalt  }
0x54: {  	_ =	shalt  }
0x55: {  	_ =	shalt  }
0x56: {  	_ =	shalt  }
0x57: {  	_ =	shalt  }
0x58: {  	_ =	shalt  }
0x59: {  	_ =	shalt  }
0x5a: {  	_ =	shalt  }
0x5b: {  	_ =	shalt  }
0x5c: {  	_ =	shalt  }
0x5d: {  	_ =	shalt  }
0x5e: {  	_ =	shalt  }
0x5f: {  	_ =	shalt  }
0x60: {  	_ =	shalt  }
0x61: {  	_ =	shalt  }
0x62: {  	_ =	shalt  }
0x63: {  	_ =	shalt  }
0x64: {  	_ =	shalt  }
0x65: {  	_ =	shalt  }
0x66: {  	_ =	shalt  }
0x67: {  	_ =	shalt  }
0x68: {  	_ =	shalt  }
0x69: {  	_ =	shalt  }
0x6a: {  	_ =	shalt  }
0x6b: {  	_ =	shalt  }
0x6c: {  	_ =	shalt  }
0x6d: {  	_ =	shalt  }
0x6e: {  	_ =	shalt  }
0x6f: {  	_ =	shalt  }
0x70: {  	_ =	shalt  }
0x71: {  	_ =	shalt  }
0x72: {  	_ =	shalt  }
0x73: {  	_ =	shalt  }
0x74: {  	_ =	shalt  }
0x75: {  	_ =	shalt  }
0x76: {  	_ =	shalt  }
0x77: {  	_ =	shalt  }
0x78: {  	_ =	shalt  }
0x79: {  	_ =	shalt  }
0x7a: {  	_ =	shalt  }
0x7b: {  	_ =	shalt  }
0x7c: {  	_ =	shalt  }
0x7d: {  	_ =	shalt  }
0x7e: {  	_ =	shalt  }
0x7f: {  	_ =	shalt  }
0x80: {  	_ =	shalt  }
0x81: {  	_ =	shalt  }
0x82: {  	_ =	shalt  }
0x83: {  	_ =	shalt  }
0x84: {  	_ =	shalt  }
0x85: {  	_ =	shalt  }
0x86: {  	_ =	shalt  }
0x87: {  	_ =	shalt  }
.Lfunc_end0:
.L_simem_size_0:
called_computation.2_lowered:
.L_overlay_start_0:
0x88: {  	s2 =	sld [smem:$0x3FD9]  }
0x89: {  	s3 =	sld [smem:$0x3FFE];
	_ =	sdelay $0x1  }
0x8a: {  	s1 =	srdreg.scid  }
0x8b: {  	s0 =	sand.u32 $0x1, s1  }
0x8c: {  	s16 =	sshll.u32 s0, $0xA;
	s2 =	sadd.s32 s3, s2  }
0x8d: {  	s2 =	sadd.s32 s2, s16  }
0x8e: {  	[smem:$0x3FBE] =	sst s2  }
0x8f: {  	_ = 	snop  }
0x90: {  	(tm) =	ssettm $0x1  }
0x91: {  	s17 =	sld [smem:$0x3FFB];
	_ =	sdelay $0x3  }
0x92: {  	_ =	strace s17  }
0x93: {  	s2 =	sld [smem:$0x3FFC];
	_ =	sdelay $0x3  }
0x94: {  	_ =	strace s2  }
0x95: {  	s2 =	sld [smem:$0x3FFD];
	_ =	sdelay $0x3  }
0x96: {  	_ =	strace s2  }
0x97: {  	_ =	strace $0x8FFFFFFF  }
0x98: {  	s18 =	sld [smem:$0x3FDB];
	_ =	sdelay $0x1  }
0x99: {  	s19 =	simm.s32 $_scs_section_size  }
0x9a: {  	s4 =	simm.s32 $_size__tile_overlayer_lowered;
	s5 =	simm.s32 $_tile_overlayer_lowered  }
0x9b: {  	s22 =	simm.s32 $0x1BFF;
	s21 =	sshll.u32 s5, $0x1;
	s2 =	sadd.s32 s19, s18  }
0x9c: {  	s6 =	simm.s32 $0x0;
	s20 =	sshll.u32 s4, $0x1;
	s4 =	sadd.s32 s21, s2  }
0x9d: {  	[timem:s6], [sflag:s22] =	dma.local [hbm:s4], s20  }
0x9e: {  	_ =	swait.ge [sflag:s22], s20  }
0x9f: {  	s3 =	ssub.s32 $0x0, s20;
	[sflag:s22] =	ssyncset.done $0x0  }
0xa0: {  	[sflag:s22] =	ssyncadd.s32 s3;
	_ =	sdelay $0x1  }
0xa1: {  	s23 =	simm.s32 $0x1B8B  }
0xa2: {  	_ =	swait.ge [sflag:s23], $0x1  }
0xa3: {  	[sflag:s23] =	ssyncset.done $0x0  }
0xa4: {  	s25 =	simm.s32 $0x1B8E;
	s24 =	sld [smem:$0x3FFE];
	[sflag:s23] =	ssyncadd.s32 $0xFFFFFFFF  }
0xa5: {  	s26 =	simm.s32 $execute0_lowered;
	[smem:$0x3FD2] =	sst s25  }
0xa6: {  	s4 =	sshll.u32 s26, $0x1;
	_ =	strace $0x8000004C;
	[dreg:$0x1] =	wrdreg $0xFFFFFFFF  }
0xa7: {  	s28 =	simm.s32 $_size_execute0_lowered;
	s2 =	sadd.s32 s2, s4;
	[dreg:$0x0] =	wrdreg $0x0  }
0xa8: {  	s4 =	sshll.u32 s28, $0x1;
	[dreg:$0x2] =	wrdreg s2  }
0xa9: {  	[dreg:$0x3] =	wrdreg s4  }
0xaa: {  	[dreg:$0x4] =	wrdreg $0xC0  }
0xab: {  	_ =	task [dreg:s6], $0x5FFFF  }
0xac: {  	[dreg:$0x1] =	wrdreg $0xFFFFFFFF  }
0xad: {  	[dreg:$0x0] =	wrdreg $0x60  }
0xae: {  	[dreg:$0x2] =	wrdreg s24  }
0xaf: {  	[dreg:$0x3] =	wrdreg $0x108000  }
0xb0: {  	[dreg:$0x4] =	wrdreg $0x9  }
0xb1: {  	_ =	task.clear_ibuf [dreg:s6], $0x5FFFF;
	_ =	strace $0x9000004C  }
0xb2: {  	s29 =	simm.s32 $0x9;
	_ =	strace $0x8000004E  }
0xb3: {  	_ =	swait.ge [sflag:s29], $0x1  }
0xb4: {  	[sflag:s29] =	ssyncadd.s32 $0xFFFFFFFF  }
0xb5: {  	_ =	strace $0x9000004E  }
0xb6: {  	_ =	sfence  }
0xb7: {  	s30 =	sld [smem:$0x0];
	_ =	sdelay $0x2  }
0xb8: {  	s31 =	sshll.u32 s1, $0xD;
	s1 =	sshrl.u32 s1, $0x2  }
0xb9: {  	s3 =	sand.u32 $0x4000, s31;
	s1 =	sadd.s32 s1, s30  }
0xba: {  	s0 =	sor.u32 s3, s0;
	s1 =	sshll.u32 s1, $0x11  }
0xbb: {  	s0 =	sor.u32 s1, s0  }
0xbc: {  	s0 =	sadd.s32 $0x8F2B, s0  }
0xbd: {  	[sflag:s0] =	ssyncadd.remote.s32 $0x1  }
0xbe: {  	_ =	sfence.sel $0xFFFF  }
0xbf: {  	[dreg:$0x0] =	wrdreg $0xFFFFFFFF;
	(pc) =	sbr.abs _section_cstart, $3  }
0xc0: {  	[dreg:$0x1] =	wrdreg $0xFFFFFFFF  }
0xc1: {  	_ =	task.clear_ibuf [dreg:s6], $0x2FFFF;
	_ =	strace $0x9FFFFFFF  }
0xc2: {  	(tm) =	ssettm $0x7FFFFFFF  }
0xc3: {  	_ =	shalt  }
tec
execute0_lowered:
.L_overlay_start_1:
0x0: {  	(tag) =	ssettag $0x1  }
0x1: {  	s0 =	srdreg.scid;
	s1 =	rddreg [dreg:$0x0]  }
0x2: {  	s9 =	stileid.u32;
	s2 =	rddreg [dreg:$0x1];
	s3 =	simm.s32 $0x0  }
0x3: {  	s11 =	simm.s32 $0x400;
	s12 =	simm.s32 $0x80;
	s13 =	simm.s32 $0x800  }
0x4: {  	s14 =	simm.s32 $0x4800;
	s15 =	simm.s32 $0x100;
	s16 =	simm.s32 $0x8800  }
0x5: {  	s17 =	simm.s32 $0x180;
	s18 =	simm.s32 $0xC800;
	s19 =	simm.s32 $0x1  }
0x6: {  	s28 =	simm.s32 $0x4;
	s29 =	simm.s32 $0x580;
	s5 =	smul.u32 $0x5000, s9  }
0x7: {  	s30 =	simm.s32 $0x380;
	s31 =	simm.s32 $0x600;
	s20 =	smul.u32 $0x1400, s9  }
0x8: {  	s0 =	sand.u32 $0x1, s0;
	[smem:$0x7FF] =	sst s3;
	s21 =	smul.u32 $0x28000, s9  }
0x9: {  	s10 =	sadd.s32 $0x18200, s1;
	s24 =	sshll.u32 s9, $0x6;
	s4 =	smul.u32 $0x50000, s0  }
0xa: {  	_ =	strace $0x8000004D;
	s7 =	smul.u32 $0x14000, s0;
	s0 =	ssub.s32 $0x2, s0  }
0xb: {  	[dreg:$0x5] =	wrdreg s10;
	s10 =	simm.s32 $0x5;
	s22 =	sshrl.u32 s0, $0x1  }
0xc: {  	s4 =	sadd.s32 s5, s4;
	s5 =	sadd.s32 s20, s7;
	s0 =	ssub.s32 s0, s22  }
0xd: {  	s20 =	simm.s32 $0x200;
	s22 =	simm.s32 $0x480;
	s7 =	simm.s32 $0x0  }
0xe: {  	s6 =	sshrl.u32 s4, $0x3;
	s4 =	sadd.s32 $0x19600, s1;
	s0 =	smax.u32 s0, $0x1  }
0xf: {  	s8 =	sadd.s32 s6, s1;
	s1 =	sadd.s32 s5, s1;
	s6 =	sshrl.u32 s21, $0x2  }
0x10: {  	[dreg:$0x7] =	wrdreg s0;
	s21 =	simm.s32 $0x2;
	s0 =	simm.s32 $0x700  }
0x11: {  	s5 =	simm.s32 $0x780;
	s23 =	sadd.s32 s6, s2;
	s1 =	sadd.s32 $0x55600, s1  }
0x12: {  	s6 =	sor.u32 $0x1C05, s24;
	s25 =	sadd.s32 $0x3200, s8;
	[dreg:$0x6] =	wrdreg s1  }
0x13: {  	s26 =	sadd.s32 $0x41600, s8;
	s24 =	simm.s32 $0x3;
	[dreg:$0x3] =	wrdreg s25  }
0x14: {  	s8 =	smov.u32 s6;
	[dreg:$0x4] =	wrdreg s26;
	s9 =	sshrl.u32 s23, $0x3  }
0x15: {  	s23 =	simm.s32 $0x280;
	s25 =	simm.s32 $0x500;
	[dreg:$0x8] =	wrdreg s8  }
0x16: {  	s26 =	simm.s32 $0x300;
	s1 =	simm.s32 $0x680;
	[dreg:$0x9] =	wrdreg s9  }
.LBB2_1:
0x17: {  	s6 =	rddreg [dreg:$0x5]  }
0x18: {  	[spmem:s9], [sflag:s8] =	dma.local [hbm:s6], $0x1400  }
0x19: {  	_ =	swait.ge [sflag:s10], $0x1400  }
0x1a: {  	[sflag:s10] =	ssyncset.done $0x0  }
0x1b: {  	[sflag:s10] =	ssyncadd.s32 $0xFFFFEC00  }
0x1c: {  	s8 =	simm.s32 $0x0;
	[bflag:$0x0] =	sbarrier.arrive $0xFFFF  }
.LBB2_2:
0x1d: {  	s6 =	rddreg [dreg:$0x4]  }
0x1e: {  	s6 =	sadd.s32 s8, s6  }
0x1f: {  	[tilespmem:s3], [sflag:$0x5] =	stream.linear.gather [hbm4b:s6+s3], $0x400, $0x38;
	[tilespmem:$0x1A800] =	vst v63  }
0x20: {  	_ =	swait.ge [sflag:s10], $0x400  }
0x21: {  	s9 =	rddreg [dreg:$0x3];
	[sflag:s10] =	ssyncset.done $0x0  }
0x22: {  	[sflag:s10] =	ssyncadd.s32 $0xFFFFFC00;
	s6 =	sadd.s32 s8, s9  }
0x23: {  	[tilespmem:s11], [sflag:$0x5] =	stream.linear.gather [hbm4b:s6+s3], $0x400, $0x38;
	[tilespmem:$0x1A800] =	vst v63  }
0x24: {  	_ =	swait.ge [sflag:s10], $0x400  }
0x25: {  	[sflag:s10] =	ssyncset.done $0x0  }
0x26: {  	[sflag:s10] =	ssyncadd.s32 $0xFFFFFC00;
	(ifvalue) =	ssetifvalue $0xFFFFFFFF  }
0x27: {  	(ifvalue) =	ssetifvalue $0xFFFFFFFF  }
0x28: {  	[tilespmem:s13], [sflag:$0x1] =	stream.indirect.gather [hbm4b:s4+s12], $0x80, s3, s12, $0x40b8;
	[tilespmem:$0x1A800] =	vst v63  }
0x29: {  	(ifvalue) =	ssetifvalue $0xFFFFFFFF  }
0x2a: {  	(ifvalue) =	ssetifvalue $0xFFFFFFFF  }
0x2b: {  	[tilespmem:s14], [sflag:$0x2] =	stream.indirect.gather [hbm4b:s4+s12], $0x80, s12, s12, $0x40b8;
	[tilespmem:$0x1A800] =	vst v63  }
0x2c: {  	(ifvalue) =	ssetifvalue $0xFFFFFFFF  }
0x2d: {  	(ifvalue) =	ssetifvalue $0xFFFFFFFF  }
0x2e: {  	[tilespmem:s16], [sflag:$0x3] =	stream.indirect.gather [hbm4b:s4+s12], $0x80, s15, s12, $0x40b8;
	[tilespmem:$0x1A800] =	vst v63  }
0x2f: {  	(ifvalue) =	ssetifvalue $0xFFFFFFFF  }
0x30: {  	(ifvalue) =	ssetifvalue $0xFFFFFFFF  }
0x31: {  	[tilespmem:s18], [sflag:$0x4] =	stream.indirect.gather [hbm4b:s4+s12], $0x80, s17, s12, $0x40b8;
	[tilespmem:$0x1A800] =	vst v63  }
0x32: {  	_ =	swait.ge [sflag:s19], $0x4000  }
0x33: {  	[sflag:s19] =	ssyncset.done $0x0  }
0x34: {  	[sflag:s19] =	ssyncadd.s32 $0xFFFFC000;
	(ifvalue) =	ssetifvalue $0xFFFFFFFF  }
0x35: {  	[spmem:s2] =	stream.indirect.scatter.add.f32 [tilespmem:s13], [sflag:$0x5], $0x80, s11, s12, $0x40b8;
	[tilespmem:$0x1A800] =	vst v63  }
0x36: {  	_ =	swait.ge [sflag:s10], $0x4000  }
0x37: {  	[sflag:s10] =	ssyncset.done $0x0  }
0x38: {  	[sflag:s10] =	ssyncadd.s32 $0xFFFFC000;
	(ifvalue) =	ssetifvalue $0xFFFFFFFF  }
0x39: {  	(ifvalue) =	ssetifvalue $0xFFFFFFFF  }
0x3a: {  	[tilespmem:s13], [sflag:$0x1] =	stream.indirect.gather [hbm4b:s4+s12], $0x80, s20, s12, $0x40b8;
	[tilespmem:$0x1A800] =	vst v63  }
0x3b: {  	_ =	swait.ge [sflag:s21], $0x4000  }
0x3c: {  	[sflag:s21] =	ssyncset.done $0x0  }
0x3d: {  	[sflag:s21] =	ssyncadd.s32 $0xFFFFC000;
	(ifvalue) =	ssetifvalue $0xFFFFFFFF  }
0x3e: {  	[spmem:s2] =	stream.indirect.scatter.add.f32 [tilespmem:s14], [sflag:$0x5], $0x80, s22, s12, $0x40b8;
	[tilespmem:$0x1A800] =	vst v63  }
0x3f: {  	_ =	swait.ge [sflag:s10], $0x4000  }
0x40: {  	[sflag:s10] =	ssyncset.done $0x0  }
0x41: {  	[sflag:s10] =	ssyncadd.s32 $0xFFFFC000;
	(ifvalue) =	ssetifvalue $0xFFFFFFFF  }
0x42: {  	(ifvalue) =	ssetifvalue $0xFFFFFFFF  }
0x43: {  	[tilespmem:s14], [sflag:$0x2] =	stream.indirect.gather [hbm4b:s4+s12], $0x80, s23, s12, $0x40b8;
	[tilespmem:$0x1A800] =	vst v63  }
0x44: {  	_ =	swait.ge [sflag:s24], $0x4000  }
0x45: {  	[sflag:s24] =	ssyncset.done $0x0  }
0x46: {  	[sflag:s24] =	ssyncadd.s32 $0xFFFFC000;
	(ifvalue) =	ssetifvalue $0xFFFFFFFF  }
0x47: {  	[spmem:s2] =	stream.indirect.scatter.add.f32 [tilespmem:s16], [sflag:$0x5], $0x80, s25, s12, $0x40b8;
	[tilespmem:$0x1A800] =	vst v63  }
0x48: {  	_ =	swait.ge [sflag:s10], $0x4000  }
0x49: {  	[sflag:s10] =	ssyncset.done $0x0  }
0x4a: {  	[sflag:s10] =	ssyncadd.s32 $0xFFFFC000;
	(ifvalue) =	ssetifvalue $0xFFFFFFFF  }
0x4b: {  	(ifvalue) =	ssetifvalue $0xFFFFFFFF  }
0x4c: {  	[tilespmem:s16], [sflag:$0x3] =	stream.indirect.gather [hbm4b:s4+s12], $0x80, s26, s12, $0x40b8;
	[tilespmem:$0x1A800] =	vst v63  }
0x4d: {  	_ =	swait.ge [sflag:s28], $0x4000  }
0x4e: {  	[sflag:s28] =	ssyncset.done $0x0  }
0x4f: {  	[sflag:s28] =	ssyncadd.s32 $0xFFFFC000;
	(ifvalue) =	ssetifvalue $0xFFFFFFFF  }
0x50: {  	[spmem:s2] =	stream.indirect.scatter.add.f32 [tilespmem:s18], [sflag:$0x5], $0x80, s29, s12, $0x40b8;
	[tilespmem:$0x1A800] =	vst v63  }
0x51: {  	_ =	swait.ge [sflag:s10], $0x4000  }
0x52: {  	[sflag:s10] =	ssyncset.done $0x0  }
0x53: {  	[sflag:s10] =	ssyncadd.s32 $0xFFFFC000;
	(ifvalue) =	ssetifvalue $0xFFFFFFFF  }
0x54: {  	(ifvalue) =	ssetifvalue $0xFFFFFFFF  }
0x55: {  	[tilespmem:s18], [sflag:$0x4] =	stream.indirect.gather [hbm4b:s4+s12], $0x80, s30, s12, $0x40b8;
	[tilespmem:$0x1A800] =	vst v63  }
0x56: {  	_ =	swait.ge [sflag:s19], $0x4000  }
0x57: {  	[sflag:s19] =	ssyncset.done $0x0  }
0x58: {  	[sflag:s19] =	ssyncadd.s32 $0xFFFFC000;
	(ifvalue) =	ssetifvalue $0xFFFFFFFF  }
0x59: {  	[spmem:s2] =	stream.indirect.scatter.add.f32 [tilespmem:s13], [sflag:$0x5], $0x80, s31, s12, $0x40b8;
	[tilespmem:$0x1A800] =	vst v63  }
0x5a: {  	_ =	swait.ge [sflag:s10], $0x4000  }
0x5b: {  	[sflag:s10] =	ssyncset.done $0x0  }
0x5c: {  	[sflag:s10] =	ssyncadd.s32 $0xFFFFC000  }
0x5d: {  	_ =	swait.ge [sflag:s21], $0x4000  }
0x5e: {  	[sflag:s21] =	ssyncset.done $0x0  }
0x5f: {  	[sflag:s21] =	ssyncadd.s32 $0xFFFFC000;
	(ifvalue) =	ssetifvalue $0xFFFFFFFF  }
0x60: {  	[spmem:s2] =	stream.indirect.scatter.add.f32 [tilespmem:s14], [sflag:$0x5], $0x80, s1, s12, $0x40b8;
	[tilespmem:$0x1A800] =	vst v63  }
0x61: {  	_ =	swait.ge [sflag:s10], $0x4000  }
0x62: {  	[sflag:s10] =	ssyncset.done $0x0  }
0x63: {  	[sflag:s10] =	ssyncadd.s32 $0xFFFFC000  }
0x64: {  	_ =	swait.ge [sflag:s24], $0x4000  }
0x65: {  	[sflag:s24] =	ssyncset.done $0x0  }
0x66: {  	[sflag:s24] =	ssyncadd.s32 $0xFFFFC000;
	(ifvalue) =	ssetifvalue $0xFFFFFFFF  }
0x67: {  	[spmem:s2] =	stream.indirect.scatter.add.f32 [tilespmem:s16], [sflag:$0x5], $0x80, s0, s12, $0x40b8;
	[tilespmem:$0x1A800] =	vst v63  }
0x68: {  	_ =	swait.ge [sflag:s10], $0x4000  }
0x69: {  	[sflag:s10] =	ssyncset.done $0x0  }
0x6a: {  	[sflag:s10] =	ssyncadd.s32 $0xFFFFC000  }
0x6b: {  	_ =	swait.ge [sflag:s28], $0x4000  }
0x6c: {  	p0 =	sne.s32 s8, $0x980;
	[sflag:s28] =	ssyncset.done $0x0  }
.Ltmp0:
0x6d: {  	[sflag:s28] =	ssyncadd.s32 $0xFFFFC000;
	(ifvalue) =	ssetifvalue $0xFFFFFFFF;
	(pc) =	sbr.rel @p0 .LBB2_2-.Ltmp0, $4  }
0x6e: {  	[spmem:s2] =	stream.indirect.scatter.add.f32 [tilespmem:s18], [sflag:$0x5], $0x80, s5, s12, $0x40b8;
	[tilespmem:$0x1A800] =	vst v63  }
0x6f: {  	_ =	swait.ge [sflag:s10], $0x4000  }
0x70: {  	[sflag:s10] =	ssyncset.done $0x0  }
0x71: {  	s8 =	sadd.s32 $0x80, s8;
	[sflag:s10] =	ssyncadd.s32 $0xFFFFC000  }
0x72: {  	[bflag:$0x0] =	sbarrier.arrive $0xFFFF  }
0x73: {  	s8 =	rddreg [dreg:$0x8]  }
0x74: {  	s6 =	rddreg [dreg:$0x6]  }
0x75: {  	s9 =	rddreg [dreg:$0x9]  }
0x76: {  	[hbm:s6], [sflag:s8] =	dma.local [spmem:s9], $0x1400  }
0x77: {  	_ =	swait.ge [sflag:s10], $0x1400  }
0x78: {  	s7 =	sadd.s32 $0x1, s7;
	s6 =	rddreg [dreg:$0x7]  }
0x79: {  	p0 =	sne.s32 s7, s6  }
.Ltmp1:
0x7a: {  	_ = 	snop;
	(pc) =	sbr.rel @p0 .LBB2_1-.Ltmp1, $3  }
0x7b: {  	_ =	sdelay $0x1  }
0x7c: {  	[sflag:s10] =	ssyncset.done $0x0  }
0x7d: {  	[sflag:s10] =	ssyncadd.s32 $0xFFFFEC00  }
0x7e: {  	_ =	sfence.sel $0x180000  }
0x7f: {  	[bflag:$0x0] =	sbarrier.arrive $0xFFFF  }
0x80: {  	_ =	strace $0x9000004D  }
0x81: {  	s0 =	stileid.u32;
	[bflag:$0x2] =	sbarrier.arrive $0xFFFF  }
0x82: {  	p0 =	sne.s32 s0, $0x0;
	s0 =	rddreg [dreg:$0x2]  }
0x83: {  	s0 =	sadd.s32 @!p0 $0x100000, s0  }
0x84: {  	[sflag:s0] =	ssyncadd.tile.s32 @!p0 $0x1;
	_ =	shalt  }
.Lfunc_end2:
_tile_overlayer_lowered:
.L_overlay_start_2:
0x85: {  	(tag) =	ssettag $0x2  }
0x86: {  	s0 =	rddreg [dreg:$0x0];
	s2 =	stileid.u32  }
0x87: {  	s1 =	rddreg [dreg:$0x1];
	p0 =	sne.s32 s2, $0x0  }
0x88: {  	s3 =	rddreg [dreg:$0x2];
	[bflag:$0x3] =	sbarrier.arrive $0xFFFF;
	s2 =	simm.s32 @!p0 $0x1C05  }
0x89: {  	[timem:s3], [sflag:s2] =	dma.local @!p0 [hbm:s0], s1  }
0x8a: {  	s0 =	simm.s32 @!p0 $0x5  }
0x8b: {  	_ =	swait.ge @!p0 [sflag:s0], s1  }
0x8c: {  	s1 =	ssub.s32 @!p0 $0x0, s1;
	[sflag:s0] =	ssyncset.done @!p0 $0x0  }
0x8d: {  	[sflag:s0] =	ssyncadd.s32 @!p0 s1  }
0x8e: {  	[bflag:$0x3] =	sbarrier.arrive $0xFFFF  }
0x8f: {  	_ =	shalt  }

// kernel: kernel.20.cloned.1.call-start
scs
__scs_entry_jumppad:
0x0: {  	(pc) =	sbr.rel $0x88, $3  }
0x1: {  	(tag) =	ssettag $0x0;
	lr =	simm.s32 $0x1  }
0x2: {  	[smem:$0x3F97] =	sst lr;
	_ =	strace $0xD0000000  }
0x3: {  	_ = 	snop  }
0x4: {  	_ = 	snop  }
0x5: {  	_ = 	snop  }
0x6: {  	_ = 	snop  }
0x7: {  	_ = 	snop  }
__scs_overlays_trampoline_lowered:
0x8: {  	[smem:$0x3FA6] =	sst s0  }
0x9: {  	[smem:$0x3FA7] =	sst s1  }
0xa: {  	[smem:$0x3FA8] =	sst s2  }
0xb: {  	[smem:$0x3FA9] =	sst s3  }
0xc: {  	[smem:$0x3FAA] =	sst s4  }
0xd: {  	[smem:$0x3FAB] =	sst s5  }
0xe: {  	[smem:$0x3FAC] =	sst s6  }
0xf: {  	[smem:$0x3FAD] =	sst s7  }
0x10: {  	[smem:$0x3FAE] =	sst s8  }
0x11: {  	[smem:$0x3FAF] =	sst s9;
	s0 =	simm.s32 @!p0 $0x0  }
0x12: {  	s1 =	sld [smem:$0x3F95];
	s0 =	simm.s32 @p0 $0x1  }
0x13: {  	[smem:$0x3FB0] =	sst s0;
	s0 =	simm.s32 @!p1 $0x0  }
0x14: {  	s2 =	sld [smem:$0x3F94];
	s0 =	simm.s32 @p1 $0x1  }
0x15: {  	[smem:$0x3FB1] =	sst s0;
	s0 =	simm.s32 @!p2 $0x0  }
0x16: {  	s3 =	sld [smem:$0x3FDB];
	s0 =	simm.s32 @p2 $0x1  }
0x17: {  	s4 =	simm.s32 $0x1BF5;
	[smem:$0x3FB3] =	sst s0  }
0x18: {  	s0 =	sld [smem:$0x3F96];
	_ =	swait.ge [sflag:s4], $0x0  }
0x19: {  	s7 =	sld [smem:$0x3F97]  }
0x1a: {  	s8 =	sadd.s32 $0xFFFFE003, lr  }
0x1b: {  	s9 =	sadd.s32 $0xFFFFFEF7, lr;
	s5 =	simm.s32 $0xFFFFFFFF;
	p2 =	slt.u32 s8, $0xFFFFF086  }
0x1c: {  	p1 =	slt.u32 s9, $0xF7A;
	s5 =	simm.s32 @!p2 $0x0  }
0x1d: {  	s5 =	simm.s32 @p1 $0x1;
	p0 =	seq.s32 s7, s2  }
0x1e: {  	s7 =	smul.u32 @!p0 $0xF7A, s2;
	p2 =	seq.s32 @!p0 s5, $0x0  }
0x1f: {  	s9 =	smul.u32 $0xF7A, s1;
	s8 =	simm.s32 @!p0 $0x1BF5;
	p2 =	por !p2, p0  }
0x20: {  	[sflag:s8] =	ssyncset.s32 @!p0 $0xFFFFF086;
	s6 =	sadd.s32 @!p0 s3, s7;
	s7 =	simm.s32 @!p0 $0x108  }
0x21: {  	s3 =	sadd.s32 s3, s9;
	s6 =	sadd.s32 @!p0 $0x88, s6;
	s7 =	simm.s32 @p2 $0x1082  }
0x22: {  	[simem:s7], [sflag:s8] =	dma.local @!p0 [hbm:s6], $0xF7A  }
0x23: {  	s9 =	sor.u32 $0xD0000000, s2;
	s6 =	simm.s32 $0x108;
	_ =	swait.ge @!p0 [sflag:s8], $0x0  }
0x24: {  	s3 =	sadd.s32 $0x88, s3;
	s6 =	simm.s32 @!p1 $0x1082;
	[sflag:s4] =	ssyncset.s32 $0xFFFFF086  }
0x25: {  	[simem:s6], [sflag:s4] =	dma.local [hbm:s3], $0xF7A  }
0x26: {  	[smem:$0x3F97] =	sst s1;
	(tag) =	ssettag s2;
	_ =	strace s9  }
0x27: {  	s1 =	sld [smem:$0x3FA7]  }
0x28: {  	s2 =	sld [smem:$0x3FA8]  }
0x29: {  	s4 =	sld [smem:$0x3FAA]  }
0x2a: {  	p0 =	seq.s32 s5, $0x0;
	s5 =	sld [smem:$0x3FAB]  }
0x2b: {  	s6 =	sld [smem:$0x3FAC]  }
0x2c: {  	s7 =	sld [smem:$0x3FAD]  }
0x2d: {  	s3 =	simm.s32 $0x108;
	s8 =	sld [smem:$0x3FAE]  }
0x2e: {  	s3 =	simm.s32 @!p0 $0x1082;
	s9 =	sld [smem:$0x3FAF]  }
0x2f: {  	lr =	sadd.s32 s0, s3;
	s0 =	sld [smem:$0x3FA6]  }
0x30: {  	s3 =	sld [smem:$0x3FA9]  }
0x31: {  	[smem:$0x3FB2] =	sst s10  }
0x32: {  	s10 =	sld [smem:$0x3FB0];
	_ =	sdelay $0x3  }
0x33: {  	p0 =	seq.s32 s10, $0x1;
	s10 =	sld [smem:$0x3FB2];
	_ =	sdelay $0x3  }
0x34: {  	[smem:$0x3FB2] =	sst s10  }
0x35: {  	s10 =	sld [smem:$0x3FB1];
	_ =	sdelay $0x3  }
0x36: {  	p1 =	seq.s32 s10, $0x1;
	s10 =	sld [smem:$0x3FB2];
	_ =	sdelay $0x3  }
0x37: {  	[smem:$0x3FB2] =	sst s10  }
0x38: {  	s10 =	sld [smem:$0x3FB3]  }
0x39: {  	_ = 	snop;
	(pc) =	sbr.ind lr, $3  }
0x3a: {  	_ = 	snop  }
0x3b: {  	_ = 	snop  }
0x3c: {  	p2 =	seq.s32 s10, $0x1;
	s10 =	sld [smem:$0x3FB2]  }
0x3d: {  	_ =	shalt  }
0x3e: {  	_ =	shalt  }
0x3f: {  	_ =	shalt  }
0x40: {  	_ =	shalt  }
0x41: {  	_ =	shalt  }
0x42: {  	_ =	shalt  }
0x43: {  	_ =	shalt  }
0x44: {  	_ =	shalt  }
0x45: {  	_ =	shalt  }
0x46: {  	_ =	shalt  }
0x47: {  	_ =	shalt  }
0x48: {  	_ =	shalt  }
0x49: {  	_ =	shalt  }
0x4a: {  	_ =	shalt  }
0x4b: {  	_ =	shalt  }
0x4c: {  	_ =	shalt  }
0x4d: {  	_ =	shalt  }
0x4e: {  	_ =	shalt  }
0x4f: {  	_ =	shalt  }
0x50: {  	_ =	shalt  }
0x51: {  	_ =	shalt  }
0x52: {  	_ =	shalt  }
0x53: {  	_ =	shalt  }
0x54: {  	_ =	shalt  }
0x55: {  	_ =	shalt  }
0x56: {  	_ =	shalt  }
0x57: {  	_ =	shalt  }
0x58: {  	_ =	shalt  }
0x59: {  	_ =	shalt  }
0x5a: {  	_ =	shalt  }
0x5b: {  	_ =	shalt  }
0x5c: {  	_ =	shalt  }
0x5d: {  	_ =	shalt  }
0x5e: {  	_ =	shalt  }
0x5f: {  	_ =	shalt  }
0x60: {  	_ =	shalt  }
0x61: {  	_ =	shalt  }
0x62: {  	_ =	shalt  }
0x63: {  	_ =	shalt  }
0x64: {  	_ =	shalt  }
0x65: {  	_ =	shalt  }
0x66: {  	_ =	shalt  }
0x67: {  	_ =	shalt  }
0x68: {  	_ =	shalt  }
0x69: {  	_ =	shalt  }
0x6a: {  	_ =	shalt  }
0x6b: {  	_ =	shalt  }
0x6c: {  	_ =	shalt  }
0x6d: {  	_ =	shalt  }
0x6e: {  	_ =	shalt  }
0x6f: {  	_ =	shalt  }
0x70: {  	_ =	shalt  }
0x71: {  	_ =	shalt  }
0x72: {  	_ =	shalt  }
0x73: {  	_ =	shalt  }
0x74: {  	_ =	shalt  }
0x75: {  	_ =	shalt  }
0x76: {  	_ =	shalt  }
0x77: {  	_ =	shalt  }
0x78: {  	_ =	shalt  }
0x79: {  	_ =	shalt  }
0x7a: {  	_ =	shalt  }
0x7b: {  	_ =	shalt  }
0x7c: {  	_ =	shalt  }
0x7d: {  	_ =	shalt  }
0x7e: {  	_ =	shalt  }
0x7f: {  	_ =	shalt  }
0x80: {  	_ =	shalt  }
0x81: {  	_ =	shalt  }
0x82: {  	_ =	shalt  }
0x83: {  	_ =	shalt  }
0x84: {  	_ =	shalt  }
0x85: {  	_ =	shalt  }
0x86: {  	_ =	shalt  }
0x87: {  	_ =	shalt  }
.Lfunc_end0:
.L_simem_size_0:
called_computation.3_lowered:
.L_overlay_start_0:
0x88: {  	s2 =	sld [smem:$0x3FD9]  }
0x89: {  	s3 =	sld [smem:$0x3FFE];
	_ =	sdelay $0x1  }
0x8a: {  	s1 =	srdreg.scid  }
0x8b: {  	s0 =	sand.u32 $0x1, s1  }
0x8c: {  	s16 =	sshll.u32 s0, $0xA;
	s2 =	sadd.s32 s3, s2  }
0x8d: {  	s2 =	sadd.s32 s2, s16  }
0x8e: {  	[smem:$0x3FBE] =	sst s2  }
0x8f: {  	_ = 	snop  }
0x90: {  	(tm) =	ssettm $0x1  }
0x91: {  	s17 =	sld [smem:$0x3FFB];
	_ =	sdelay $0x3  }
0x92: {  	_ =	strace s17  }
0x93: {  	s2 =	sld [smem:$0x3FFC];
	_ =	sdelay $0x3  }
0x94: {  	_ =	strace s2  }
0x95: {  	s2 =	sld [smem:$0x3FFD];
	_ =	sdelay $0x3  }
0x96: {  	_ =	strace s2  }
0x97: {  	_ =	strace $0x8FFFFFFF  }
0x98: {  	s18 =	sld [smem:$0x3FDB];
	_ =	sdelay $0x1  }
0x99: {  	s19 =	simm.s32 $_scs_section_size  }
0x9a: {  	s4 =	simm.s32 $_size__tile_overlayer_lowered;
	s5 =	simm.s32 $_tile_overlayer_lowered  }
0x9b: {  	s22 =	simm.s32 $0x1BFF;
	s21 =	sshll.u32 s5, $0x1;
	s2 =	sadd.s32 s19, s18  }
0x9c: {  	s6 =	simm.s32 $0x0;
	s20 =	sshll.u32 s4, $0x1;
	s4 =	sadd.s32 s21, s2  }
0x9d: {  	[timem:s6], [sflag:s22] =	dma.local [hbm:s4], s20  }
0x9e: {  	_ =	swait.ge [sflag:s22], s20  }
0x9f: {  	s3 =	ssub.s32 $0x0, s20;
	[sflag:s22] =	ssyncset.done $0x0  }
0xa0: {  	[sflag:s22] =	ssyncadd.s32 s3;
	_ =	sdelay $0x1  }
0xa1: {  	s23 =	simm.s32 $0x1B8B  }
0xa2: {  	_ =	swait.ge [sflag:s23], $0x1  }
0xa3: {  	[sflag:s23] =	ssyncset.done $0x0  }
0xa4: {  	s25 =	simm.s32 $0x1B8E;
	s24 =	sld [smem:$0x3FFE];
	[sflag:s23] =	ssyncadd.s32 $0xFFFFFFFF  }
0xa5: {  	s26 =	simm.s32 $execute0_lowered;
	[smem:$0x3FD2] =	sst s25  }
0xa6: {  	s4 =	sshll.u32 s26, $0x1;
	_ =	strace $0x8000004F;
	[dreg:$0x1] =	wrdreg $0xFFFFFFFF  }
0xa7: {  	s28 =	simm.s32 $_size_execute0_lowered;
	s2 =	sadd.s32 s2, s4;
	[dreg:$0x0] =	wrdreg $0x0  }
0xa8: {  	s4 =	sshll.u32 s28, $0x1;
	[dreg:$0x2] =	wrdreg s2  }
0xa9: {  	[dreg:$0x3] =	wrdreg s4  }
0xaa: {  	[dreg:$0x4] =	wrdreg $0xC0  }
0xab: {  	_ =	task [dreg:s6], $0x5FFFF  }
0xac: {  	[dreg:$0x1] =	wrdreg $0xFFFFFFFF  }
0xad: {  	[dreg:$0x0] =	wrdreg $0x60  }
0xae: {  	[dreg:$0x2] =	wrdreg s24  }
0xaf: {  	[dreg:$0x3] =	wrdreg $0x108000  }
0xb0: {  	[dreg:$0x4] =	wrdreg $0x9  }
0xb1: {  	_ =	task.clear_ibuf [dreg:s6], $0x5FFFF;
	_ =	strace $0x9000004F  }
0xb2: {  	s29 =	simm.s32 $0x9;
	_ =	strace $0x80000051  }
0xb3: {  	_ =	swait.ge [sflag:s29], $0x1  }
0xb4: {  	[sflag:s29] =	ssyncadd.s32 $0xFFFFFFFF  }
0xb5: {  	_ =	strace $0x90000051  }
0xb6: {  	_ =	sfence  }
0xb7: {  	s30 =	sld [smem:$0x0];
	_ =	sdelay $0x2  }
0xb8: {  	s31 =	sshll.u32 s1, $0xD;
	s1 =	sshrl.u32 s1, $0x2  }
0xb9: {  	s3 =	sand.u32 $0x4000, s31;
	s1 =	sadd.s32 s1, s30  }
0xba: {  	s0 =	sor.u32 s3, s0;
	s1 =	sshll.u32 s1, $0x11  }
0xbb: {  	s0 =	sor.u32 s1, s0  }
0xbc: {  	s0 =	sadd.s32 $0x8F2B, s0  }
0xbd: {  	[sflag:s0] =	ssyncadd.remote.s32 $0x1  }
0xbe: {  	_ =	sfence.sel $0xFFFF  }
0xbf: {  	[dreg:$0x0] =	wrdreg $0xFFFFFFFF;
	(pc) =	sbr.abs _section_cstart, $3  }
0xc0: {  	[dreg:$0x1] =	wrdreg $0xFFFFFFFF  }
0xc1: {  	_ =	task.clear_ibuf [dreg:s6], $0x2FFFF;
	_ =	strace $0x9FFFFFFF  }
0xc2: {  	(tm) =	ssettm $0x7FFFFFFF  }
0xc3: {  	_ =	shalt  }
tec
execute0_lowered:
.L_overlay_start_1:
0x0: {  	(tag) =	ssettag $0x1  }
0x1: {  	s0 =	srdreg.scid;
	s1 =	rddreg [dreg:$0x0]  }
0x2: {  	s9 =	stileid.u32;
	s2 =	rddreg [dreg:$0x1];
	s3 =	simm.s32 $0x0  }
0x3: {  	s11 =	simm.s32 $0x400;
	s12 =	simm.s32 $0x80;
	s13 =	simm.s32 $0x800  }
0x4: {  	s14 =	simm.s32 $0x4800;
	s15 =	simm.s32 $0x100;
	s16 =	simm.s32 $0x8800  }
0x5: {  	s17 =	simm.s32 $0x180;
	s18 =	simm.s32 $0xC800;
	s19 =	simm.s32 $0x1  }
0x6: {  	s28 =	simm.s32 $0x4;
	s29 =	simm.s32 $0x580;
	s5 =	smul.u32 $0x5000, s9  }
0x7: {  	s30 =	simm.s32 $0x380;
	s31 =	simm.s32 $0x600;
	s20 =	smul.u32 $0x1400, s9  }
0x8: {  	s0 =	sand.u32 $0x1, s0;
	[smem:$0x7FF] =	sst s3;
	s21 =	smul.u32 $0x28000, s9  }
0x9: {  	s10 =	sadd.s32 $0x18200, s1;
	s24 =	sshll.u32 s9, $0x6;
	s4 =	smul.u32 $0x50000, s0  }
0xa: {  	_ =	strace $0x80000050;
	s7 =	smul.u32 $0x14000, s0;
	s0 =	ssub.s32 $0x2, s0  }
0xb: {  	[dreg:$0x5] =	wrdreg s10;
	s10 =	simm.s32 $0x5;
	s22 =	sshrl.u32 s0, $0x1  }
0xc: {  	s4 =	sadd.s32 s5, s4;
	s5 =	sadd.s32 s20, s7;
	s0 =	ssub.s32 s0, s22  }
0xd: {  	s20 =	simm.s32 $0x200;
	s22 =	simm.s32 $0x480;
	s7 =	simm.s32 $0x0  }
0xe: {  	s6 =	sshrl.u32 s4, $0x3;
	s4 =	sadd.s32 $0x19600, s1;
	s0 =	smax.u32 s0, $0x1  }
0xf: {  	s8 =	sadd.s32 s6, s1;
	s1 =	sadd.s32 s5, s1;
	s6 =	sshrl.u32 s21, $0x2  }
0x10: {  	[dreg:$0x7] =	wrdreg s0;
	s21 =	simm.s32 $0x2;
	s0 =	simm.s32 $0x700  }
0x11: {  	s5 =	simm.s32 $0x780;
	s23 =	sadd.s32 s6, s2;
	s1 =	sadd.s32 $0x55600, s1  }
0x12: {  	s6 =	sor.u32 $0x1C05, s24;
	s25 =	sadd.s32 $0x3200, s8;
	[dreg:$0x6] =	wrdreg s1  }
0x13: {  	s26 =	sadd.s32 $0x41600, s8;
	s24 =	simm.s32 $0x3;
	[dreg:$0x3] =	wrdreg s25  }
0x14: {  	s8 =	smov.u32 s6;
	[dreg:$0x4] =	wrdreg s26;
	s9 =	sshrl.u32 s23, $0x3  }
0x15: {  	s23 =	simm.s32 $0x280;
	s25 =	simm.s32 $0x500;
	[dreg:$0x8] =	wrdreg s8  }
0x16: {  	s26 =	simm.s32 $0x300;
	s1 =	simm.s32 $0x680;
	[dreg:$0x9] =	wrdreg s9  }
.LBB2_1:
0x17: {  	s6 =	rddreg [dreg:$0x5]  }
0x18: {  	[spmem:s9], [sflag:s8] =	dma.local [hbm:s6], $0x1400  }
0x19: {  	_ =	swait.ge [sflag:s10], $0x1400  }
0x1a: {  	[sflag:s10] =	ssyncset.done $0x0  }
0x1b: {  	[sflag:s10] =	ssyncadd.s32 $0xFFFFEC00  }
0x1c: {  	s8 =	simm.s32 $0x0;
	[bflag:$0x0] =	sbarrier.arrive $0xFFFF  }
.LBB2_2:
0x1d: {  	s6 =	rddreg [dreg:$0x4]  }
0x1e: {  	s6 =	sadd.s32 s8, s6  }
0x1f: {  	[tilespmem:s3], [sflag:$0x5] =	stream.linear.gather [hbm4b:s6+s3], $0x400, $0x38;
	[tilespmem:$0x1A800] =	vst v63  }
0x20: {  	_ =	swait.ge [sflag:s10], $0x400  }
0x21: {  	s9 =	rddreg [dreg:$0x3];
	[sflag:s10] =	ssyncset.done $0x0  }
0x22: {  	[sflag:s10] =	ssyncadd.s32 $0xFFFFFC00;
	s6 =	sadd.s32 s8, s9  }
0x23: {  	[tilespmem:s11], [sflag:$0x5] =	stream.linear.gather [hbm4b:s6+s3], $0x400, $0x38;
	[tilespmem:$0x1A800] =	vst v63  }
0x24: {  	_ =	swait.ge [sflag:s10], $0x400  }
0x25: {  	[sflag:s10] =	ssyncset.done $0x0  }
0x26: {  	[sflag:s10] =	ssyncadd.s32 $0xFFFFFC00;
	(ifvalue) =	ssetifvalue $0xFFFFFFFF  }
0x27: {  	(ifvalue) =	ssetifvalue $0xFFFFFFFF  }
0x28: {  	[tilespmem:s13], [sflag:$0x1] =	stream.indirect.gather [hbm4b:s4+s12], $0x80, s3, s12, $0x40b8;
	[tilespmem:$0x1A800] =	vst v63  }
0x29: {  	(ifvalue) =	ssetifvalue $0xFFFFFFFF  }
0x2a: {  	(ifvalue) =	ssetifvalue $0xFFFFFFFF  }
0x2b: {  	[tilespmem:s14], [sflag:$0x2] =	stream.indirect.gather [hbm4b:s4+s12], $0x80, s12, s12, $0x40b8;
	[tilespmem:$0x1A800] =	vst v63  }
0x2c: {  	(ifvalue) =	ssetifvalue $0xFFFFFFFF  }
0x2d: {  	(ifvalue) =	ssetifvalue $0xFFFFFFFF  }
0x2e: {  	[tilespmem:s16], [sflag:$0x3] =	stream.indirect.gather [hbm4b:s4+s12], $0x80, s15, s12, $0x40b8;
	[tilespmem:$0x1A800] =	vst v63  }
0x2f: {  	(ifvalue) =	ssetifvalue $0xFFFFFFFF  }
0x30: {  	(ifvalue) =	ssetifvalue $0xFFFFFFFF  }
0x31: {  	[tilespmem:s18], [sflag:$0x4] =	stream.indirect.gather [hbm4b:s4+s12], $0x80, s17, s12, $0x40b8;
	[tilespmem:$0x1A800] =	vst v63  }
0x32: {  	_ =	swait.ge [sflag:s19], $0x4000  }
0x33: {  	[sflag:s19] =	ssyncset.done $0x0  }
0x34: {  	[sflag:s19] =	ssyncadd.s32 $0xFFFFC000;
	(ifvalue) =	ssetifvalue $0xFFFFFFFF  }
0x35: {  	[spmem:s2] =	stream.indirect.scatter.add.f32 [tilespmem:s13], [sflag:$0x5], $0x80, s11, s12, $0x40b8;
	[tilespmem:$0x1A800] =	vst v63  }
0x36: {  	_ =	swait.ge [sflag:s10], $0x4000  }
0x37: {  	[sflag:s10] =	ssyncset.done $0x0  }
0x38: {  	[sflag:s10] =	ssyncadd.s32 $0xFFFFC000;
	(ifvalue) =	ssetifvalue $0xFFFFFFFF  }
0x39: {  	(ifvalue) =	ssetifvalue $0xFFFFFFFF  }
0x3a: {  	[tilespmem:s13], [sflag:$0x1] =	stream.indirect.gather [hbm4b:s4+s12], $0x80, s20, s12, $0x40b8;
	[tilespmem:$0x1A800] =	vst v63  }
0x3b: {  	_ =	swait.ge [sflag:s21], $0x4000  }
0x3c: {  	[sflag:s21] =	ssyncset.done $0x0  }
0x3d: {  	[sflag:s21] =	ssyncadd.s32 $0xFFFFC000;
	(ifvalue) =	ssetifvalue $0xFFFFFFFF  }
0x3e: {  	[spmem:s2] =	stream.indirect.scatter.add.f32 [tilespmem:s14], [sflag:$0x5], $0x80, s22, s12, $0x40b8;
	[tilespmem:$0x1A800] =	vst v63  }
0x3f: {  	_ =	swait.ge [sflag:s10], $0x4000  }
0x40: {  	[sflag:s10] =	ssyncset.done $0x0  }
0x41: {  	[sflag:s10] =	ssyncadd.s32 $0xFFFFC000;
	(ifvalue) =	ssetifvalue $0xFFFFFFFF  }
0x42: {  	(ifvalue) =	ssetifvalue $0xFFFFFFFF  }
0x43: {  	[tilespmem:s14], [sflag:$0x2] =	stream.indirect.gather [hbm4b:s4+s12], $0x80, s23, s12, $0x40b8;
	[tilespmem:$0x1A800] =	vst v63  }
0x44: {  	_ =	swait.ge [sflag:s24], $0x4000  }
0x45: {  	[sflag:s24] =	ssyncset.done $0x0  }
0x46: {  	[sflag:s24] =	ssyncadd.s32 $0xFFFFC000;
	(ifvalue) =	ssetifvalue $0xFFFFFFFF  }
0x47: {  	[spmem:s2] =	stream.indirect.scatter.add.f32 [tilespmem:s16], [sflag:$0x5], $0x80, s25, s12, $0x40b8;
	[tilespmem:$0x1A800] =	vst v63  }
0x48: {  	_ =	swait.ge [sflag:s10], $0x4000  }
0x49: {  	[sflag:s10] =	ssyncset.done $0x0  }
0x4a: {  	[sflag:s10] =	ssyncadd.s32 $0xFFFFC000;
	(ifvalue) =	ssetifvalue $0xFFFFFFFF  }
0x4b: {  	(ifvalue) =	ssetifvalue $0xFFFFFFFF  }
0x4c: {  	[tilespmem:s16], [sflag:$0x3] =	stream.indirect.gather [hbm4b:s4+s12], $0x80, s26, s12, $0x40b8;
	[tilespmem:$0x1A800] =	vst v63  }
0x4d: {  	_ =	swait.ge [sflag:s28], $0x4000  }
0x4e: {  	[sflag:s28] =	ssyncset.done $0x0  }
0x4f: {  	[sflag:s28] =	ssyncadd.s32 $0xFFFFC000;
	(ifvalue) =	ssetifvalue $0xFFFFFFFF  }
0x50: {  	[spmem:s2] =	stream.indirect.scatter.add.f32 [tilespmem:s18], [sflag:$0x5], $0x80, s29, s12, $0x40b8;
	[tilespmem:$0x1A800] =	vst v63  }
0x51: {  	_ =	swait.ge [sflag:s10], $0x4000  }
0x52: {  	[sflag:s10] =	ssyncset.done $0x0  }
0x53: {  	[sflag:s10] =	ssyncadd.s32 $0xFFFFC000;
	(ifvalue) =	ssetifvalue $0xFFFFFFFF  }
0x54: {  	(ifvalue) =	ssetifvalue $0xFFFFFFFF  }
0x55: {  	[tilespmem:s18], [sflag:$0x4] =	stream.indirect.gather [hbm4b:s4+s12], $0x80, s30, s12, $0x40b8;
	[tilespmem:$0x1A800] =	vst v63  }
0x56: {  	_ =	swait.ge [sflag:s19], $0x4000  }
0x57: {  	[sflag:s19] =	ssyncset.done $0x0  }
0x58: {  	[sflag:s19] =	ssyncadd.s32 $0xFFFFC000;
	(ifvalue) =	ssetifvalue $0xFFFFFFFF  }
0x59: {  	[spmem:s2] =	stream.indirect.scatter.add.f32 [tilespmem:s13], [sflag:$0x5], $0x80, s31, s12, $0x40b8;
	[tilespmem:$0x1A800] =	vst v63  }
0x5a: {  	_ =	swait.ge [sflag:s10], $0x4000  }
0x5b: {  	[sflag:s10] =	ssyncset.done $0x0  }
0x5c: {  	[sflag:s10] =	ssyncadd.s32 $0xFFFFC000  }
0x5d: {  	_ =	swait.ge [sflag:s21], $0x4000  }
0x5e: {  	[sflag:s21] =	ssyncset.done $0x0  }
0x5f: {  	[sflag:s21] =	ssyncadd.s32 $0xFFFFC000;
	(ifvalue) =	ssetifvalue $0xFFFFFFFF  }
0x60: {  	[spmem:s2] =	stream.indirect.scatter.add.f32 [tilespmem:s14], [sflag:$0x5], $0x80, s1, s12, $0x40b8;
	[tilespmem:$0x1A800] =	vst v63  }
0x61: {  	_ =	swait.ge [sflag:s10], $0x4000  }
0x62: {  	[sflag:s10] =	ssyncset.done $0x0  }
0x63: {  	[sflag:s10] =	ssyncadd.s32 $0xFFFFC000  }
0x64: {  	_ =	swait.ge [sflag:s24], $0x4000  }
0x65: {  	[sflag:s24] =	ssyncset.done $0x0  }
0x66: {  	[sflag:s24] =	ssyncadd.s32 $0xFFFFC000;
	(ifvalue) =	ssetifvalue $0xFFFFFFFF  }
0x67: {  	[spmem:s2] =	stream.indirect.scatter.add.f32 [tilespmem:s16], [sflag:$0x5], $0x80, s0, s12, $0x40b8;
	[tilespmem:$0x1A800] =	vst v63  }
0x68: {  	_ =	swait.ge [sflag:s10], $0x4000  }
0x69: {  	[sflag:s10] =	ssyncset.done $0x0  }
0x6a: {  	[sflag:s10] =	ssyncadd.s32 $0xFFFFC000  }
0x6b: {  	_ =	swait.ge [sflag:s28], $0x4000  }
0x6c: {  	p0 =	sne.s32 s8, $0x980;
	[sflag:s28] =	ssyncset.done $0x0  }
.Ltmp0:
0x6d: {  	[sflag:s28] =	ssyncadd.s32 $0xFFFFC000;
	(ifvalue) =	ssetifvalue $0xFFFFFFFF;
	(pc) =	sbr.rel @p0 .LBB2_2-.Ltmp0, $4  }
0x6e: {  	[spmem:s2] =	stream.indirect.scatter.add.f32 [tilespmem:s18], [sflag:$0x5], $0x80, s5, s12, $0x40b8;
	[tilespmem:$0x1A800] =	vst v63  }
0x6f: {  	_ =	swait.ge [sflag:s10], $0x4000  }
0x70: {  	[sflag:s10] =	ssyncset.done $0x0  }
0x71: {  	s8 =	sadd.s32 $0x80, s8;
	[sflag:s10] =	ssyncadd.s32 $0xFFFFC000  }
0x72: {  	[bflag:$0x0] =	sbarrier.arrive $0xFFFF  }
0x73: {  	s8 =	rddreg [dreg:$0x8]  }
0x74: {  	s6 =	rddreg [dreg:$0x6]  }
0x75: {  	s9 =	rddreg [dreg:$0x9]  }
0x76: {  	[hbm:s6], [sflag:s8] =	dma.local [spmem:s9], $0x1400  }
0x77: {  	_ =	swait.ge [sflag:s10], $0x1400  }
0x78: {  	s7 =	sadd.s32 $0x1, s7;
	s6 =	rddreg [dreg:$0x7]  }
0x79: {  	p0 =	sne.s32 s7, s6  }
.Ltmp1:
0x7a: {  	_ = 	snop;
	(pc) =	sbr.rel @p0 .LBB2_1-.Ltmp1, $3  }
0x7b: {  	_ =	sdelay $0x1  }
0x7c: {  	[sflag:s10] =	ssyncset.done $0x0  }
0x7d: {  	[sflag:s10] =	ssyncadd.s32 $0xFFFFEC00  }
0x7e: {  	_ =	sfence.sel $0x180000  }
0x7f: {  	[bflag:$0x0] =	sbarrier.arrive $0xFFFF  }
0x80: {  	_ =	strace $0x90000050  }
0x81: {  	s0 =	stileid.u32;
	[bflag:$0x2] =	sbarrier.arrive $0xFFFF  }
0x82: {  	p0 =	sne.s32 s0, $0x0;
	s0 =	rddreg [dreg:$0x2]  }
0x83: {  	s0 =	sadd.s32 @!p0 $0x100000, s0  }
0x84: {  	[sflag:s0] =	ssyncadd.tile.s32 @!p0 $0x1;
	_ =	shalt  }
.Lfunc_end2:
_tile_overlayer_lowered:
.L_overlay_start_2:
0x85: {  	(tag) =	ssettag $0x2  }
0x86: {  	s0 =	rddreg [dreg:$0x0];
	s2 =	stileid.u32  }
0x87: {  	s1 =	rddreg [dreg:$0x1];
	p0 =	sne.s32 s2, $0x0  }
0x88: {  	s3 =	rddreg [dreg:$0x2];
	[bflag:$0x3] =	sbarrier.arrive $0xFFFF;
	s2 =	simm.s32 @!p0 $0x1C05  }
0x89: {  	[timem:s3], [sflag:s2] =	dma.local @!p0 [hbm:s0], s1  }
0x8a: {  	s0 =	simm.s32 @!p0 $0x5  }
0x8b: {  	_ =	swait.ge @!p0 [sflag:s0], s1  }
0x8c: {  	s1 =	ssub.s32 @!p0 $0x0, s1;
	[sflag:s0] =	ssyncset.done @!p0 $0x0  }
0x8d: {  	[sflag:s0] =	ssyncadd.s32 @!p0 s1  }
0x8e: {  	[bflag:$0x3] =	sbarrier.arrive $0xFFFF  }
0x8f: {  	_ =	shalt  }

</sc_bundles>
